<compile_context>
chip_gen: v7x
topology: tpu7x:2x2x1
jax: 0.10.2.dev20260603
libtpu: 0.0.44.dev20260713+nightly
codegen_flags: <defaults>
</compile_context>

<pallas_src>
import functools

import jax
import jax.numpy as jnp
from jax import lax
from jax.experimental import pallas as pl
from jax.experimental.pallas import tpu as pltpu
from jax.experimental.pallas import tpu_sc as plsc

N = 10000
E = 320000
D = 128

NC = 2
NS = 16
NW = NC * NS

BATCH = 128
NB = 81
NPAIR = NB // 2
EPT = NB * BATCH
EPAD = NW * EPT

NA = 10240
RPT = NA // NS
DEGW = 16

_MESH = dict(core_axis_name="c", subcore_axis_name="s", num_cores=NC,
             num_subcores=NS)

_CHUNKS = [(j * BATCH, min(BATCH, RPT - j * BATCH))
           for j in range((RPT + BATCH - 1) // BATCH)]



def _sc_degree(dstp, ones16, zeros16):

  @functools.partial(
      pl.kernel,
      out_type=jax.ShapeDtypeStruct((NC * NA, DEGW), jnp.float32),
      mesh=plsc.VectorSubcoreMesh(**_MESH),
      scratch_types=[
          pltpu.VMEM_SHARED((NA, DEGW), jnp.float32),
          pltpu.VMEM((BATCH,), jnp.int32),
          pltpu.VMEM((BATCH,), jnp.int32),
          pltpu.VMEM((BATCH, DEGW), jnp.float32),
          pltpu.VMEM((BATCH, DEGW), jnp.float32),
          pltpu.SemaphoreType.DMA,
          pltpu.SemaphoreType.DMA,
      ],
  )
  def k(dst_hbm, ones_hbm, z_hbm, out_hbm, acc, didx0, didx1, ones_v, z_v,
        sem0, sem1):
    cid = lax.axis_index("c")
    sid = lax.axis_index("s")
    base = (cid * NS + sid) * EPT
    pltpu.sync_copy(ones_hbm, ones_v)
    pltpu.sync_copy(z_hbm, z_v)
    for o, n in _CHUNKS:
      pltpu.sync_copy(z_v.at[pl.ds(0, n)], acc.at[pl.ds(sid * RPT + o, n)])
    plsc.subcore_barrier()

    def issue(t_off, didx, sem):
      pltpu.async_copy(dst_hbm.at[pl.ds(t_off, BATCH)], didx, sem)

    def proc(t_off, didx, sem):
      pltpu.make_async_copy(dst_hbm.at[pl.ds(t_off, BATCH)], didx, sem).wait()
      pltpu.sync_copy(ones_v, acc.at[didx], add=True)

    issue(base, didx0, sem0)

    def pair(i, carry):
      o = base + 2 * i * BATCH
      issue(o + BATCH, didx1, sem1)
      proc(o, didx0, sem0)
      issue(o + 2 * BATCH, didx0, sem0)
      proc(o + BATCH, didx1, sem1)
      return carry

    lax.fori_loop(0, NPAIR, pair, 0)
    proc(base + (NB - 1) * BATCH, didx0, sem0)
    plsc.subcore_barrier()
    for o, n in _CHUNKS:
      r0 = sid * RPT + o
      pltpu.sync_copy(acc.at[pl.ds(r0, n)],
                      out_hbm.at[pl.ds(cid * NA + r0, n)])

  return k(dstp, ones16, zeros16).reshape(NC, NA, DEGW)


def _sc_propagate(g, srcp, dstp, zeros128):

  @functools.partial(
      pl.kernel,
      out_type=jax.ShapeDtypeStruct((NC * NA, D), jnp.float32),
      mesh=plsc.VectorSubcoreMesh(**_MESH),
      scratch_types=[
          pltpu.VMEM_SHARED((NA, D), jnp.float32),
          pltpu.VMEM((EPT,), jnp.int32),
          pltpu.VMEM((BATCH,), jnp.int32),
          pltpu.VMEM((BATCH,), jnp.int32),
          pltpu.VMEM((BATCH, D), jnp.float32),
          pltpu.VMEM((BATCH, D), jnp.float32),
          pltpu.SemaphoreType.DMA,
          pltpu.SemaphoreType.DMA,
          pltpu.SemaphoreType.DMA,
          pltpu.SemaphoreType.DMA,
      ],
  )
  def k(g_hbm, src_hbm, dst_hbm, z_hbm, out_hbm, acc, sidxs,
        didx0, didx1, rows0, rows1, sem0, sem1, dsem0, dsem1):
    cid = lax.axis_index("c")
    sid = lax.axis_index("s")
    wid = cid * NS + sid
    base = wid * EPT
    pltpu.sync_copy(src_hbm.at[pl.ds(base, EPT)], sidxs)
    pltpu.sync_copy(z_hbm, rows0)
    for o, n in _CHUNKS:
      pltpu.sync_copy(rows0.at[pl.ds(0, n)], acc.at[pl.ds(sid * RPT + o, n)])
    plsc.subcore_barrier()

    def issue(t, didx, rows, sem, dsem):
      pltpu.async_copy(g_hbm.at[sidxs.at[pl.ds(t * BATCH, BATCH)]], rows, sem)
      pltpu.async_copy(dst_hbm.at[pl.ds(base + t * BATCH, BATCH)], didx, dsem)

    def proc(t, didx, rows, sem, dsem):
      pltpu.make_async_copy(
          dst_hbm.at[pl.ds(base + t * BATCH, BATCH)], didx, dsem).wait()
      pltpu.make_async_copy(
          g_hbm.at[sidxs.at[pl.ds(t * BATCH, BATCH)]], rows, sem).wait()
      pltpu.sync_copy(rows, acc.at[didx], add=True)

    issue(0, didx0, rows0, sem0, dsem0)

    def pair(i, carry):
      t = 2 * i
      issue(t + 1, didx1, rows1, sem1, dsem1)
      proc(t, didx0, rows0, sem0, dsem0)
      issue(t + 2, didx0, rows0, sem0, dsem0)
      proc(t + 1, didx1, rows1, sem1, dsem1)
      return carry

    lax.fori_loop(0, NPAIR, pair, 0)
    proc(NB - 1, didx0, rows0, sem0, dsem0)
    plsc.subcore_barrier()
    for o, n in _CHUNKS:
      r0 = sid * RPT + o
      pltpu.sync_copy(acc.at[pl.ds(r0, n)],
                      out_hbm.at[pl.ds(cid * NA + r0, n)])

  return k(g, srcp, dstp, zeros128).reshape(NC, NA, D)



_RB = 400


def _deg_col(dref):
  deg = dref[0] + dref[1]
  return deg[:, 0:1]


def _tc_scale(x, degp):
  def body(x_ref, d_ref, o_ref):
    o_ref[...] = x_ref[...] * lax.rsqrt(_deg_col(d_ref))

  return pl.pallas_call(
      body,
      grid=(N // _RB,),
      in_specs=[
          pl.BlockSpec((_RB, D), lambda i: (i, 0)),
          pl.BlockSpec((NC, _RB, DEGW), lambda i: (0, i, 0)),
      ],
      out_specs=pl.BlockSpec((_RB, D), lambda i: (i, 0)),
      out_shape=jax.ShapeDtypeStruct((N, D), jnp.float32),
  )(x, degp)


def _tc_combine(p, degp):
  def body(p_ref, d_ref, o_ref):
    o_ref[...] = (p_ref[0] + p_ref[1]) / _deg_col(d_ref)

  return pl.pallas_call(
      body,
      grid=(N // _RB,),
      in_specs=[
          pl.BlockSpec((NC, _RB, D), lambda i: (0, i, 0)),
          pl.BlockSpec((NC, _RB, DEGW), lambda i: (0, i, 0)),
      ],
      out_specs=pl.BlockSpec((_RB, D), lambda i: (i, 0)),
      out_shape=jax.ShapeDtypeStruct((N, D), jnp.float32),
  )(p, degp)


def _tc_final(q, degp, W, b2):
  def body(q_ref, d_ref, w_ref, b_ref, o_ref):
    h2 = (q_ref[0] + q_ref[1]) * lax.rsqrt(_deg_col(d_ref))
    o_ref[...] = lax.dot_general(
        h2, w_ref[...], (((1,), (1,)), ((), ())),
        preferred_element_type=jnp.float32) + b_ref[...]

  return pl.pallas_call(
      body,
      grid=(N // _RB,),
      in_specs=[
          pl.BlockSpec((NC, _RB, D), lambda i: (0, i, 0)),
          pl.BlockSpec((NC, _RB, DEGW), lambda i: (0, i, 0)),
          pl.BlockSpec((D, D), lambda i: (0, 0)),
          pl.BlockSpec((1, D), lambda i: (0, 0)),
      ],
      out_specs=pl.BlockSpec((_RB, D), lambda i: (i, 0)),
      out_shape=jax.ShapeDtypeStruct((N, D), jnp.float32),
  )(q, degp, W, b2)



def kernel(x, edge_index, W, b):
  src = edge_index[0]
  dst = edge_index[1]
  loop = jnp.arange(N, dtype=jnp.int32)
  pad = EPAD - (E + N)
  srcp = jnp.concatenate([src, loop, jnp.zeros((pad,), jnp.int32)])
  dstp = jnp.concatenate([dst, loop, jnp.full((pad,), N, jnp.int32)])

  zeros128 = jnp.zeros((BATCH, D), jnp.float32)
  zeros16 = jnp.zeros((BATCH, DEGW), jnp.float32)
  ones16 = jnp.ones((BATCH, DEGW), jnp.float32)

  degp = _sc_degree(dstp, ones16, zeros16)
  g0 = _tc_scale(x, degp)
  p = _sc_propagate(g0, srcp, dstp, zeros128)
  g1 = _tc_combine(p, degp)
  q = _sc_propagate(g1, srcp, dstp, zeros128)
  return _tc_final(q, degp, W, b.reshape(1, D))

# --- scband reference (transcript-rebuilt; emitter-appended) ---
"""Pipeline reference for scband-sgc-55688545960309 (READ-ONLY COPY).

The authoritative reference and input builder live on the scoring server;
editing this copy changes nothing except your own understanding.
"""

import jax, jax.numpy as jnp
import numpy as np

N = 10000
E = 320000
D_IN = 128
D_OUT = 128
K = 2


def setup_inputs(seed: int = 0) -> dict:
    key = jax.random.key(seed)
    k1, k2, k3 = jax.random.split(key, 3)
    x = jax.random.normal(k1, (N, D_IN), dtype=jnp.float32)
    edge_index = jax.random.randint(k2, (2, E), 0, N, dtype=jnp.int32)
    # SGConv's final linear layer parameters (lin: in_channels -> out_channels, bias=True)
    W = jax.random.normal(k3, (D_OUT, D_IN), dtype=jnp.float32) * (1.0 / np.sqrt(D_IN))
    b = jnp.zeros((D_OUT,), dtype=jnp.float32)
    return {"x": x, "edge_index": edge_index, "W": W, "b": b}


def reference(x, edge_index, W, b):
    # SGConv forward: K rounds of GCN-normalized propagation, then linear.
    n = x.shape[0]
    loop = jnp.arange(n, dtype=edge_index.dtype)
    src = jnp.concatenate([edge_index[0], loop])
    dst = jnp.concatenate([edge_index[1], loop])
    ew = jnp.ones(src.shape[0], dtype=x.dtype)
    # gcn_norm: degree computed on destination (col) with added self-loops
    deg = jnp.zeros((n,), dtype=x.dtype).at[dst].add(ew)
    deg_inv_sqrt = jnp.where(deg > 0, deg ** -0.5, 0.0)
    norm = deg_inv_sqrt[src] * ew * deg_inv_sqrt[dst]
    h = x
    for _ in range(K):
        msgs = norm[:, None] * h[src]          # gather (memory-bound)
        h = jax.ops.segment_sum(msgs, dst, num_segments=n)  # scatter-add
    out = h @ W.T + b
    return out

if __name__ == "__main__":
    import jax
    _d = setup_inputs()
    print(jax.jit(kernel)(*tuple(_d.values())))

</pallas_src>

<mosaic_0001>
#map = affine_map<(d0, d1) -> (0)>
#map1 = affine_map<(d0, d1) -> (0, 0)>
module attributes {stable_mosaic.version = 14 : i64} {
  func.func @k(%arg0: i32, %arg1: i32, %arg2: memref<331776xi32, #tpu.memory_space<hbm>>, %arg3: memref<128x16xf32, #tpu.memory_space<hbm>>, %arg4: memref<128x16xf32, #tpu.memory_space<hbm>>, %arg5: memref<20480x16xf32, #tpu.memory_space<hbm>>, %arg6: memref<10240x16xf32, #tpu.memory_space<vmem_shared>>, %arg7: memref<128xi32, #tpu.memory_space<vmem>>, %arg8: memref<128xi32, #tpu.memory_space<vmem>>, %arg9: memref<128x16xf32, #tpu.memory_space<vmem>>, %arg10: memref<128x16xf32, #tpu.memory_space<vmem>>, %arg11: memref<!tpu.dma_semaphore, #tpu.memory_space<semaphore_mem>>, %arg12: memref<!tpu.dma_semaphore, #tpu.memory_space<semaphore_mem>>) attributes {dimension_semantics = [#tpu.dimension_semantics<core_parallel>, #tpu.dimension_semantics<subcore_parallel>], iteration_bounds = array<i64: 2, 16>, scalar_prefetch = 0 : i64, scratch_operands = 7 : i64, tpu.core_type = #tpu.core_type<sc_vector_subcore>, window_params = [{transform_indices = #map}, {transform_indices = #map1}, {transform_indices = #map1}, {transform_indices = #map1}]} {
    %mul3A = arith.constant 16 : i32
    %mul3A_0 = arith.muli %arg0, %mul3A : i32
    %add3A = arith.addi %mul3A_0, %arg1 : i32
    %mul3A_1 = arith.constant 10368 : i32
    %mul3A_2 = arith.muli %add3A, %mul3A_1 : i32
    "tpu.region"() ({
      %run_scoped3A = tpu.sem_alloc : memref<!tpu.dma_semaphore, #tpu.memory_space<semaphore_mem>>
      tpu.enqueue_dma source(%arg3 : memref<128x16xf32, #tpu.memory_space<hbm>>) target(%arg9 : memref<128x16xf32, #tpu.memory_space<vmem>>) target_semaphore(%run_scoped3A : memref<!tpu.dma_semaphore, #tpu.memory_space<semaphore_mem>>)
      tpu.wait_dma2 semaphore(%run_scoped3A : memref<!tpu.dma_semaphore, #tpu.memory_space<semaphore_mem>>) src(%arg3 : memref<128x16xf32, #tpu.memory_space<hbm>>) dst(%arg9 : memref<128x16xf32, #tpu.memory_space<vmem>>)
      tpu.yield
    }) : () -> ()
    "tpu.region"() ({
      %run_scoped3A = tpu.sem_alloc : memref<!tpu.dma_semaphore, #tpu.memory_space<semaphore_mem>>
      tpu.enqueue_dma source(%arg4 : memref<128x16xf32, #tpu.memory_space<hbm>>) target(%arg10 : memref<128x16xf32, #tpu.memory_space<vmem>>) target_semaphore(%run_scoped3A : memref<!tpu.dma_semaphore, #tpu.memory_space<semaphore_mem>>)
      tpu.wait_dma2 semaphore(%run_scoped3A : memref<!tpu.dma_semaphore, #tpu.memory_space<semaphore_mem>>) src(%arg4 : memref<128x16xf32, #tpu.memory_space<hbm>>) dst(%arg10 : memref<128x16xf32, #tpu.memory_space<vmem>>)
      tpu.yield
    }) : () -> ()
    %mul3A_3 = arith.constant 640 : i32
    %mul3A_4 = arith.muli %arg1, %mul3A_3 : i32
    %add3A_5 = arith.constant 0 : i32
    %add3A_6 = arith.addi %mul3A_4, %add3A_5 : i32
    "tpu.region"() ({
      %run_scoped3A = tpu.sem_alloc : memref<!tpu.dma_semaphore, #tpu.memory_space<semaphore_mem>>
      %dma_start3A_68 = arith.constant 0 : i32
      %dma_start3A_69 = arith.constant 0 : i32
      %dma_start3A_70 = tpu.memref_slice %arg10[%dma_start3A_68, %dma_start3A_69] : memref<128x16xf32, #tpu.memory_space<vmem>> -> memref<128x16xf32, #tpu.memory_space<vmem>>
      %dma_start3A_71 = arith.constant 0 : i32
      %dma_start3A_72 = tpu.memref_slice %arg6[%add3A_6, %dma_start3A_71] : memref<10240x16xf32, #tpu.memory_space<vmem_shared>> -> memref<128x16xf32, #tpu.memory_space<vmem_shared>>
      %dma_start3A_73 = arith.constant 0 : i32
      %dma_start3A_74 = tpu.memref_slice %arg6[%add3A_6, %dma_start3A_73] : memref<10240x16xf32, #tpu.memory_space<vmem_shared>> -> memref<128x16xf32, #tpu.memory_space<vmem_shared>>
      %dma_start3A_75 = arith.constant 0 : i32
      %dma_start3A_76 = arith.constant 0 : i32
      %dma_start3A_77 = tpu.memref_slice %arg10[%dma_start3A_75, %dma_start3A_76] : memref<128x16xf32, #tpu.memory_space<vmem>> -> memref<128x16xf32, #tpu.memory_space<vmem>>
      tpu.enqueue_dma source(%dma_start3A_77 : memref<128x16xf32, #tpu.memory_space<vmem>>) target(%dma_start3A_74 : memref<128x16xf32, #tpu.memory_space<vmem_shared>>) target_semaphore(%run_scoped3A : memref<!tpu.dma_semaphore, #tpu.memory_space<semaphore_mem>>)
      %dma_wait3A_78 = arith.constant 0 : i32
      %dma_wait3A_79 = arith.constant 0 : i32
      %dma_wait3A_80 = tpu.memref_slice %arg10[%dma_wait3A_78, %dma_wait3A_79] : memref<128x16xf32, #tpu.memory_space<vmem>> -> memref<128x16xf32, #tpu.memory_space<vmem>>
      %dma_wait3A_81 = arith.constant 0 : i32
      %dma_wait3A_82 = tpu.memref_slice %arg6[%add3A_6, %dma_wait3A_81] : memref<10240x16xf32, #tpu.memory_space<vmem_shared>> -> memref<128x16xf32, #tpu.memory_space<vmem_shared>>
      %dma_wait3A_83 = arith.constant 0 : i32
      %dma_wait3A_84 = tpu.memref_slice %arg6[%add3A_6, %dma_wait3A_83] : memref<10240x16xf32, #tpu.memory_space<vmem_shared>> -> memref<128x16xf32, #tpu.memory_space<vmem_shared>>
      %dma_wait3A_85 = arith.constant 0 : i32
      %dma_wait3A_86 = arith.constant 0 : i32
      %dma_wait3A_87 = tpu.memref_slice %arg10[%dma_wait3A_85, %dma_wait3A_86] : memref<128x16xf32, #tpu.memory_space<vmem>> -> memref<128x16xf32, #tpu.memory_space<vmem>>
      tpu.wait_dma2 semaphore(%run_scoped3A : memref<!tpu.dma_semaphore, #tpu.memory_space<semaphore_mem>>) src(%dma_wait3A_87 : memref<128x16xf32, #tpu.memory_space<vmem>>) dst(%dma_wait3A_84 : memref<128x16xf32, #tpu.memory_space<vmem_shared>>)
      tpu.yield
    }) : () -> ()
    %mul3A_7 = arith.constant 640 : i32
    %mul3A_8 = arith.muli %arg1, %mul3A_7 : i32
    %add3A_9 = arith.constant 128 : i32
    %add3A_10 = arith.addi %mul3A_8, %add3A_9 : i32
    "tpu.region"() ({
      %run_scoped3A = tpu.sem_alloc : memref<!tpu.dma_semaphore, #tpu.memory_space<semaphore_mem>>
      %dma_start3A_68 = arith.constant 0 : i32
      %dma_start3A_69 = arith.constant 0 : i32
      %dma_start3A_70 = tpu.memref_slice %arg10[%dma_start3A_68, %dma_start3A_69] : memref<128x16xf32, #tpu.memory_space<vmem>> -> memref<128x16xf32, #tpu.memory_space<vmem>>
      %dma_start3A_71 = arith.constant 0 : i32
      %dma_start3A_72 = tpu.memref_slice %arg6[%add3A_10, %dma_start3A_71] : memref<10240x16xf32, #tpu.memory_space<vmem_shared>> -> memref<128x16xf32, #tpu.memory_space<vmem_shared>>
      %dma_start3A_73 = arith.constant 0 : i32
      %dma_start3A_74 = tpu.memref_slice %arg6[%add3A_10, %dma_start3A_73] : memref<10240x16xf32, #tpu.memory_space<vmem_shared>> -> memref<128x16xf32, #tpu.memory_space<vmem_shared>>
      %dma_start3A_75 = arith.constant 0 : i32
      %dma_start3A_76 = arith.constant 0 : i32
      %dma_start3A_77 = tpu.memref_slice %arg10[%dma_start3A_75, %dma_start3A_76] : memref<128x16xf32, #tpu.memory_space<vmem>> -> memref<128x16xf32, #tpu.memory_space<vmem>>
      tpu.enqueue_dma source(%dma_start3A_77 : memref<128x16xf32, #tpu.memory_space<vmem>>) target(%dma_start3A_74 : memref<128x16xf32, #tpu.memory_space<vmem_shared>>) target_semaphore(%run_scoped3A : memref<!tpu.dma_semaphore, #tpu.memory_space<semaphore_mem>>)
      %dma_wait3A_78 = arith.constant 0 : i32
      %dma_wait3A_79 = arith.constant 0 : i32
      %dma_wait3A_80 = tpu.memref_slice %arg10[%dma_wait3A_78, %dma_wait3A_79] : memref<128x16xf32, #tpu.memory_space<vmem>> -> memref<128x16xf32, #tpu.memory_space<vmem>>
      %dma_wait3A_81 = arith.constant 0 : i32
      %dma_wait3A_82 = tpu.memref_slice %arg6[%add3A_10, %dma_wait3A_81] : memref<10240x16xf32, #tpu.memory_space<vmem_shared>> -> memref<128x16xf32, #tpu.memory_space<vmem_shared>>
      %dma_wait3A_83 = arith.constant 0 : i32
      %dma_wait3A_84 = tpu.memref_slice %arg6[%add3A_10, %dma_wait3A_83] : memref<10240x16xf32, #tpu.memory_space<vmem_shared>> -> memref<128x16xf32, #tpu.memory_space<vmem_shared>>
      %dma_wait3A_85 = arith.constant 0 : i32
      %dma_wait3A_86 = arith.constant 0 : i32
      %dma_wait3A_87 = tpu.memref_slice %arg10[%dma_wait3A_85, %dma_wait3A_86] : memref<128x16xf32, #tpu.memory_space<vmem>> -> memref<128x16xf32, #tpu.memory_space<vmem>>
      tpu.wait_dma2 semaphore(%run_scoped3A : memref<!tpu.dma_semaphore, #tpu.memory_space<semaphore_mem>>) src(%dma_wait3A_87 : memref<128x16xf32, #tpu.memory_space<vmem>>) dst(%dma_wait3A_84 : memref<128x16xf32, #tpu.memory_space<vmem_shared>>)
      tpu.yield
    }) : () -> ()
    %mul3A_11 = arith.constant 640 : i32
    %mul3A_12 = arith.muli %arg1, %mul3A_11 : i32
    %add3A_13 = arith.constant 256 : i32
    %add3A_14 = arith.addi %mul3A_12, %add3A_13 : i32
    "tpu.region"() ({
      %run_scoped3A = tpu.sem_alloc : memref<!tpu.dma_semaphore, #tpu.memory_space<semaphore_mem>>
      %dma_start3A_68 = arith.constant 0 : i32
      %dma_start3A_69 = arith.constant 0 : i32
      %dma_start3A_70 = tpu.memref_slice %arg10[%dma_start3A_68, %dma_start3A_69] : memref<128x16xf32, #tpu.memory_space<vmem>> -> memref<128x16xf32, #tpu.memory_space<vmem>>
      %dma_start3A_71 = arith.constant 0 : i32
      %dma_start3A_72 = tpu.memref_slice %arg6[%add3A_14, %dma_start3A_71] : memref<10240x16xf32, #tpu.memory_space<vmem_shared>> -> memref<128x16xf32, #tpu.memory_space<vmem_shared>>
      %dma_start3A_73 = arith.constant 0 : i32
      %dma_start3A_74 = tpu.memref_slice %arg6[%add3A_14, %dma_start3A_73] : memref<10240x16xf32, #tpu.memory_space<vmem_shared>> -> memref<128x16xf32, #tpu.memory_space<vmem_shared>>
      %dma_start3A_75 = arith.constant 0 : i32
      %dma_start3A_76 = arith.constant 0 : i32
      %dma_start3A_77 = tpu.memref_slice %arg10[%dma_start3A_75, %dma_start3A_76] : memref<128x16xf32, #tpu.memory_space<vmem>> -> memref<128x16xf32, #tpu.memory_space<vmem>>
      tpu.enqueue_dma source(%dma_start3A_77 : memref<128x16xf32, #tpu.memory_space<vmem>>) target(%dma_start3A_74 : memref<128x16xf32, #tpu.memory_space<vmem_shared>>) target_semaphore(%run_scoped3A : memref<!tpu.dma_semaphore, #tpu.memory_space<semaphore_mem>>)
      %dma_wait3A_78 = arith.constant 0 : i32
      %dma_wait3A_79 = arith.constant 0 : i32
      %dma_wait3A_80 = tpu.memref_slice %arg10[%dma_wait3A_78, %dma_wait3A_79] : memref<128x16xf32, #tpu.memory_space<vmem>> -> memref<128x16xf32, #tpu.memory_space<vmem>>
      %dma_wait3A_81 = arith.constant 0 : i32
      %dma_wait3A_82 = tpu.memref_slice %arg6[%add3A_14, %dma_wait3A_81] : memref<10240x16xf32, #tpu.memory_space<vmem_shared>> -> memref<128x16xf32, #tpu.memory_space<vmem_shared>>
      %dma_wait3A_83 = arith.constant 0 : i32
      %dma_wait3A_84 = tpu.memref_slice %arg6[%add3A_14, %dma_wait3A_83] : memref<10240x16xf32, #tpu.memory_space<vmem_shared>> -> memref<128x16xf32, #tpu.memory_space<vmem_shared>>
      %dma_wait3A_85 = arith.constant 0 : i32
      %dma_wait3A_86 = arith.constant 0 : i32
      %dma_wait3A_87 = tpu.memref_slice %arg10[%dma_wait3A_85, %dma_wait3A_86] : memref<128x16xf32, #tpu.memory_space<vmem>> -> memref<128x16xf32, #tpu.memory_space<vmem>>
      tpu.wait_dma2 semaphore(%run_scoped3A : memref<!tpu.dma_semaphore, #tpu.memory_space<semaphore_mem>>) src(%dma_wait3A_87 : memref<128x16xf32, #tpu.memory_space<vmem>>) dst(%dma_wait3A_84 : memref<128x16xf32, #tpu.memory_space<vmem_shared>>)
      tpu.yield
    }) : () -> ()
    %mul3A_15 = arith.constant 640 : i32
    %mul3A_16 = arith.muli %arg1, %mul3A_15 : i32
    %add3A_17 = arith.constant 384 : i32
    %add3A_18 = arith.addi %mul3A_16, %add3A_17 : i32
    "tpu.region"() ({
      %run_scoped3A = tpu.sem_alloc : memref<!tpu.dma_semaphore, #tpu.memory_space<semaphore_mem>>
      %dma_start3A_68 = arith.constant 0 : i32
      %dma_start3A_69 = arith.constant 0 : i32
      %dma_start3A_70 = tpu.memref_slice %arg10[%dma_start3A_68, %dma_start3A_69] : memref<128x16xf32, #tpu.memory_space<vmem>> -> memref<128x16xf32, #tpu.memory_space<vmem>>
      %dma_start3A_71 = arith.constant 0 : i32
      %dma_start3A_72 = tpu.memref_slice %arg6[%add3A_18, %dma_start3A_71] : memref<10240x16xf32, #tpu.memory_space<vmem_shared>> -> memref<128x16xf32, #tpu.memory_space<vmem_shared>>
      %dma_start3A_73 = arith.constant 0 : i32
      %dma_start3A_74 = tpu.memref_slice %arg6[%add3A_18, %dma_start3A_73] : memref<10240x16xf32, #tpu.memory_space<vmem_shared>> -> memref<128x16xf32, #tpu.memory_space<vmem_shared>>
      %dma_start3A_75 = arith.constant 0 : i32
      %dma_start3A_76 = arith.constant 0 : i32
      %dma_start3A_77 = tpu.memref_slice %arg10[%dma_start3A_75, %dma_start3A_76] : memref<128x16xf32, #tpu.memory_space<vmem>> -> memref<128x16xf32, #tpu.memory_space<vmem>>
      tpu.enqueue_dma source(%dma_start3A_77 : memref<128x16xf32, #tpu.memory_space<vmem>>) target(%dma_start3A_74 : memref<128x16xf32, #tpu.memory_space<vmem_shared>>) target_semaphore(%run_scoped3A : memref<!tpu.dma_semaphore, #tpu.memory_space<semaphore_mem>>)
      %dma_wait3A_78 = arith.constant 0 : i32
      %dma_wait3A_79 = arith.constant 0 : i32
      %dma_wait3A_80 = tpu.memref_slice %arg10[%dma_wait3A_78, %dma_wait3A_79] : memref<128x16xf32, #tpu.memory_space<vmem>> -> memref<128x16xf32, #tpu.memory_space<vmem>>
      %dma_wait3A_81 = arith.constant 0 : i32
      %dma_wait3A_82 = tpu.memref_slice %arg6[%add3A_18, %dma_wait3A_81] : memref<10240x16xf32, #tpu.memory_space<vmem_shared>> -> memref<128x16xf32, #tpu.memory_space<vmem_shared>>
      %dma_wait3A_83 = arith.constant 0 : i32
      %dma_wait3A_84 = tpu.memref_slice %arg6[%add3A_18, %dma_wait3A_83] : memref<10240x16xf32, #tpu.memory_space<vmem_shared>> -> memref<128x16xf32, #tpu.memory_space<vmem_shared>>
      %dma_wait3A_85 = arith.constant 0 : i32
      %dma_wait3A_86 = arith.constant 0 : i32
      %dma_wait3A_87 = tpu.memref_slice %arg10[%dma_wait3A_85, %dma_wait3A_86] : memref<128x16xf32, #tpu.memory_space<vmem>> -> memref<128x16xf32, #tpu.memory_space<vmem>>
      tpu.wait_dma2 semaphore(%run_scoped3A : memref<!tpu.dma_semaphore, #tpu.memory_space<semaphore_mem>>) src(%dma_wait3A_87 : memref<128x16xf32, #tpu.memory_space<vmem>>) dst(%dma_wait3A_84 : memref<128x16xf32, #tpu.memory_space<vmem_shared>>)
      tpu.yield
    }) : () -> ()
    %mul3A_19 = arith.constant 640 : i32
    %mul3A_20 = arith.muli %arg1, %mul3A_19 : i32
    %add3A_21 = arith.constant 512 : i32
    %add3A_22 = arith.addi %mul3A_20, %add3A_21 : i32
    "tpu.region"() ({
      %run_scoped3A = tpu.sem_alloc : memref<!tpu.dma_semaphore, #tpu.memory_space<semaphore_mem>>
      %dma_start3A_68 = arith.constant 0 : i32
      %dma_start3A_69 = arith.constant 0 : i32
      %dma_start3A_70 = tpu.memref_slice %arg10[%dma_start3A_68, %dma_start3A_69] : memref<128x16xf32, #tpu.memory_space<vmem>> -> memref<128x16xf32, #tpu.memory_space<vmem>>
      %dma_start3A_71 = arith.constant 0 : i32
      %dma_start3A_72 = tpu.memref_slice %arg6[%add3A_22, %dma_start3A_71] : memref<10240x16xf32, #tpu.memory_space<vmem_shared>> -> memref<128x16xf32, #tpu.memory_space<vmem_shared>>
      %dma_start3A_73 = arith.constant 0 : i32
      %dma_start3A_74 = tpu.memref_slice %arg6[%add3A_22, %dma_start3A_73] : memref<10240x16xf32, #tpu.memory_space<vmem_shared>> -> memref<128x16xf32, #tpu.memory_space<vmem_shared>>
      %dma_start3A_75 = arith.constant 0 : i32
      %dma_start3A_76 = arith.constant 0 : i32
      %dma_start3A_77 = tpu.memref_slice %arg10[%dma_start3A_75, %dma_start3A_76] : memref<128x16xf32, #tpu.memory_space<vmem>> -> memref<128x16xf32, #tpu.memory_space<vmem>>
      tpu.enqueue_dma source(%dma_start3A_77 : memref<128x16xf32, #tpu.memory_space<vmem>>) target(%dma_start3A_74 : memref<128x16xf32, #tpu.memory_space<vmem_shared>>) target_semaphore(%run_scoped3A : memref<!tpu.dma_semaphore, #tpu.memory_space<semaphore_mem>>)
      %dma_wait3A_78 = arith.constant 0 : i32
      %dma_wait3A_79 = arith.constant 0 : i32
      %dma_wait3A_80 = tpu.memref_slice %arg10[%dma_wait3A_78, %dma_wait3A_79] : memref<128x16xf32, #tpu.memory_space<vmem>> -> memref<128x16xf32, #tpu.memory_space<vmem>>
      %dma_wait3A_81 = arith.constant 0 : i32
      %dma_wait3A_82 = tpu.memref_slice %arg6[%add3A_22, %dma_wait3A_81] : memref<10240x16xf32, #tpu.memory_space<vmem_shared>> -> memref<128x16xf32, #tpu.memory_space<vmem_shared>>
      %dma_wait3A_83 = arith.constant 0 : i32
      %dma_wait3A_84 = tpu.memref_slice %arg6[%add3A_22, %dma_wait3A_83] : memref<10240x16xf32, #tpu.memory_space<vmem_shared>> -> memref<128x16xf32, #tpu.memory_space<vmem_shared>>
      %dma_wait3A_85 = arith.constant 0 : i32
      %dma_wait3A_86 = arith.constant 0 : i32
      %dma_wait3A_87 = tpu.memref_slice %arg10[%dma_wait3A_85, %dma_wait3A_86] : memref<128x16xf32, #tpu.memory_space<vmem>> -> memref<128x16xf32, #tpu.memory_space<vmem>>
      tpu.wait_dma2 semaphore(%run_scoped3A : memref<!tpu.dma_semaphore, #tpu.memory_space<semaphore_mem>>) src(%dma_wait3A_87 : memref<128x16xf32, #tpu.memory_space<vmem>>) dst(%dma_wait3A_84 : memref<128x16xf32, #tpu.memory_space<vmem_shared>>)
      tpu.yield
    }) : () -> ()
    %barrier3A = arith.constant 0 : index
    tpu.barrier barrier_id(%barrier3A)
    %dma_start3A = tpu.memref_slice %arg2[%mul3A_2] : memref<331776xi32, #tpu.memory_space<hbm>> -> memref<128xi32, #tpu.memory_space<hbm>>
    %dma_start3A_23 = tpu.memref_slice %arg2[%mul3A_2] : memref<331776xi32, #tpu.memory_space<hbm>> -> memref<128xi32, #tpu.memory_space<hbm>>
    tpu.enqueue_dma source(%dma_start3A_23 : memref<128xi32, #tpu.memory_space<hbm>>) target(%arg7 : memref<128xi32, #tpu.memory_space<vmem>>) target_semaphore(%arg11 : memref<!tpu.dma_semaphore, #tpu.memory_space<semaphore_mem>>)
    %scan3A = arith.constant 0 : i32
    %scan3A_24 = arith.constant 0 : i32
    %scan3A_25 = arith.constant 40 : i32
    %scan3A_26 = arith.addi %scan3A_24, %scan3A_25 : i32
    %scan3A_27 = arith.constant 1 : i32
    scf.for %scan3A_68 = %scan3A_24 to %scan3A_26 step %scan3A_27  : i32 {
      %mul3A_69 = arith.constant 2 : i32
      %mul3A_70 = arith.muli %mul3A_69, %scan3A_68 : i32
      %mul3A_71 = arith.constant 128 : i32
      %mul3A_72 = arith.muli %mul3A_70, %mul3A_71 : i32
      %add3A_73 = arith.addi %mul3A_2, %mul3A_72 : i32
      %add3A_74 = arith.constant 128 : i32
      %add3A_75 = arith.addi %add3A_73, %add3A_74 : i32
      %dma_start3A_76 = tpu.memref_slice %arg2[%add3A_75] : memref<331776xi32, #tpu.memory_space<hbm>> -> memref<128xi32, #tpu.memory_space<hbm>>
      %dma_start3A_77 = tpu.memref_slice %arg2[%add3A_75] : memref<331776xi32, #tpu.memory_space<hbm>> -> memref<128xi32, #tpu.memory_space<hbm>>
      tpu.enqueue_dma source(%dma_start3A_77 : memref<128xi32, #tpu.memory_space<hbm>>) target(%arg8 : memref<128xi32, #tpu.memory_space<vmem>>) target_semaphore(%arg12 : memref<!tpu.dma_semaphore, #tpu.memory_space<semaphore_mem>>)
      %dma_wait3A_78 = tpu.memref_slice %arg2[%add3A_73] : memref<331776xi32, #tpu.memory_space<hbm>> -> memref<128xi32, #tpu.memory_space<hbm>>
      %dma_wait3A_79 = tpu.memref_slice %arg2[%add3A_73] : memref<331776xi32, #tpu.memory_space<hbm>> -> memref<128xi32, #tpu.memory_space<hbm>>
      tpu.wait_dma2 semaphore(%arg11 : memref<!tpu.dma_semaphore, #tpu.memory_space<semaphore_mem>>) src(%dma_wait3A_79 : memref<128xi32, #tpu.memory_space<hbm>>) dst(%arg7 : memref<128xi32, #tpu.memory_space<vmem>>)
      "tpu.region"() ({
        %run_scoped3A = tpu.sem_alloc : memref<!tpu.dma_semaphore, #tpu.memory_space<semaphore_mem>>
        %dma_start3A_88 = arith.constant 0 : i32
        %dma_start3A_89 = arith.constant 0 : i32
        %dma_start3A_90 = tpu.memref_slice %arg6[%dma_start3A_88, %dma_start3A_89] : memref<10240x16xf32, #tpu.memory_space<vmem_shared>> -> memref<10240x16xf32, #tpu.memory_space<vmem_shared>>
        tpu.enqueue_indirect_dma source(%arg9 : memref<128x16xf32, #tpu.memory_space<vmem>>) target(%dma_start3A_90 : memref<10240x16xf32, #tpu.memory_space<vmem_shared>>) offsets(%arg7 : memref<128xi32, #tpu.memory_space<vmem>>) semaphore(%run_scoped3A : memref<!tpu.dma_semaphore, #tpu.memory_space<semaphore_mem>>) {add = true}
        %dma_wait3A_91 = arith.constant 0 : i32
        %dma_wait3A_92 = arith.constant 0 : i32
        %dma_wait3A_93 = tpu.memref_slice %arg6[%dma_wait3A_91, %dma_wait3A_92] : memref<10240x16xf32, #tpu.memory_space<vmem_shared>> -> memref<10240x16xf32, #tpu.memory_space<vmem_shared>>
        tpu.wait_indirect_dma semaphore(%run_scoped3A : memref<!tpu.dma_semaphore, #tpu.memory_space<semaphore_mem>>) src(%arg9 : memref<128x16xf32, #tpu.memory_space<vmem>>) dst(%dma_wait3A_93 : memref<10240x16xf32, #tpu.memory_space<vmem_shared>>)
        tpu.yield
      }) : () -> ()
      %add3A_80 = arith.constant 256 : i32
      %add3A_81 = arith.addi %add3A_73, %add3A_80 : i32
      %dma_start3A_82 = tpu.memref_slice %arg2[%add3A_81] : memref<331776xi32, #tpu.memory_space<hbm>> -> memref<128xi32, #tpu.memory_space<hbm>>
      %dma_start3A_83 = tpu.memref_slice %arg2[%add3A_81] : memref<331776xi32, #tpu.memory_space<hbm>> -> memref<128xi32, #tpu.memory_space<hbm>>
      tpu.enqueue_dma source(%dma_start3A_83 : memref<128xi32, #tpu.memory_space<hbm>>) target(%arg7 : memref<128xi32, #tpu.memory_space<vmem>>) target_semaphore(%arg11 : memref<!tpu.dma_semaphore, #tpu.memory_space<semaphore_mem>>)
      %add3A_84 = arith.constant 128 : i32
      %add3A_85 = arith.addi %add3A_73, %add3A_84 : i32
      %dma_wait3A_86 = tpu.memref_slice %arg2[%add3A_85] : memref<331776xi32, #tpu.memory_space<hbm>> -> memref<128xi32, #tpu.memory_space<hbm>>
      %dma_wait3A_87 = tpu.memref_slice %arg2[%add3A_85] : memref<331776xi32, #tpu.memory_space<hbm>> -> memref<128xi32, #tpu.memory_space<hbm>>
      tpu.wait_dma2 semaphore(%arg12 : memref<!tpu.dma_semaphore, #tpu.memory_space<semaphore_mem>>) src(%dma_wait3A_87 : memref<128xi32, #tpu.memory_space<hbm>>) dst(%arg8 : memref<128xi32, #tpu.memory_space<vmem>>)
      "tpu.region"() ({
        %run_scoped3A = tpu.sem_alloc : memref<!tpu.dma_semaphore, #tpu.memory_space<semaphore_mem>>
        %dma_start3A_88 = arith.constant 0 : i32
        %dma_start3A_89 = arith.constant 0 : i32
        %dma_start3A_90 = tpu.memref_slice %arg6[%dma_start3A_88, %dma_start3A_89] : memref<10240x16xf32, #tpu.memory_space<vmem_shared>> -> memref<10240x16xf32, #tpu.memory_space<vmem_shared>>
        tpu.enqueue_indirect_dma source(%arg9 : memref<128x16xf32, #tpu.memory_space<vmem>>) target(%dma_start3A_90 : memref<10240x16xf32, #tpu.memory_space<vmem_shared>>) offsets(%arg8 : memref<128xi32, #tpu.memory_space<vmem>>) semaphore(%run_scoped3A : memref<!tpu.dma_semaphore, #tpu.memory_space<semaphore_mem>>) {add = true}
        %dma_wait3A_91 = arith.constant 0 : i32
        %dma_wait3A_92 = arith.constant 0 : i32
        %dma_wait3A_93 = tpu.memref_slice %arg6[%dma_wait3A_91, %dma_wait3A_92] : memref<10240x16xf32, #tpu.memory_space<vmem_shared>> -> memref<10240x16xf32, #tpu.memory_space<vmem_shared>>
        tpu.wait_indirect_dma semaphore(%run_scoped3A : memref<!tpu.dma_semaphore, #tpu.memory_space<semaphore_mem>>) src(%arg9 : memref<128x16xf32, #tpu.memory_space<vmem>>) dst(%dma_wait3A_93 : memref<10240x16xf32, #tpu.memory_space<vmem_shared>>)
        tpu.yield
      }) : () -> ()
    }
    %scan3A_28 = arith.constant 40 : i32
    %add3A_29 = arith.constant 10240 : i32
    %add3A_30 = arith.addi %mul3A_2, %add3A_29 : i32
    %dma_wait3A = tpu.memref_slice %arg2[%add3A_30] : memref<331776xi32, #tpu.memory_space<hbm>> -> memref<128xi32, #tpu.memory_space<hbm>>
    %dma_wait3A_31 = tpu.memref_slice %arg2[%add3A_30] : memref<331776xi32, #tpu.memory_space<hbm>> -> memref<128xi32, #tpu.memory_space<hbm>>
    tpu.wait_dma2 semaphore(%arg11 : memref<!tpu.dma_semaphore, #tpu.memory_space<semaphore_mem>>) src(%dma_wait3A_31 : memref<128xi32, #tpu.memory_space<hbm>>) dst(%arg7 : memref<128xi32, #tpu.memory_space<vmem>>)
    "tpu.region"() ({
      %run_scoped3A = tpu.sem_alloc : memref<!tpu.dma_semaphore, #tpu.memory_space<semaphore_mem>>
      %dma_start3A_68 = arith.constant 0 : i32
      %dma_start3A_69 = arith.constant 0 : i32
      %dma_start3A_70 = tpu.memref_slice %arg6[%dma_start3A_68, %dma_start3A_69] : memref<10240x16xf32, #tpu.memory_space<vmem_shared>> -> memref<10240x16xf32, #tpu.memory_space<vmem_shared>>
      tpu.enqueue_indirect_dma source(%arg9 : memref<128x16xf32, #tpu.memory_space<vmem>>) target(%dma_start3A_70 : memref<10240x16xf32, #tpu.memory_space<vmem_shared>>) offsets(%arg7 : memref<128xi32, #tpu.memory_space<vmem>>) semaphore(%run_scoped3A : memref<!tpu.dma_semaphore, #tpu.memory_space<semaphore_mem>>) {add = true}
      %dma_wait3A_71 = arith.constant 0 : i32
      %dma_wait3A_72 = arith.constant 0 : i32
      %dma_wait3A_73 = tpu.memref_slice %arg6[%dma_wait3A_71, %dma_wait3A_72] : memref<10240x16xf32, #tpu.memory_space<vmem_shared>> -> memref<10240x16xf32, #tpu.memory_space<vmem_shared>>
      tpu.wait_indirect_dma semaphore(%run_scoped3A : memref<!tpu.dma_semaphore, #tpu.memory_space<semaphore_mem>>) src(%arg9 : memref<128x16xf32, #tpu.memory_space<vmem>>) dst(%dma_wait3A_73 : memref<10240x16xf32, #tpu.memory_space<vmem_shared>>)
      tpu.yield
    }) : () -> ()
    %barrier3A_32 = arith.constant 0 : index
    tpu.barrier barrier_id(%barrier3A_32)
    %mul3A_33 = arith.constant 640 : i32
    %mul3A_34 = arith.muli %arg1, %mul3A_33 : i32
    %add3A_35 = arith.constant 0 : i32
    %add3A_36 = arith.addi %mul3A_34, %add3A_35 : i32
    %mul3A_37 = arith.constant 10240 : i32
    %mul3A_38 = arith.muli %arg0, %mul3A_37 : i32
    %add3A_39 = arith.addi %mul3A_38, %add3A_36 : i32
    "tpu.region"() ({
      %run_scoped3A = tpu.sem_alloc : memref<!tpu.dma_semaphore, #tpu.memory_space<semaphore_mem>>
      %dma_start3A_68 = arith.constant 0 : i32
      %dma_start3A_69 = tpu.memref_slice %arg5[%add3A_39, %dma_start3A_68] : memref<20480x16xf32, #tpu.memory_space<hbm>> -> memref<128x16xf32, #tpu.memory_space<hbm>>
      %dma_start3A_70 = arith.constant 0 : i32
      %dma_start3A_71 = tpu.memref_slice %arg6[%add3A_36, %dma_start3A_70] : memref<10240x16xf32, #tpu.memory_space<vmem_shared>> -> memref<128x16xf32, #tpu.memory_space<vmem_shared>>
      tpu.enqueue_dma source(%dma_start3A_71 : memref<128x16xf32, #tpu.memory_space<vmem_shared>>) target(%dma_start3A_69 : memref<128x16xf32, #tpu.memory_space<hbm>>) target_semaphore(%run_scoped3A : memref<!tpu.dma_semaphore, #tpu.memory_space<semaphore_mem>>)
      %dma_wait3A_72 = arith.constant 0 : i32
      %dma_wait3A_73 = tpu.memref_slice %arg5[%add3A_39, %dma_wait3A_72] : memref<20480x16xf32, #tpu.memory_space<hbm>> -> memref<128x16xf32, #tpu.memory_space<hbm>>
      %dma_wait3A_74 = arith.constant 0 : i32
      %dma_wait3A_75 = tpu.memref_slice %arg6[%add3A_36, %dma_wait3A_74] : memref<10240x16xf32, #tpu.memory_space<vmem_shared>> -> memref<128x16xf32, #tpu.memory_space<vmem_shared>>
      tpu.wait_dma2 semaphore(%run_scoped3A : memref<!tpu.dma_semaphore, #tpu.memory_space<semaphore_mem>>) src(%dma_wait3A_75 : memref<128x16xf32, #tpu.memory_space<vmem_shared>>) dst(%dma_wait3A_73 : memref<128x16xf32, #tpu.memory_space<hbm>>)
      tpu.yield
    }) : () -> ()
    %mul3A_40 = arith.constant 640 : i32
    %mul3A_41 = arith.muli %arg1, %mul3A_40 : i32
    %add3A_42 = arith.constant 128 : i32
    %add3A_43 = arith.addi %mul3A_41, %add3A_42 : i32
    %mul3A_44 = arith.constant 10240 : i32
    %mul3A_45 = arith.muli %arg0, %mul3A_44 : i32
    %add3A_46 = arith.addi %mul3A_45, %add3A_43 : i32
    "tpu.region"() ({
      %run_scoped3A = tpu.sem_alloc : memref<!tpu.dma_semaphore, #tpu.memory_space<semaphore_mem>>
      %dma_start3A_68 = arith.constant 0 : i32
      %dma_start3A_69 = tpu.memref_slice %arg5[%add3A_46, %dma_start3A_68] : memref<20480x16xf32, #tpu.memory_space<hbm>> -> memref<128x16xf32, #tpu.memory_space<hbm>>
      %dma_start3A_70 = arith.constant 0 : i32
      %dma_start3A_71 = tpu.memref_slice %arg6[%add3A_43, %dma_start3A_70] : memref<10240x16xf32, #tpu.memory_space<vmem_shared>> -> memref<128x16xf32, #tpu.memory_space<vmem_shared>>
      tpu.enqueue_dma source(%dma_start3A_71 : memref<128x16xf32, #tpu.memory_space<vmem_shared>>) target(%dma_start3A_69 : memref<128x16xf32, #tpu.memory_space<hbm>>) target_semaphore(%run_scoped3A : memref<!tpu.dma_semaphore, #tpu.memory_space<semaphore_mem>>)
      %dma_wait3A_72 = arith.constant 0 : i32
      %dma_wait3A_73 = tpu.memref_slice %arg5[%add3A_46, %dma_wait3A_72] : memref<20480x16xf32, #tpu.memory_space<hbm>> -> memref<128x16xf32, #tpu.memory_space<hbm>>
      %dma_wait3A_74 = arith.constant 0 : i32
      %dma_wait3A_75 = tpu.memref_slice %arg6[%add3A_43, %dma_wait3A_74] : memref<10240x16xf32, #tpu.memory_space<vmem_shared>> -> memref<128x16xf32, #tpu.memory_space<vmem_shared>>
      tpu.wait_dma2 semaphore(%run_scoped3A : memref<!tpu.dma_semaphore, #tpu.memory_space<semaphore_mem>>) src(%dma_wait3A_75 : memref<128x16xf32, #tpu.memory_space<vmem_shared>>) dst(%dma_wait3A_73 : memref<128x16xf32, #tpu.memory_space<hbm>>)
      tpu.yield
    }) : () -> ()
    %mul3A_47 = arith.constant 640 : i32
    %mul3A_48 = arith.muli %arg1, %mul3A_47 : i32
    %add3A_49 = arith.constant 256 : i32
    %add3A_50 = arith.addi %mul3A_48, %add3A_49 : i32
    %mul3A_51 = arith.constant 10240 : i32
    %mul3A_52 = arith.muli %arg0, %mul3A_51 : i32
    %add3A_53 = arith.addi %mul3A_52, %add3A_50 : i32
    "tpu.region"() ({
      %run_scoped3A = tpu.sem_alloc : memref<!tpu.dma_semaphore, #tpu.memory_space<semaphore_mem>>
      %dma_start3A_68 = arith.constant 0 : i32
      %dma_start3A_69 = tpu.memref_slice %arg5[%add3A_53, %dma_start3A_68] : memref<20480x16xf32, #tpu.memory_space<hbm>> -> memref<128x16xf32, #tpu.memory_space<hbm>>
      %dma_start3A_70 = arith.constant 0 : i32
      %dma_start3A_71 = tpu.memref_slice %arg6[%add3A_50, %dma_start3A_70] : memref<10240x16xf32, #tpu.memory_space<vmem_shared>> -> memref<128x16xf32, #tpu.memory_space<vmem_shared>>
      tpu.enqueue_dma source(%dma_start3A_71 : memref<128x16xf32, #tpu.memory_space<vmem_shared>>) target(%dma_start3A_69 : memref<128x16xf32, #tpu.memory_space<hbm>>) target_semaphore(%run_scoped3A : memref<!tpu.dma_semaphore, #tpu.memory_space<semaphore_mem>>)
      %dma_wait3A_72 = arith.constant 0 : i32
      %dma_wait3A_73 = tpu.memref_slice %arg5[%add3A_53, %dma_wait3A_72] : memref<20480x16xf32, #tpu.memory_space<hbm>> -> memref<128x16xf32, #tpu.memory_space<hbm>>
      %dma_wait3A_74 = arith.constant 0 : i32
      %dma_wait3A_75 = tpu.memref_slice %arg6[%add3A_50, %dma_wait3A_74] : memref<10240x16xf32, #tpu.memory_space<vmem_shared>> -> memref<128x16xf32, #tpu.memory_space<vmem_shared>>
      tpu.wait_dma2 semaphore(%run_scoped3A : memref<!tpu.dma_semaphore, #tpu.memory_space<semaphore_mem>>) src(%dma_wait3A_75 : memref<128x16xf32, #tpu.memory_space<vmem_shared>>) dst(%dma_wait3A_73 : memref<128x16xf32, #tpu.memory_space<hbm>>)
      tpu.yield
    }) : () -> ()
    %mul3A_54 = arith.constant 640 : i32
    %mul3A_55 = arith.muli %arg1, %mul3A_54 : i32
    %add3A_56 = arith.constant 384 : i32
    %add3A_57 = arith.addi %mul3A_55, %add3A_56 : i32
    %mul3A_58 = arith.constant 10240 : i32
    %mul3A_59 = arith.muli %arg0, %mul3A_58 : i32
    %add3A_60 = arith.addi %mul3A_59, %add3A_57 : i32
    "tpu.region"() ({
      %run_scoped3A = tpu.sem_alloc : memref<!tpu.dma_semaphore, #tpu.memory_space<semaphore_mem>>
      %dma_start3A_68 = arith.constant 0 : i32
      %dma_start3A_69 = tpu.memref_slice %arg5[%add3A_60, %dma_start3A_68] : memref<20480x16xf32, #tpu.memory_space<hbm>> -> memref<128x16xf32, #tpu.memory_space<hbm>>
      %dma_start3A_70 = arith.constant 0 : i32
      %dma_start3A_71 = tpu.memref_slice %arg6[%add3A_57, %dma_start3A_70] : memref<10240x16xf32, #tpu.memory_space<vmem_shared>> -> memref<128x16xf32, #tpu.memory_space<vmem_shared>>
      tpu.enqueue_dma source(%dma_start3A_71 : memref<128x16xf32, #tpu.memory_space<vmem_shared>>) target(%dma_start3A_69 : memref<128x16xf32, #tpu.memory_space<hbm>>) target_semaphore(%run_scoped3A : memref<!tpu.dma_semaphore, #tpu.memory_space<semaphore_mem>>)
      %dma_wait3A_72 = arith.constant 0 : i32
      %dma_wait3A_73 = tpu.memref_slice %arg5[%add3A_60, %dma_wait3A_72] : memref<20480x16xf32, #tpu.memory_space<hbm>> -> memref<128x16xf32, #tpu.memory_space<hbm>>
      %dma_wait3A_74 = arith.constant 0 : i32
      %dma_wait3A_75 = tpu.memref_slice %arg6[%add3A_57, %dma_wait3A_74] : memref<10240x16xf32, #tpu.memory_space<vmem_shared>> -> memref<128x16xf32, #tpu.memory_space<vmem_shared>>
      tpu.wait_dma2 semaphore(%run_scoped3A : memref<!tpu.dma_semaphore, #tpu.memory_space<semaphore_mem>>) src(%dma_wait3A_75 : memref<128x16xf32, #tpu.memory_space<vmem_shared>>) dst(%dma_wait3A_73 : memref<128x16xf32, #tpu.memory_space<hbm>>)
      tpu.yield
    }) : () -> ()
    %mul3A_61 = arith.constant 640 : i32
    %mul3A_62 = arith.muli %arg1, %mul3A_61 : i32
    %add3A_63 = arith.constant 512 : i32
    %add3A_64 = arith.addi %mul3A_62, %add3A_63 : i32
    %mul3A_65 = arith.constant 10240 : i32
    %mul3A_66 = arith.muli %arg0, %mul3A_65 : i32
    %add3A_67 = arith.addi %mul3A_66, %add3A_64 : i32
    "tpu.region"() ({
      %run_scoped3A = tpu.sem_alloc : memref<!tpu.dma_semaphore, #tpu.memory_space<semaphore_mem>>
      %dma_start3A_68 = arith.constant 0 : i32
      %dma_start3A_69 = tpu.memref_slice %arg5[%add3A_67, %dma_start3A_68] : memref<20480x16xf32, #tpu.memory_space<hbm>> -> memref<128x16xf32, #tpu.memory_space<hbm>>
      %dma_start3A_70 = arith.constant 0 : i32
      %dma_start3A_71 = tpu.memref_slice %arg6[%add3A_64, %dma_start3A_70] : memref<10240x16xf32, #tpu.memory_space<vmem_shared>> -> memref<128x16xf32, #tpu.memory_space<vmem_shared>>
      tpu.enqueue_dma source(%dma_start3A_71 : memref<128x16xf32, #tpu.memory_space<vmem_shared>>) target(%dma_start3A_69 : memref<128x16xf32, #tpu.memory_space<hbm>>) target_semaphore(%run_scoped3A : memref<!tpu.dma_semaphore, #tpu.memory_space<semaphore_mem>>)
      %dma_wait3A_72 = arith.constant 0 : i32
      %dma_wait3A_73 = tpu.memref_slice %arg5[%add3A_67, %dma_wait3A_72] : memref<20480x16xf32, #tpu.memory_space<hbm>> -> memref<128x16xf32, #tpu.memory_space<hbm>>
      %dma_wait3A_74 = arith.constant 0 : i32
      %dma_wait3A_75 = tpu.memref_slice %arg6[%add3A_64, %dma_wait3A_74] : memref<10240x16xf32, #tpu.memory_space<vmem_shared>> -> memref<128x16xf32, #tpu.memory_space<vmem_shared>>
      tpu.wait_dma2 semaphore(%run_scoped3A : memref<!tpu.dma_semaphore, #tpu.memory_space<semaphore_mem>>) src(%dma_wait3A_75 : memref<128x16xf32, #tpu.memory_space<vmem_shared>>) dst(%dma_wait3A_73 : memref<128x16xf32, #tpu.memory_space<hbm>>)
      tpu.yield
    }) : () -> ()
    return
  }
}

#map = affine_map<(d0, d1) -> (0, 0)>
#map1 = affine_map<(d0, d1) -> (0)>
module attributes {stable_mosaic.version = 14 : i64} {
  func.func @k(%arg0: i32, %arg1: i32, %arg2: memref<10000x128xf32, #tpu.memory_space<hbm>>, %arg3: memref<331776xi32, #tpu.memory_space<hbm>>, %arg4: memref<331776xi32, #tpu.memory_space<hbm>>, %arg5: memref<128x128xf32, #tpu.memory_space<hbm>>, %arg6: memref<20480x128xf32, #tpu.memory_space<hbm>>, %arg7: memref<10240x128xf32, #tpu.memory_space<vmem_shared>>, %arg8: memref<10368xi32, #tpu.memory_space<vmem>>, %arg9: memref<128xi32, #tpu.memory_space<vmem>>, %arg10: memref<128xi32, #tpu.memory_space<vmem>>, %arg11: memref<128x128xf32, #tpu.memory_space<vmem>>, %arg12: memref<128x128xf32, #tpu.memory_space<vmem>>, %arg13: memref<!tpu.dma_semaphore, #tpu.memory_space<semaphore_mem>>, %arg14: memref<!tpu.dma_semaphore, #tpu.memory_space<semaphore_mem>>, %arg15: memref<!tpu.dma_semaphore, #tpu.memory_space<semaphore_mem>>, %arg16: memref<!tpu.dma_semaphore, #tpu.memory_space<semaphore_mem>>) attributes {dimension_semantics = [#tpu.dimension_semantics<core_parallel>, #tpu.dimension_semantics<subcore_parallel>], iteration_bounds = array<i64: 2, 16>, scalar_prefetch = 0 : i64, scratch_operands = 10 : i64, tpu.core_type = #tpu.core_type<sc_vector_subcore>, window_params = [{transform_indices = #map}, {transform_indices = #map1}, {transform_indices = #map1}, {transform_indices = #map}, {transform_indices = #map}]} {
    %mul3A = arith.constant 16 : i32
    %mul3A_0 = arith.muli %arg0, %mul3A : i32
    %add3A = arith.addi %mul3A_0, %arg1 : i32
    %mul3A_1 = arith.constant 10368 : i32
    %mul3A_2 = arith.muli %add3A, %mul3A_1 : i32
    "tpu.region"() ({
      %run_scoped3A = tpu.sem_alloc : memref<!tpu.dma_semaphore, #tpu.memory_space<semaphore_mem>>
      %dma_start3A_80 = tpu.memref_slice %arg3[%mul3A_2] : memref<331776xi32, #tpu.memory_space<hbm>> -> memref<10368xi32, #tpu.memory_space<hbm>>
      %dma_start3A_81 = tpu.memref_slice %arg3[%mul3A_2] : memref<331776xi32, #tpu.memory_space<hbm>> -> memref<10368xi32, #tpu.memory_space<hbm>>
      tpu.enqueue_dma source(%dma_start3A_81 : memref<10368xi32, #tpu.memory_space<hbm>>) target(%arg8 : memref<10368xi32, #tpu.memory_space<vmem>>) target_semaphore(%run_scoped3A : memref<!tpu.dma_semaphore, #tpu.memory_space<semaphore_mem>>)
      %dma_wait3A_82 = tpu.memref_slice %arg3[%mul3A_2] : memref<331776xi32, #tpu.memory_space<hbm>> -> memref<10368xi32, #tpu.memory_space<hbm>>
      %dma_wait3A_83 = tpu.memref_slice %arg3[%mul3A_2] : memref<331776xi32, #tpu.memory_space<hbm>> -> memref<10368xi32, #tpu.memory_space<hbm>>
      tpu.wait_dma2 semaphore(%run_scoped3A : memref<!tpu.dma_semaphore, #tpu.memory_space<semaphore_mem>>) src(%dma_wait3A_83 : memref<10368xi32, #tpu.memory_space<hbm>>) dst(%arg8 : memref<10368xi32, #tpu.memory_space<vmem>>)
      tpu.yield
    }) : () -> ()
    "tpu.region"() ({
      %run_scoped3A = tpu.sem_alloc : memref<!tpu.dma_semaphore, #tpu.memory_space<semaphore_mem>>
      tpu.enqueue_dma source(%arg5 : memref<128x128xf32, #tpu.memory_space<hbm>>) target(%arg11 : memref<128x128xf32, #tpu.memory_space<vmem>>) target_semaphore(%run_scoped3A : memref<!tpu.dma_semaphore, #tpu.memory_space<semaphore_mem>>)
      tpu.wait_dma2 semaphore(%run_scoped3A : memref<!tpu.dma_semaphore, #tpu.memory_space<semaphore_mem>>) src(%arg5 : memref<128x128xf32, #tpu.memory_space<hbm>>) dst(%arg11 : memref<128x128xf32, #tpu.memory_space<vmem>>)
      tpu.yield
    }) : () -> ()
    %mul3A_3 = arith.constant 640 : i32
    %mul3A_4 = arith.muli %arg1, %mul3A_3 : i32
    %add3A_5 = arith.constant 0 : i32
    %add3A_6 = arith.addi %mul3A_4, %add3A_5 : i32
    "tpu.region"() ({
      %run_scoped3A = tpu.sem_alloc : memref<!tpu.dma_semaphore, #tpu.memory_space<semaphore_mem>>
      %dma_start3A_80 = arith.constant 0 : i32
      %dma_start3A_81 = arith.constant 0 : i32
      %dma_start3A_82 = tpu.memref_slice %arg11[%dma_start3A_80, %dma_start3A_81] : memref<128x128xf32, #tpu.memory_space<vmem>> -> memref<128x128xf32, #tpu.memory_space<vmem>>
      %dma_start3A_83 = arith.constant 0 : i32
      %dma_start3A_84 = tpu.memref_slice %arg7[%add3A_6, %dma_start3A_83] : memref<10240x128xf32, #tpu.memory_space<vmem_shared>> -> memref<128x128xf32, #tpu.memory_space<vmem_shared>>
      %dma_start3A_85 = arith.constant 0 : i32
      %dma_start3A_86 = tpu.memref_slice %arg7[%add3A_6, %dma_start3A_85] : memref<10240x128xf32, #tpu.memory_space<vmem_shared>> -> memref<128x128xf32, #tpu.memory_space<vmem_shared>>
      %dma_start3A_87 = arith.constant 0 : i32
      %dma_start3A_88 = arith.constant 0 : i32
      %dma_start3A_89 = tpu.memref_slice %arg11[%dma_start3A_87, %dma_start3A_88] : memref<128x128xf32, #tpu.memory_space<vmem>> -> memref<128x128xf32, #tpu.memory_space<vmem>>
      tpu.enqueue_dma source(%dma_start3A_89 : memref<128x128xf32, #tpu.memory_space<vmem>>) target(%dma_start3A_86 : memref<128x128xf32, #tpu.memory_space<vmem_shared>>) target_semaphore(%run_scoped3A : memref<!tpu.dma_semaphore, #tpu.memory_space<semaphore_mem>>)
      %dma_wait3A_90 = arith.constant 0 : i32
      %dma_wait3A_91 = arith.constant 0 : i32
      %dma_wait3A_92 = tpu.memref_slice %arg11[%dma_wait3A_90, %dma_wait3A_91] : memref<128x128xf32, #tpu.memory_space<vmem>> -> memref<128x128xf32, #tpu.memory_space<vmem>>
      %dma_wait3A_93 = arith.constant 0 : i32
      %dma_wait3A_94 = tpu.memref_slice %arg7[%add3A_6, %dma_wait3A_93] : memref<10240x128xf32, #tpu.memory_space<vmem_shared>> -> memref<128x128xf32, #tpu.memory_space<vmem_shared>>
      %dma_wait3A_95 = arith.constant 0 : i32
      %dma_wait3A_96 = tpu.memref_slice %arg7[%add3A_6, %dma_wait3A_95] : memref<10240x128xf32, #tpu.memory_space<vmem_shared>> -> memref<128x128xf32, #tpu.memory_space<vmem_shared>>
      %dma_wait3A_97 = arith.constant 0 : i32
      %dma_wait3A_98 = arith.constant 0 : i32
      %dma_wait3A_99 = tpu.memref_slice %arg11[%dma_wait3A_97, %dma_wait3A_98] : memref<128x128xf32, #tpu.memory_space<vmem>> -> memref<128x128xf32, #tpu.memory_space<vmem>>
      tpu.wait_dma2 semaphore(%run_scoped3A : memref<!tpu.dma_semaphore, #tpu.memory_space<semaphore_mem>>) src(%dma_wait3A_99 : memref<128x128xf32, #tpu.memory_space<vmem>>) dst(%dma_wait3A_96 : memref<128x128xf32, #tpu.memory_space<vmem_shared>>)
      tpu.yield
    }) : () -> ()
    %mul3A_7 = arith.constant 640 : i32
    %mul3A_8 = arith.muli %arg1, %mul3A_7 : i32
    %add3A_9 = arith.constant 128 : i32
    %add3A_10 = arith.addi %mul3A_8, %add3A_9 : i32
    "tpu.region"() ({
      %run_scoped3A = tpu.sem_alloc : memref<!tpu.dma_semaphore, #tpu.memory_space<semaphore_mem>>
      %dma_start3A_80 = arith.constant 0 : i32
      %dma_start3A_81 = arith.constant 0 : i32
      %dma_start3A_82 = tpu.memref_slice %arg11[%dma_start3A_80, %dma_start3A_81] : memref<128x128xf32, #tpu.memory_space<vmem>> -> memref<128x128xf32, #tpu.memory_space<vmem>>
      %dma_start3A_83 = arith.constant 0 : i32
      %dma_start3A_84 = tpu.memref_slice %arg7[%add3A_10, %dma_start3A_83] : memref<10240x128xf32, #tpu.memory_space<vmem_shared>> -> memref<128x128xf32, #tpu.memory_space<vmem_shared>>
      %dma_start3A_85 = arith.constant 0 : i32
      %dma_start3A_86 = tpu.memref_slice %arg7[%add3A_10, %dma_start3A_85] : memref<10240x128xf32, #tpu.memory_space<vmem_shared>> -> memref<128x128xf32, #tpu.memory_space<vmem_shared>>
      %dma_start3A_87 = arith.constant 0 : i32
      %dma_start3A_88 = arith.constant 0 : i32
      %dma_start3A_89 = tpu.memref_slice %arg11[%dma_start3A_87, %dma_start3A_88] : memref<128x128xf32, #tpu.memory_space<vmem>> -> memref<128x128xf32, #tpu.memory_space<vmem>>
      tpu.enqueue_dma source(%dma_start3A_89 : memref<128x128xf32, #tpu.memory_space<vmem>>) target(%dma_start3A_86 : memref<128x128xf32, #tpu.memory_space<vmem_shared>>) target_semaphore(%run_scoped3A : memref<!tpu.dma_semaphore, #tpu.memory_space<semaphore_mem>>)
      %dma_wait3A_90 = arith.constant 0 : i32
      %dma_wait3A_91 = arith.constant 0 : i32
      %dma_wait3A_92 = tpu.memref_slice %arg11[%dma_wait3A_90, %dma_wait3A_91] : memref<128x128xf32, #tpu.memory_space<vmem>> -> memref<128x128xf32, #tpu.memory_space<vmem>>
      %dma_wait3A_93 = arith.constant 0 : i32
      %dma_wait3A_94 = tpu.memref_slice %arg7[%add3A_10, %dma_wait3A_93] : memref<10240x128xf32, #tpu.memory_space<vmem_shared>> -> memref<128x128xf32, #tpu.memory_space<vmem_shared>>
      %dma_wait3A_95 = arith.constant 0 : i32
      %dma_wait3A_96 = tpu.memref_slice %arg7[%add3A_10, %dma_wait3A_95] : memref<10240x128xf32, #tpu.memory_space<vmem_shared>> -> memref<128x128xf32, #tpu.memory_space<vmem_shared>>
      %dma_wait3A_97 = arith.constant 0 : i32
      %dma_wait3A_98 = arith.constant 0 : i32
      %dma_wait3A_99 = tpu.memref_slice %arg11[%dma_wait3A_97, %dma_wait3A_98] : memref<128x128xf32, #tpu.memory_space<vmem>> -> memref<128x128xf32, #tpu.memory_space<vmem>>
      tpu.wait_dma2 semaphore(%run_scoped3A : memref<!tpu.dma_semaphore, #tpu.memory_space<semaphore_mem>>) src(%dma_wait3A_99 : memref<128x128xf32, #tpu.memory_space<vmem>>) dst(%dma_wait3A_96 : memref<128x128xf32, #tpu.memory_space<vmem_shared>>)
      tpu.yield
    }) : () -> ()
    %mul3A_11 = arith.constant 640 : i32
    %mul3A_12 = arith.muli %arg1, %mul3A_11 : i32
    %add3A_13 = arith.constant 256 : i32
    %add3A_14 = arith.addi %mul3A_12, %add3A_13 : i32
    "tpu.region"() ({
      %run_scoped3A = tpu.sem_alloc : memref<!tpu.dma_semaphore, #tpu.memory_space<semaphore_mem>>
      %dma_start3A_80 = arith.constant 0 : i32
      %dma_start3A_81 = arith.constant 0 : i32
      %dma_start3A_82 = tpu.memref_slice %arg11[%dma_start3A_80, %dma_start3A_81] : memref<128x128xf32, #tpu.memory_space<vmem>> -> memref<128x128xf32, #tpu.memory_space<vmem>>
      %dma_start3A_83 = arith.constant 0 : i32
      %dma_start3A_84 = tpu.memref_slice %arg7[%add3A_14, %dma_start3A_83] : memref<10240x128xf32, #tpu.memory_space<vmem_shared>> -> memref<128x128xf32, #tpu.memory_space<vmem_shared>>
      %dma_start3A_85 = arith.constant 0 : i32
      %dma_start3A_86 = tpu.memref_slice %arg7[%add3A_14, %dma_start3A_85] : memref<10240x128xf32, #tpu.memory_space<vmem_shared>> -> memref<128x128xf32, #tpu.memory_space<vmem_shared>>
      %dma_start3A_87 = arith.constant 0 : i32
      %dma_start3A_88 = arith.constant 0 : i32
      %dma_start3A_89 = tpu.memref_slice %arg11[%dma_start3A_87, %dma_start3A_88] : memref<128x128xf32, #tpu.memory_space<vmem>> -> memref<128x128xf32, #tpu.memory_space<vmem>>
      tpu.enqueue_dma source(%dma_start3A_89 : memref<128x128xf32, #tpu.memory_space<vmem>>) target(%dma_start3A_86 : memref<128x128xf32, #tpu.memory_space<vmem_shared>>) target_semaphore(%run_scoped3A : memref<!tpu.dma_semaphore, #tpu.memory_space<semaphore_mem>>)
      %dma_wait3A_90 = arith.constant 0 : i32
      %dma_wait3A_91 = arith.constant 0 : i32
      %dma_wait3A_92 = tpu.memref_slice %arg11[%dma_wait3A_90, %dma_wait3A_91] : memref<128x128xf32, #tpu.memory_space<vmem>> -> memref<128x128xf32, #tpu.memory_space<vmem>>
      %dma_wait3A_93 = arith.constant 0 : i32
      %dma_wait3A_94 = tpu.memref_slice %arg7[%add3A_14, %dma_wait3A_93] : memref<10240x128xf32, #tpu.memory_space<vmem_shared>> -> memref<128x128xf32, #tpu.memory_space<vmem_shared>>
      %dma_wait3A_95 = arith.constant 0 : i32
      %dma_wait3A_96 = tpu.memref_slice %arg7[%add3A_14, %dma_wait3A_95] : memref<10240x128xf32, #tpu.memory_space<vmem_shared>> -> memref<128x128xf32, #tpu.memory_space<vmem_shared>>
      %dma_wait3A_97 = arith.constant 0 : i32
      %dma_wait3A_98 = arith.constant 0 : i32
      %dma_wait3A_99 = tpu.memref_slice %arg11[%dma_wait3A_97, %dma_wait3A_98] : memref<128x128xf32, #tpu.memory_space<vmem>> -> memref<128x128xf32, #tpu.memory_space<vmem>>
      tpu.wait_dma2 semaphore(%run_scoped3A : memref<!tpu.dma_semaphore, #tpu.memory_space<semaphore_mem>>) src(%dma_wait3A_99 : memref<128x128xf32, #tpu.memory_space<vmem>>) dst(%dma_wait3A_96 : memref<128x128xf32, #tpu.memory_space<vmem_shared>>)
      tpu.yield
    }) : () -> ()
    %mul3A_15 = arith.constant 640 : i32
    %mul3A_16 = arith.muli %arg1, %mul3A_15 : i32
    %add3A_17 = arith.constant 384 : i32
    %add3A_18 = arith.addi %mul3A_16, %add3A_17 : i32
    "tpu.region"() ({
      %run_scoped3A = tpu.sem_alloc : memref<!tpu.dma_semaphore, #tpu.memory_space<semaphore_mem>>
      %dma_start3A_80 = arith.constant 0 : i32
      %dma_start3A_81 = arith.constant 0 : i32
      %dma_start3A_82 = tpu.memref_slice %arg11[%dma_start3A_80, %dma_start3A_81] : memref<128x128xf32, #tpu.memory_space<vmem>> -> memref<128x128xf32, #tpu.memory_space<vmem>>
      %dma_start3A_83 = arith.constant 0 : i32
      %dma_start3A_84 = tpu.memref_slice %arg7[%add3A_18, %dma_start3A_83] : memref<10240x128xf32, #tpu.memory_space<vmem_shared>> -> memref<128x128xf32, #tpu.memory_space<vmem_shared>>
      %dma_start3A_85 = arith.constant 0 : i32
      %dma_start3A_86 = tpu.memref_slice %arg7[%add3A_18, %dma_start3A_85] : memref<10240x128xf32, #tpu.memory_space<vmem_shared>> -> memref<128x128xf32, #tpu.memory_space<vmem_shared>>
      %dma_start3A_87 = arith.constant 0 : i32
      %dma_start3A_88 = arith.constant 0 : i32
      %dma_start3A_89 = tpu.memref_slice %arg11[%dma_start3A_87, %dma_start3A_88] : memref<128x128xf32, #tpu.memory_space<vmem>> -> memref<128x128xf32, #tpu.memory_space<vmem>>
      tpu.enqueue_dma source(%dma_start3A_89 : memref<128x128xf32, #tpu.memory_space<vmem>>) target(%dma_start3A_86 : memref<128x128xf32, #tpu.memory_space<vmem_shared>>) target_semaphore(%run_scoped3A : memref<!tpu.dma_semaphore, #tpu.memory_space<semaphore_mem>>)
      %dma_wait3A_90 = arith.constant 0 : i32
      %dma_wait3A_91 = arith.constant 0 : i32
      %dma_wait3A_92 = tpu.memref_slice %arg11[%dma_wait3A_90, %dma_wait3A_91] : memref<128x128xf32, #tpu.memory_space<vmem>> -> memref<128x128xf32, #tpu.memory_space<vmem>>
      %dma_wait3A_93 = arith.constant 0 : i32
      %dma_wait3A_94 = tpu.memref_slice %arg7[%add3A_18, %dma_wait3A_93] : memref<10240x128xf32, #tpu.memory_space<vmem_shared>> -> memref<128x128xf32, #tpu.memory_space<vmem_shared>>
      %dma_wait3A_95 = arith.constant 0 : i32
      %dma_wait3A_96 = tpu.memref_slice %arg7[%add3A_18, %dma_wait3A_95] : memref<10240x128xf32, #tpu.memory_space<vmem_shared>> -> memref<128x128xf32, #tpu.memory_space<vmem_shared>>
      %dma_wait3A_97 = arith.constant 0 : i32
      %dma_wait3A_98 = arith.constant 0 : i32
      %dma_wait3A_99 = tpu.memref_slice %arg11[%dma_wait3A_97, %dma_wait3A_98] : memref<128x128xf32, #tpu.memory_space<vmem>> -> memref<128x128xf32, #tpu.memory_space<vmem>>
      tpu.wait_dma2 semaphore(%run_scoped3A : memref<!tpu.dma_semaphore, #tpu.memory_space<semaphore_mem>>) src(%dma_wait3A_99 : memref<128x128xf32, #tpu.memory_space<vmem>>) dst(%dma_wait3A_96 : memref<128x128xf32, #tpu.memory_space<vmem_shared>>)
      tpu.yield
    }) : () -> ()
    %mul3A_19 = arith.constant 640 : i32
    %mul3A_20 = arith.muli %arg1, %mul3A_19 : i32
    %add3A_21 = arith.constant 512 : i32
    %add3A_22 = arith.addi %mul3A_20, %add3A_21 : i32
    "tpu.region"() ({
      %run_scoped3A = tpu.sem_alloc : memref<!tpu.dma_semaphore, #tpu.memory_space<semaphore_mem>>
      %dma_start3A_80 = arith.constant 0 : i32
      %dma_start3A_81 = arith.constant 0 : i32
      %dma_start3A_82 = tpu.memref_slice %arg11[%dma_start3A_80, %dma_start3A_81] : memref<128x128xf32, #tpu.memory_space<vmem>> -> memref<128x128xf32, #tpu.memory_space<vmem>>
      %dma_start3A_83 = arith.constant 0 : i32
      %dma_start3A_84 = tpu.memref_slice %arg7[%add3A_22, %dma_start3A_83] : memref<10240x128xf32, #tpu.memory_space<vmem_shared>> -> memref<128x128xf32, #tpu.memory_space<vmem_shared>>
      %dma_start3A_85 = arith.constant 0 : i32
      %dma_start3A_86 = tpu.memref_slice %arg7[%add3A_22, %dma_start3A_85] : memref<10240x128xf32, #tpu.memory_space<vmem_shared>> -> memref<128x128xf32, #tpu.memory_space<vmem_shared>>
      %dma_start3A_87 = arith.constant 0 : i32
      %dma_start3A_88 = arith.constant 0 : i32
      %dma_start3A_89 = tpu.memref_slice %arg11[%dma_start3A_87, %dma_start3A_88] : memref<128x128xf32, #tpu.memory_space<vmem>> -> memref<128x128xf32, #tpu.memory_space<vmem>>
      tpu.enqueue_dma source(%dma_start3A_89 : memref<128x128xf32, #tpu.memory_space<vmem>>) target(%dma_start3A_86 : memref<128x128xf32, #tpu.memory_space<vmem_shared>>) target_semaphore(%run_scoped3A : memref<!tpu.dma_semaphore, #tpu.memory_space<semaphore_mem>>)
      %dma_wait3A_90 = arith.constant 0 : i32
      %dma_wait3A_91 = arith.constant 0 : i32
      %dma_wait3A_92 = tpu.memref_slice %arg11[%dma_wait3A_90, %dma_wait3A_91] : memref<128x128xf32, #tpu.memory_space<vmem>> -> memref<128x128xf32, #tpu.memory_space<vmem>>
      %dma_wait3A_93 = arith.constant 0 : i32
      %dma_wait3A_94 = tpu.memref_slice %arg7[%add3A_22, %dma_wait3A_93] : memref<10240x128xf32, #tpu.memory_space<vmem_shared>> -> memref<128x128xf32, #tpu.memory_space<vmem_shared>>
      %dma_wait3A_95 = arith.constant 0 : i32
      %dma_wait3A_96 = tpu.memref_slice %arg7[%add3A_22, %dma_wait3A_95] : memref<10240x128xf32, #tpu.memory_space<vmem_shared>> -> memref<128x128xf32, #tpu.memory_space<vmem_shared>>
      %dma_wait3A_97 = arith.constant 0 : i32
      %dma_wait3A_98 = arith.constant 0 : i32
      %dma_wait3A_99 = tpu.memref_slice %arg11[%dma_wait3A_97, %dma_wait3A_98] : memref<128x128xf32, #tpu.memory_space<vmem>> -> memref<128x128xf32, #tpu.memory_space<vmem>>
      tpu.wait_dma2 semaphore(%run_scoped3A : memref<!tpu.dma_semaphore, #tpu.memory_space<semaphore_mem>>) src(%dma_wait3A_99 : memref<128x128xf32, #tpu.memory_space<vmem>>) dst(%dma_wait3A_96 : memref<128x128xf32, #tpu.memory_space<vmem_shared>>)
      tpu.yield
    }) : () -> ()
    %barrier3A = arith.constant 0 : index
    tpu.barrier barrier_id(%barrier3A)
    %dma_start3A = arith.constant 0 : i32
    %dma_start3A_23 = tpu.memref_slice %arg8[%dma_start3A] : memref<10368xi32, #tpu.memory_space<vmem>> -> memref<128xi32, #tpu.memory_space<vmem>>
    %dma_start3A_24 = arith.constant 0 : i32
    %dma_start3A_25 = arith.constant 0 : i32
    %dma_start3A_26 = tpu.memref_slice %arg2[%dma_start3A_24, %dma_start3A_25] : memref<10000x128xf32, #tpu.memory_space<hbm>> -> memref<10000x128xf32, #tpu.memory_space<hbm>>
    tpu.enqueue_indirect_dma source(%dma_start3A_26 : memref<10000x128xf32, #tpu.memory_space<hbm>>) target(%arg11 : memref<128x128xf32, #tpu.memory_space<vmem>>) offsets(%dma_start3A_23 : memref<128xi32, #tpu.memory_space<vmem>>) semaphore(%arg13 : memref<!tpu.dma_semaphore, #tpu.memory_space<semaphore_mem>>)
    %add3A_27 = arith.constant 0 : i32
    %add3A_28 = arith.addi %mul3A_2, %add3A_27 : i32
    %dma_start3A_29 = tpu.memref_slice %arg4[%add3A_28] : memref<331776xi32, #tpu.memory_space<hbm>> -> memref<128xi32, #tpu.memory_space<hbm>>
    %dma_start3A_30 = tpu.memref_slice %arg4[%add3A_28] : memref<331776xi32, #tpu.memory_space<hbm>> -> memref<128xi32, #tpu.memory_space<hbm>>
    tpu.enqueue_dma source(%dma_start3A_30 : memref<128xi32, #tpu.memory_space<hbm>>) target(%arg9 : memref<128xi32, #tpu.memory_space<vmem>>) target_semaphore(%arg15 : memref<!tpu.dma_semaphore, #tpu.memory_space<semaphore_mem>>)
    %scan3A = arith.constant 0 : i32
    %scan3A_31 = arith.constant 0 : i32
    %scan3A_32 = arith.constant 40 : i32
    %scan3A_33 = arith.addi %scan3A_31, %scan3A_32 : i32
    %scan3A_34 = arith.constant 1 : i32
    scf.for %scan3A_80 = %scan3A_31 to %scan3A_33 step %scan3A_34  : i32 {
      %mul3A_81 = arith.constant 2 : i32
      %mul3A_82 = arith.muli %mul3A_81, %scan3A_80 : i32
      %add3A_83 = arith.constant 1 : i32
      %add3A_84 = arith.addi %mul3A_82, %add3A_83 : i32
      %mul3A_85 = arith.constant 128 : i32
      %mul3A_86 = arith.muli %add3A_84, %mul3A_85 : i32
      %dma_start3A_87 = tpu.memref_slice %arg8[%mul3A_86] : memref<10368xi32, #tpu.memory_space<vmem>> -> memref<128xi32, #tpu.memory_space<vmem>>
      %dma_start3A_88 = arith.constant 0 : i32
      %dma_start3A_89 = arith.constant 0 : i32
      %dma_start3A_90 = tpu.memref_slice %arg2[%dma_start3A_88, %dma_start3A_89] : memref<10000x128xf32, #tpu.memory_space<hbm>> -> memref<10000x128xf32, #tpu.memory_space<hbm>>
      tpu.enqueue_indirect_dma source(%dma_start3A_90 : memref<10000x128xf32, #tpu.memory_space<hbm>>) target(%arg12 : memref<128x128xf32, #tpu.memory_space<vmem>>) offsets(%dma_start3A_87 : memref<128xi32, #tpu.memory_space<vmem>>) semaphore(%arg14 : memref<!tpu.dma_semaphore, #tpu.memory_space<semaphore_mem>>)
      %mul3A_91 = arith.constant 128 : i32
      %mul3A_92 = arith.muli %add3A_84, %mul3A_91 : i32
      %add3A_93 = arith.addi %mul3A_2, %mul3A_92 : i32
      %dma_start3A_94 = tpu.memref_slice %arg4[%add3A_93] : memref<331776xi32, #tpu.memory_space<hbm>> -> memref<128xi32, #tpu.memory_space<hbm>>
      %dma_start3A_95 = tpu.memref_slice %arg4[%add3A_93] : memref<331776xi32, #tpu.memory_space<hbm>> -> memref<128xi32, #tpu.memory_space<hbm>>
      tpu.enqueue_dma source(%dma_start3A_95 : memref<128xi32, #tpu.memory_space<hbm>>) target(%arg10 : memref<128xi32, #tpu.memory_space<vmem>>) target_semaphore(%arg16 : memref<!tpu.dma_semaphore, #tpu.memory_space<semaphore_mem>>)
      %mul3A_96 = arith.constant 128 : i32
      %mul3A_97 = arith.muli %mul3A_82, %mul3A_96 : i32
      %add3A_98 = arith.addi %mul3A_2, %mul3A_97 : i32
      %dma_wait3A_99 = tpu.memref_slice %arg4[%add3A_98] : memref<331776xi32, #tpu.memory_space<hbm>> -> memref<128xi32, #tpu.memory_space<hbm>>
      %dma_wait3A_100 = tpu.memref_slice %arg4[%add3A_98] : memref<331776xi32, #tpu.memory_space<hbm>> -> memref<128xi32, #tpu.memory_space<hbm>>
      tpu.wait_dma2 semaphore(%arg15 : memref<!tpu.dma_semaphore, #tpu.memory_space<semaphore_mem>>) src(%dma_wait3A_100 : memref<128xi32, #tpu.memory_space<hbm>>) dst(%arg9 : memref<128xi32, #tpu.memory_space<vmem>>)
      %mul3A_101 = arith.constant 128 : i32
      %mul3A_102 = arith.muli %mul3A_82, %mul3A_101 : i32
      %dma_wait3A_103 = tpu.memref_slice %arg8[%mul3A_102] : memref<10368xi32, #tpu.memory_space<vmem>> -> memref<128xi32, #tpu.memory_space<vmem>>
      %dma_wait3A_104 = arith.constant 0 : i32
      %dma_wait3A_105 = arith.constant 0 : i32
      %dma_wait3A_106 = tpu.memref_slice %arg2[%dma_wait3A_104, %dma_wait3A_105] : memref<10000x128xf32, #tpu.memory_space<hbm>> -> memref<10000x128xf32, #tpu.memory_space<hbm>>
      tpu.wait_indirect_dma semaphore(%arg13 : memref<!tpu.dma_semaphore, #tpu.memory_space<semaphore_mem>>) src(%dma_wait3A_106 : memref<10000x128xf32, #tpu.memory_space<hbm>>) dst(%arg11 : memref<128x128xf32, #tpu.memory_space<vmem>>)
      "tpu.region"() ({
        %run_scoped3A = tpu.sem_alloc : memref<!tpu.dma_semaphore, #tpu.memory_space<semaphore_mem>>
        %dma_start3A_133 = arith.constant 0 : i32
        %dma_start3A_134 = arith.constant 0 : i32
        %dma_start3A_135 = tpu.memref_slice %arg7[%dma_start3A_133, %dma_start3A_134] : memref<10240x128xf32, #tpu.memory_space<vmem_shared>> -> memref<10240x128xf32, #tpu.memory_space<vmem_shared>>
        tpu.enqueue_indirect_dma source(%arg11 : memref<128x128xf32, #tpu.memory_space<vmem>>) target(%dma_start3A_135 : memref<10240x128xf32, #tpu.memory_space<vmem_shared>>) offsets(%arg9 : memref<128xi32, #tpu.memory_space<vmem>>) semaphore(%run_scoped3A : memref<!tpu.dma_semaphore, #tpu.memory_space<semaphore_mem>>) {add = true}
        %dma_wait3A_136 = arith.constant 0 : i32
        %dma_wait3A_137 = arith.constant 0 : i32
        %dma_wait3A_138 = tpu.memref_slice %arg7[%dma_wait3A_136, %dma_wait3A_137] : memref<10240x128xf32, #tpu.memory_space<vmem_shared>> -> memref<10240x128xf32, #tpu.memory_space<vmem_shared>>
        tpu.wait_indirect_dma semaphore(%run_scoped3A : memref<!tpu.dma_semaphore, #tpu.memory_space<semaphore_mem>>) src(%arg11 : memref<128x128xf32, #tpu.memory_space<vmem>>) dst(%dma_wait3A_138 : memref<10240x128xf32, #tpu.memory_space<vmem_shared>>)
        tpu.yield
      }) : () -> ()
      %add3A_107 = arith.constant 2 : i32
      %add3A_108 = arith.addi %mul3A_82, %add3A_107 : i32
      %mul3A_109 = arith.constant 128 : i32
      %mul3A_110 = arith.muli %add3A_108, %mul3A_109 : i32
      %dma_start3A_111 = tpu.memref_slice %arg8[%mul3A_110] : memref<10368xi32, #tpu.memory_space<vmem>> -> memref<128xi32, #tpu.memory_space<vmem>>
      %dma_start3A_112 = arith.constant 0 : i32
      %dma_start3A_113 = arith.constant 0 : i32
      %dma_start3A_114 = tpu.memref_slice %arg2[%dma_start3A_112, %dma_start3A_113] : memref<10000x128xf32, #tpu.memory_space<hbm>> -> memref<10000x128xf32, #tpu.memory_space<hbm>>
      tpu.enqueue_indirect_dma source(%dma_start3A_114 : memref<10000x128xf32, #tpu.memory_space<hbm>>) target(%arg11 : memref<128x128xf32, #tpu.memory_space<vmem>>) offsets(%dma_start3A_111 : memref<128xi32, #tpu.memory_space<vmem>>) semaphore(%arg13 : memref<!tpu.dma_semaphore, #tpu.memory_space<semaphore_mem>>)
      %mul3A_115 = arith.constant 128 : i32
      %mul3A_116 = arith.muli %add3A_108, %mul3A_115 : i32
      %add3A_117 = arith.addi %mul3A_2, %mul3A_116 : i32
      %dma_start3A_118 = tpu.memref_slice %arg4[%add3A_117] : memref<331776xi32, #tpu.memory_space<hbm>> -> memref<128xi32, #tpu.memory_space<hbm>>
      %dma_start3A_119 = tpu.memref_slice %arg4[%add3A_117] : memref<331776xi32, #tpu.memory_space<hbm>> -> memref<128xi32, #tpu.memory_space<hbm>>
      tpu.enqueue_dma source(%dma_start3A_119 : memref<128xi32, #tpu.memory_space<hbm>>) target(%arg9 : memref<128xi32, #tpu.memory_space<vmem>>) target_semaphore(%arg15 : memref<!tpu.dma_semaphore, #tpu.memory_space<semaphore_mem>>)
      %add3A_120 = arith.constant 1 : i32
      %add3A_121 = arith.addi %mul3A_82, %add3A_120 : i32
      %mul3A_122 = arith.constant 128 : i32
      %mul3A_123 = arith.muli %add3A_121, %mul3A_122 : i32
      %add3A_124 = arith.addi %mul3A_2, %mul3A_123 : i32
      %dma_wait3A_125 = tpu.memref_slice %arg4[%add3A_124] : memref<331776xi32, #tpu.memory_space<hbm>> -> memref<128xi32, #tpu.memory_space<hbm>>
      %dma_wait3A_126 = tpu.memref_slice %arg4[%add3A_124] : memref<331776xi32, #tpu.memory_space<hbm>> -> memref<128xi32, #tpu.memory_space<hbm>>
      tpu.wait_dma2 semaphore(%arg16 : memref<!tpu.dma_semaphore, #tpu.memory_space<semaphore_mem>>) src(%dma_wait3A_126 : memref<128xi32, #tpu.memory_space<hbm>>) dst(%arg10 : memref<128xi32, #tpu.memory_space<vmem>>)
      %mul3A_127 = arith.constant 128 : i32
      %mul3A_128 = arith.muli %add3A_121, %mul3A_127 : i32
      %dma_wait3A_129 = tpu.memref_slice %arg8[%mul3A_128] : memref<10368xi32, #tpu.memory_space<vmem>> -> memref<128xi32, #tpu.memory_space<vmem>>
      %dma_wait3A_130 = arith.constant 0 : i32
      %dma_wait3A_131 = arith.constant 0 : i32
      %dma_wait3A_132 = tpu.memref_slice %arg2[%dma_wait3A_130, %dma_wait3A_131] : memref<10000x128xf32, #tpu.memory_space<hbm>> -> memref<10000x128xf32, #tpu.memory_space<hbm>>
      tpu.wait_indirect_dma semaphore(%arg14 : memref<!tpu.dma_semaphore, #tpu.memory_space<semaphore_mem>>) src(%dma_wait3A_132 : memref<10000x128xf32, #tpu.memory_space<hbm>>) dst(%arg12 : memref<128x128xf32, #tpu.memory_space<vmem>>)
      "tpu.region"() ({
        %run_scoped3A = tpu.sem_alloc : memref<!tpu.dma_semaphore, #tpu.memory_space<semaphore_mem>>
        %dma_start3A_133 = arith.constant 0 : i32
        %dma_start3A_134 = arith.constant 0 : i32
        %dma_start3A_135 = tpu.memref_slice %arg7[%dma_start3A_133, %dma_start3A_134] : memref<10240x128xf32, #tpu.memory_space<vmem_shared>> -> memref<10240x128xf32, #tpu.memory_space<vmem_shared>>
        tpu.enqueue_indirect_dma source(%arg12 : memref<128x128xf32, #tpu.memory_space<vmem>>) target(%dma_start3A_135 : memref<10240x128xf32, #tpu.memory_space<vmem_shared>>) offsets(%arg10 : memref<128xi32, #tpu.memory_space<vmem>>) semaphore(%run_scoped3A : memref<!tpu.dma_semaphore, #tpu.memory_space<semaphore_mem>>) {add = true}
        %dma_wait3A_136 = arith.constant 0 : i32
        %dma_wait3A_137 = arith.constant 0 : i32
        %dma_wait3A_138 = tpu.memref_slice %arg7[%dma_wait3A_136, %dma_wait3A_137] : memref<10240x128xf32, #tpu.memory_space<vmem_shared>> -> memref<10240x128xf32, #tpu.memory_space<vmem_shared>>
        tpu.wait_indirect_dma semaphore(%run_scoped3A : memref<!tpu.dma_semaphore, #tpu.memory_space<semaphore_mem>>) src(%arg12 : memref<128x128xf32, #tpu.memory_space<vmem>>) dst(%dma_wait3A_138 : memref<10240x128xf32, #tpu.memory_space<vmem_shared>>)
        tpu.yield
      }) : () -> ()
    }
    %scan3A_35 = arith.constant 40 : i32
    %add3A_36 = arith.constant 10240 : i32
    %add3A_37 = arith.addi %mul3A_2, %add3A_36 : i32
    %dma_wait3A = tpu.memref_slice %arg4[%add3A_37] : memref<331776xi32, #tpu.memory_space<hbm>> -> memref<128xi32, #tpu.memory_space<hbm>>
    %dma_wait3A_38 = tpu.memref_slice %arg4[%add3A_37] : memref<331776xi32, #tpu.memory_space<hbm>> -> memref<128xi32, #tpu.memory_space<hbm>>
    tpu.wait_dma2 semaphore(%arg15 : memref<!tpu.dma_semaphore, #tpu.memory_space<semaphore_mem>>) src(%dma_wait3A_38 : memref<128xi32, #tpu.memory_space<hbm>>) dst(%arg9 : memref<128xi32, #tpu.memory_space<vmem>>)
    %dma_wait3A_39 = arith.constant 10240 : i32
    %dma_wait3A_40 = tpu.memref_slice %arg8[%dma_wait3A_39] : memref<10368xi32, #tpu.memory_space<vmem>> -> memref<128xi32, #tpu.memory_space<vmem>>
    %dma_wait3A_41 = arith.constant 0 : i32
    %dma_wait3A_42 = arith.constant 0 : i32
    %dma_wait3A_43 = tpu.memref_slice %arg2[%dma_wait3A_41, %dma_wait3A_42] : memref<10000x128xf32, #tpu.memory_space<hbm>> -> memref<10000x128xf32, #tpu.memory_space<hbm>>
    tpu.wait_indirect_dma semaphore(%arg13 : memref<!tpu.dma_semaphore, #tpu.memory_space<semaphore_mem>>) src(%dma_wait3A_43 : memref<10000x128xf32, #tpu.memory_space<hbm>>) dst(%arg11 : memref<128x128xf32, #tpu.memory_space<vmem>>)
    "tpu.region"() ({
      %run_scoped3A = tpu.sem_alloc : memref<!tpu.dma_semaphore, #tpu.memory_space<semaphore_mem>>
      %dma_start3A_80 = arith.constant 0 : i32
      %dma_start3A_81 = arith.constant 0 : i32
      %dma_start3A_82 = tpu.memref_slice %arg7[%dma_start3A_80, %dma_start3A_81] : memref<10240x128xf32, #tpu.memory_space<vmem_shared>> -> memref<10240x128xf32, #tpu.memory_space<vmem_shared>>
      tpu.enqueue_indirect_dma source(%arg11 : memref<128x128xf32, #tpu.memory_space<vmem>>) target(%dma_start3A_82 : memref<10240x128xf32, #tpu.memory_space<vmem_shared>>) offsets(%arg9 : memref<128xi32, #tpu.memory_space<vmem>>) semaphore(%run_scoped3A : memref<!tpu.dma_semaphore, #tpu.memory_space<semaphore_mem>>) {add = true}
      %dma_wait3A_83 = arith.constant 0 : i32
      %dma_wait3A_84 = arith.constant 0 : i32
      %dma_wait3A_85 = tpu.memref_slice %arg7[%dma_wait3A_83, %dma_wait3A_84] : memref<10240x128xf32, #tpu.memory_space<vmem_shared>> -> memref<10240x128xf32, #tpu.memory_space<vmem_shared>>
      tpu.wait_indirect_dma semaphore(%run_scoped3A : memref<!tpu.dma_semaphore, #tpu.memory_space<semaphore_mem>>) src(%arg11 : memref<128x128xf32, #tpu.memory_space<vmem>>) dst(%dma_wait3A_85 : memref<10240x128xf32, #tpu.memory_space<vmem_shared>>)
      tpu.yield
    }) : () -> ()
    %barrier3A_44 = arith.constant 0 : index
    tpu.barrier barrier_id(%barrier3A_44)
    %mul3A_45 = arith.constant 640 : i32
    %mul3A_46 = arith.muli %arg1, %mul3A_45 : i32
    %add3A_47 = arith.constant 0 : i32
    %add3A_48 = arith.addi %mul3A_46, %add3A_47 : i32
    %mul3A_49 = arith.constant 10240 : i32
    %mul3A_50 = arith.muli %arg0, %mul3A_49 : i32
    %add3A_51 = arith.addi %mul3A_50, %add3A_48 : i32
    "tpu.region"() ({
      %run_scoped3A = tpu.sem_alloc : memref<!tpu.dma_semaphore, #tpu.memory_space<semaphore_mem>>
      %dma_start3A_80 = arith.constant 0 : i32
      %dma_start3A_81 = tpu.memref_slice %arg6[%add3A_51, %dma_start3A_80] : memref<20480x128xf32, #tpu.memory_space<hbm>> -> memref<128x128xf32, #tpu.memory_space<hbm>>
      %dma_start3A_82 = arith.constant 0 : i32
      %dma_start3A_83 = tpu.memref_slice %arg7[%add3A_48, %dma_start3A_82] : memref<10240x128xf32, #tpu.memory_space<vmem_shared>> -> memref<128x128xf32, #tpu.memory_space<vmem_shared>>
      tpu.enqueue_dma source(%dma_start3A_83 : memref<128x128xf32, #tpu.memory_space<vmem_shared>>) target(%dma_start3A_81 : memref<128x128xf32, #tpu.memory_space<hbm>>) target_semaphore(%run_scoped3A : memref<!tpu.dma_semaphore, #tpu.memory_space<semaphore_mem>>)
      %dma_wait3A_84 = arith.constant 0 : i32
      %dma_wait3A_85 = tpu.memref_slice %arg6[%add3A_51, %dma_wait3A_84] : memref<20480x128xf32, #tpu.memory_space<hbm>> -> memref<128x128xf32, #tpu.memory_space<hbm>>
      %dma_wait3A_86 = arith.constant 0 : i32
      %dma_wait3A_87 = tpu.memref_slice %arg7[%add3A_48, %dma_wait3A_86] : memref<10240x128xf32, #tpu.memory_space<vmem_shared>> -> memref<128x128xf32, #tpu.memory_space<vmem_shared>>
      tpu.wait_dma2 semaphore(%run_scoped3A : memref<!tpu.dma_semaphore, #tpu.memory_space<semaphore_mem>>) src(%dma_wait3A_87 : memref<128x128xf32, #tpu.memory_space<vmem_shared>>) dst(%dma_wait3A_85 : memref<128x128xf32, #tpu.memory_space<hbm>>)
      tpu.yield
    }) : () -> ()
    %mul3A_52 = arith.constant 640 : i32
    %mul3A_53 = arith.muli %arg1, %mul3A_52 : i32
    %add3A_54 = arith.constant 128 : i32
    %add3A_55 = arith.addi %mul3A_53, %add3A_54 : i32
    %mul3A_56 = arith.constant 10240 : i32
    %mul3A_57 = arith.muli %arg0, %mul3A_56 : i32
    %add3A_58 = arith.addi %mul3A_57, %add3A_55 : i32
    "tpu.region"() ({
      %run_scoped3A = tpu.sem_alloc : memref<!tpu.dma_semaphore, #tpu.memory_space<semaphore_mem>>
      %dma_start3A_80 = arith.constant 0 : i32
      %dma_start3A_81 = tpu.memref_slice %arg6[%add3A_58, %dma_start3A_80] : memref<20480x128xf32, #tpu.memory_space<hbm>> -> memref<128x128xf32, #tpu.memory_space<hbm>>
      %dma_start3A_82 = arith.constant 0 : i32
      %dma_start3A_83 = tpu.memref_slice %arg7[%add3A_55, %dma_start3A_82] : memref<10240x128xf32, #tpu.memory_space<vmem_shared>> -> memref<128x128xf32, #tpu.memory_space<vmem_shared>>
      tpu.enqueue_dma source(%dma_start3A_83 : memref<128x128xf32, #tpu.memory_space<vmem_shared>>) target(%dma_start3A_81 : memref<128x128xf32, #tpu.memory_space<hbm>>) target_semaphore(%run_scoped3A : memref<!tpu.dma_semaphore, #tpu.memory_space<semaphore_mem>>)
      %dma_wait3A_84 = arith.constant 0 : i32
      %dma_wait3A_85 = tpu.memref_slice %arg6[%add3A_58, %dma_wait3A_84] : memref<20480x128xf32, #tpu.memory_space<hbm>> -> memref<128x128xf32, #tpu.memory_space<hbm>>
      %dma_wait3A_86 = arith.constant 0 : i32
      %dma_wait3A_87 = tpu.memref_slice %arg7[%add3A_55, %dma_wait3A_86] : memref<10240x128xf32, #tpu.memory_space<vmem_shared>> -> memref<128x128xf32, #tpu.memory_space<vmem_shared>>
      tpu.wait_dma2 semaphore(%run_scoped3A : memref<!tpu.dma_semaphore, #tpu.memory_space<semaphore_mem>>) src(%dma_wait3A_87 : memref<128x128xf32, #tpu.memory_space<vmem_shared>>) dst(%dma_wait3A_85 : memref<128x128xf32, #tpu.memory_space<hbm>>)
      tpu.yield
    }) : () -> ()
    %mul3A_59 = arith.constant 640 : i32
    %mul3A_60 = arith.muli %arg1, %mul3A_59 : i32
    %add3A_61 = arith.constant 256 : i32
    %add3A_62 = arith.addi %mul3A_60, %add3A_61 : i32
    %mul3A_63 = arith.constant 10240 : i32
    %mul3A_64 = arith.muli %arg0, %mul3A_63 : i32
    %add3A_65 = arith.addi %mul3A_64, %add3A_62 : i32
    "tpu.region"() ({
      %run_scoped3A = tpu.sem_alloc : memref<!tpu.dma_semaphore, #tpu.memory_space<semaphore_mem>>
      %dma_start3A_80 = arith.constant 0 : i32
      %dma_start3A_81 = tpu.memref_slice %arg6[%add3A_65, %dma_start3A_80] : memref<20480x128xf32, #tpu.memory_space<hbm>> -> memref<128x128xf32, #tpu.memory_space<hbm>>
      %dma_start3A_82 = arith.constant 0 : i32
      %dma_start3A_83 = tpu.memref_slice %arg7[%add3A_62, %dma_start3A_82] : memref<10240x128xf32, #tpu.memory_space<vmem_shared>> -> memref<128x128xf32, #tpu.memory_space<vmem_shared>>
      tpu.enqueue_dma source(%dma_start3A_83 : memref<128x128xf32, #tpu.memory_space<vmem_shared>>) target(%dma_start3A_81 : memref<128x128xf32, #tpu.memory_space<hbm>>) target_semaphore(%run_scoped3A : memref<!tpu.dma_semaphore, #tpu.memory_space<semaphore_mem>>)
      %dma_wait3A_84 = arith.constant 0 : i32
      %dma_wait3A_85 = tpu.memref_slice %arg6[%add3A_65, %dma_wait3A_84] : memref<20480x128xf32, #tpu.memory_space<hbm>> -> memref<128x128xf32, #tpu.memory_space<hbm>>
      %dma_wait3A_86 = arith.constant 0 : i32
      %dma_wait3A_87 = tpu.memref_slice %arg7[%add3A_62, %dma_wait3A_86] : memref<10240x128xf32, #tpu.memory_space<vmem_shared>> -> memref<128x128xf32, #tpu.memory_space<vmem_shared>>
      tpu.wait_dma2 semaphore(%run_scoped3A : memref<!tpu.dma_semaphore, #tpu.memory_space<semaphore_mem>>) src(%dma_wait3A_87 : memref<128x128xf32, #tpu.memory_space<vmem_shared>>) dst(%dma_wait3A_85 : memref<128x128xf32, #tpu.memory_space<hbm>>)
      tpu.yield
    }) : () -> ()
    %mul3A_66 = arith.constant 640 : i32
    %mul3A_67 = arith.muli %arg1, %mul3A_66 : i32
    %add3A_68 = arith.constant 384 : i32
    %add3A_69 = arith.addi %mul3A_67, %add3A_68 : i32
    %mul3A_70 = arith.constant 10240 : i32
    %mul3A_71 = arith.muli %arg0, %mul3A_70 : i32
    %add3A_72 = arith.addi %mul3A_71, %add3A_69 : i32
    "tpu.region"() ({
      %run_scoped3A = tpu.sem_alloc : memref<!tpu.dma_semaphore, #tpu.memory_space<semaphore_mem>>
      %dma_start3A_80 = arith.constant 0 : i32
      %dma_start3A_81 = tpu.memref_slice %arg6[%add3A_72, %dma_start3A_80] : memref<20480x128xf32, #tpu.memory_space<hbm>> -> memref<128x128xf32, #tpu.memory_space<hbm>>
      %dma_start3A_82 = arith.constant 0 : i32
      %dma_start3A_83 = tpu.memref_slice %arg7[%add3A_69, %dma_start3A_82] : memref<10240x128xf32, #tpu.memory_space<vmem_shared>> -> memref<128x128xf32, #tpu.memory_space<vmem_shared>>
      tpu.enqueue_dma source(%dma_start3A_83 : memref<128x128xf32, #tpu.memory_space<vmem_shared>>) target(%dma_start3A_81 : memref<128x128xf32, #tpu.memory_space<hbm>>) target_semaphore(%run_scoped3A : memref<!tpu.dma_semaphore, #tpu.memory_space<semaphore_mem>>)
      %dma_wait3A_84 = arith.constant 0 : i32
      %dma_wait3A_85 = tpu.memref_slice %arg6[%add3A_72, %dma_wait3A_84] : memref<20480x128xf32, #tpu.memory_space<hbm>> -> memref<128x128xf32, #tpu.memory_space<hbm>>
      %dma_wait3A_86 = arith.constant 0 : i32
      %dma_wait3A_87 = tpu.memref_slice %arg7[%add3A_69, %dma_wait3A_86] : memref<10240x128xf32, #tpu.memory_space<vmem_shared>> -> memref<128x128xf32, #tpu.memory_space<vmem_shared>>
      tpu.wait_dma2 semaphore(%run_scoped3A : memref<!tpu.dma_semaphore, #tpu.memory_space<semaphore_mem>>) src(%dma_wait3A_87 : memref<128x128xf32, #tpu.memory_space<vmem_shared>>) dst(%dma_wait3A_85 : memref<128x128xf32, #tpu.memory_space<hbm>>)
      tpu.yield
    }) : () -> ()
    %mul3A_73 = arith.constant 640 : i32
    %mul3A_74 = arith.muli %arg1, %mul3A_73 : i32
    %add3A_75 = arith.constant 512 : i32
    %add3A_76 = arith.addi %mul3A_74, %add3A_75 : i32
    %mul3A_77 = arith.constant 10240 : i32
    %mul3A_78 = arith.muli %arg0, %mul3A_77 : i32
    %add3A_79 = arith.addi %mul3A_78, %add3A_76 : i32
    "tpu.region"() ({
      %run_scoped3A = tpu.sem_alloc : memref<!tpu.dma_semaphore, #tpu.memory_space<semaphore_mem>>
      %dma_start3A_80 = arith.constant 0 : i32
      %dma_start3A_81 = tpu.memref_slice %arg6[%add3A_79, %dma_start3A_80] : memref<20480x128xf32, #tpu.memory_space<hbm>> -> memref<128x128xf32, #tpu.memory_space<hbm>>
      %dma_start3A_82 = arith.constant 0 : i32
      %dma_start3A_83 = tpu.memref_slice %arg7[%add3A_76, %dma_start3A_82] : memref<10240x128xf32, #tpu.memory_space<vmem_shared>> -> memref<128x128xf32, #tpu.memory_space<vmem_shared>>
      tpu.enqueue_dma source(%dma_start3A_83 : memref<128x128xf32, #tpu.memory_space<vmem_shared>>) target(%dma_start3A_81 : memref<128x128xf32, #tpu.memory_space<hbm>>) target_semaphore(%run_scoped3A : memref<!tpu.dma_semaphore, #tpu.memory_space<semaphore_mem>>)
      %dma_wait3A_84 = arith.constant 0 : i32
      %dma_wait3A_85 = tpu.memref_slice %arg6[%add3A_79, %dma_wait3A_84] : memref<20480x128xf32, #tpu.memory_space<hbm>> -> memref<128x128xf32, #tpu.memory_space<hbm>>
      %dma_wait3A_86 = arith.constant 0 : i32
      %dma_wait3A_87 = tpu.memref_slice %arg7[%add3A_76, %dma_wait3A_86] : memref<10240x128xf32, #tpu.memory_space<vmem_shared>> -> memref<128x128xf32, #tpu.memory_space<vmem_shared>>
      tpu.wait_dma2 semaphore(%run_scoped3A : memref<!tpu.dma_semaphore, #tpu.memory_space<semaphore_mem>>) src(%dma_wait3A_87 : memref<128x128xf32, #tpu.memory_space<vmem_shared>>) dst(%dma_wait3A_85 : memref<128x128xf32, #tpu.memory_space<hbm>>)
      tpu.yield
    }) : () -> ()
    return
  }
}

#map = affine_map<(d0, d1) -> (0, 0)>
#map1 = affine_map<(d0, d1) -> (0)>
module attributes {stable_mosaic.version = 14 : i64} {
  func.func @k(%arg0: i32, %arg1: i32, %arg2: memref<10000x128xf32, #tpu.memory_space<hbm>>, %arg3: memref<331776xi32, #tpu.memory_space<hbm>>, %arg4: memref<331776xi32, #tpu.memory_space<hbm>>, %arg5: memref<128x128xf32, #tpu.memory_space<hbm>>, %arg6: memref<20480x128xf32, #tpu.memory_space<hbm>>, %arg7: memref<10240x128xf32, #tpu.memory_space<vmem_shared>>, %arg8: memref<10368xi32, #tpu.memory_space<vmem>>, %arg9: memref<128xi32, #tpu.memory_space<vmem>>, %arg10: memref<128xi32, #tpu.memory_space<vmem>>, %arg11: memref<128x128xf32, #tpu.memory_space<vmem>>, %arg12: memref<128x128xf32, #tpu.memory_space<vmem>>, %arg13: memref<!tpu.dma_semaphore, #tpu.memory_space<semaphore_mem>>, %arg14: memref<!tpu.dma_semaphore, #tpu.memory_space<semaphore_mem>>, %arg15: memref<!tpu.dma_semaphore, #tpu.memory_space<semaphore_mem>>, %arg16: memref<!tpu.dma_semaphore, #tpu.memory_space<semaphore_mem>>) attributes {dimension_semantics = [#tpu.dimension_semantics<core_parallel>, #tpu.dimension_semantics<subcore_parallel>], iteration_bounds = array<i64: 2, 16>, scalar_prefetch = 0 : i64, scratch_operands = 10 : i64, tpu.core_type = #tpu.core_type<sc_vector_subcore>, window_params = [{transform_indices = #map}, {transform_indices = #map1}, {transform_indices = #map1}, {transform_indices = #map}, {transform_indices = #map}]} {
    %mul3A = arith.constant 16 : i32
    %mul3A_0 = arith.muli %arg0, %mul3A : i32
    %add3A = arith.addi %mul3A_0, %arg1 : i32
    %mul3A_1 = arith.constant 10368 : i32
    %mul3A_2 = arith.muli %add3A, %mul3A_1 : i32
    "tpu.region"() ({
      %run_scoped3A = tpu.sem_alloc : memref<!tpu.dma_semaphore, #tpu.memory_space<semaphore_mem>>
      %dma_start3A_80 = tpu.memref_slice %arg3[%mul3A_2] : memref<331776xi32, #tpu.memory_space<hbm>> -> memref<10368xi32, #tpu.memory_space<hbm>>
      %dma_start3A_81 = tpu.memref_slice %arg3[%mul3A_2] : memref<331776xi32, #tpu.memory_space<hbm>> -> memref<10368xi32, #tpu.memory_space<hbm>>
      tpu.enqueue_dma source(%dma_start3A_81 : memref<10368xi32, #tpu.memory_space<hbm>>) target(%arg8 : memref<10368xi32, #tpu.memory_space<vmem>>) target_semaphore(%run_scoped3A : memref<!tpu.dma_semaphore, #tpu.memory_space<semaphore_mem>>)
      %dma_wait3A_82 = tpu.memref_slice %arg3[%mul3A_2] : memref<331776xi32, #tpu.memory_space<hbm>> -> memref<10368xi32, #tpu.memory_space<hbm>>
      %dma_wait3A_83 = tpu.memref_slice %arg3[%mul3A_2] : memref<331776xi32, #tpu.memory_space<hbm>> -> memref<10368xi32, #tpu.memory_space<hbm>>
      tpu.wait_dma2 semaphore(%run_scoped3A : memref<!tpu.dma_semaphore, #tpu.memory_space<semaphore_mem>>) src(%dma_wait3A_83 : memref<10368xi32, #tpu.memory_space<hbm>>) dst(%arg8 : memref<10368xi32, #tpu.memory_space<vmem>>)
      tpu.yield
    }) : () -> ()
    "tpu.region"() ({
      %run_scoped3A = tpu.sem_alloc : memref<!tpu.dma_semaphore, #tpu.memory_space<semaphore_mem>>
      tpu.enqueue_dma source(%arg5 : memref<128x128xf32, #tpu.memory_space<hbm>>) target(%arg11 : memref<128x128xf32, #tpu.memory_space<vmem>>) target_semaphore(%run_scoped3A : memref<!tpu.dma_semaphore, #tpu.memory_space<semaphore_mem>>)
      tpu.wait_dma2 semaphore(%run_scoped3A : memref<!tpu.dma_semaphore, #tpu.memory_space<semaphore_mem>>) src(%arg5 : memref<128x128xf32, #tpu.memory_space<hbm>>) dst(%arg11 : memref<128x128xf32, #tpu.memory_space<vmem>>)
      tpu.yield
    }) : () -> ()
    %mul3A_3 = arith.constant 640 : i32
    %mul3A_4 = arith.muli %arg1, %mul3A_3 : i32
    %add3A_5 = arith.constant 0 : i32
    %add3A_6 = arith.addi %mul3A_4, %add3A_5 : i32
    "tpu.region"() ({
      %run_scoped3A = tpu.sem_alloc : memref<!tpu.dma_semaphore, #tpu.memory_space<semaphore_mem>>
      %dma_start3A_80 = arith.constant 0 : i32
      %dma_start3A_81 = arith.constant 0 : i32
      %dma_start3A_82 = tpu.memref_slice %arg11[%dma_start3A_80, %dma_start3A_81] : memref<128x128xf32, #tpu.memory_space<vmem>> -> memref<128x128xf32, #tpu.memory_space<vmem>>
      %dma_start3A_83 = arith.constant 0 : i32
      %dma_start3A_84 = tpu.memref_slice %arg7[%add3A_6, %dma_start3A_83] : memref<10240x128xf32, #tpu.memory_space<vmem_shared>> -> memref<128x128xf32, #tpu.memory_space<vmem_shared>>
      %dma_start3A_85 = arith.constant 0 : i32
      %dma_start3A_86 = tpu.memref_slice %arg7[%add3A_6, %dma_start3A_85] : memref<10240x128xf32, #tpu.memory_space<vmem_shared>> -> memref<128x128xf32, #tpu.memory_space<vmem_shared>>
      %dma_start3A_87 = arith.constant 0 : i32
      %dma_start3A_88 = arith.constant 0 : i32
      %dma_start3A_89 = tpu.memref_slice %arg11[%dma_start3A_87, %dma_start3A_88] : memref<128x128xf32, #tpu.memory_space<vmem>> -> memref<128x128xf32, #tpu.memory_space<vmem>>
      tpu.enqueue_dma source(%dma_start3A_89 : memref<128x128xf32, #tpu.memory_space<vmem>>) target(%dma_start3A_86 : memref<128x128xf32, #tpu.memory_space<vmem_shared>>) target_semaphore(%run_scoped3A : memref<!tpu.dma_semaphore, #tpu.memory_space<semaphore_mem>>)
      %dma_wait3A_90 = arith.constant 0 : i32
      %dma_wait3A_91 = arith.constant 0 : i32
      %dma_wait3A_92 = tpu.memref_slice %arg11[%dma_wait3A_90, %dma_wait3A_91] : memref<128x128xf32, #tpu.memory_space<vmem>> -> memref<128x128xf32, #tpu.memory_space<vmem>>
      %dma_wait3A_93 = arith.constant 0 : i32
      %dma_wait3A_94 = tpu.memref_slice %arg7[%add3A_6, %dma_wait3A_93] : memref<10240x128xf32, #tpu.memory_space<vmem_shared>> -> memref<128x128xf32, #tpu.memory_space<vmem_shared>>
      %dma_wait3A_95 = arith.constant 0 : i32
      %dma_wait3A_96 = tpu.memref_slice %arg7[%add3A_6, %dma_wait3A_95] : memref<10240x128xf32, #tpu.memory_space<vmem_shared>> -> memref<128x128xf32, #tpu.memory_space<vmem_shared>>
      %dma_wait3A_97 = arith.constant 0 : i32
      %dma_wait3A_98 = arith.constant 0 : i32
      %dma_wait3A_99 = tpu.memref_slice %arg11[%dma_wait3A_97, %dma_wait3A_98] : memref<128x128xf32, #tpu.memory_space<vmem>> -> memref<128x128xf32, #tpu.memory_space<vmem>>
      tpu.wait_dma2 semaphore(%run_scoped3A : memref<!tpu.dma_semaphore, #tpu.memory_space<semaphore_mem>>) src(%dma_wait3A_99 : memref<128x128xf32, #tpu.memory_space<vmem>>) dst(%dma_wait3A_96 : memref<128x128xf32, #tpu.memory_space<vmem_shared>>)
      tpu.yield
    }) : () -> ()
    %mul3A_7 = arith.constant 640 : i32
    %mul3A_8 = arith.muli %arg1, %mul3A_7 : i32
    %add3A_9 = arith.constant 128 : i32
    %add3A_10 = arith.addi %mul3A_8, %add3A_9 : i32
    "tpu.region"() ({
      %run_scoped3A = tpu.sem_alloc : memref<!tpu.dma_semaphore, #tpu.memory_space<semaphore_mem>>
      %dma_start3A_80 = arith.constant 0 : i32
      %dma_start3A_81 = arith.constant 0 : i32
      %dma_start3A_82 = tpu.memref_slice %arg11[%dma_start3A_80, %dma_start3A_81] : memref<128x128xf32, #tpu.memory_space<vmem>> -> memref<128x128xf32, #tpu.memory_space<vmem>>
      %dma_start3A_83 = arith.constant 0 : i32
      %dma_start3A_84 = tpu.memref_slice %arg7[%add3A_10, %dma_start3A_83] : memref<10240x128xf32, #tpu.memory_space<vmem_shared>> -> memref<128x128xf32, #tpu.memory_space<vmem_shared>>
      %dma_start3A_85 = arith.constant 0 : i32
      %dma_start3A_86 = tpu.memref_slice %arg7[%add3A_10, %dma_start3A_85] : memref<10240x128xf32, #tpu.memory_space<vmem_shared>> -> memref<128x128xf32, #tpu.memory_space<vmem_shared>>
      %dma_start3A_87 = arith.constant 0 : i32
      %dma_start3A_88 = arith.constant 0 : i32
      %dma_start3A_89 = tpu.memref_slice %arg11[%dma_start3A_87, %dma_start3A_88] : memref<128x128xf32, #tpu.memory_space<vmem>> -> memref<128x128xf32, #tpu.memory_space<vmem>>
      tpu.enqueue_dma source(%dma_start3A_89 : memref<128x128xf32, #tpu.memory_space<vmem>>) target(%dma_start3A_86 : memref<128x128xf32, #tpu.memory_space<vmem_shared>>) target_semaphore(%run_scoped3A : memref<!tpu.dma_semaphore, #tpu.memory_space<semaphore_mem>>)
      %dma_wait3A_90 = arith.constant 0 : i32
      %dma_wait3A_91 = arith.constant 0 : i32
      %dma_wait3A_92 = tpu.memref_slice %arg11[%dma_wait3A_90, %dma_wait3A_91] : memref<128x128xf32, #tpu.memory_space<vmem>> -> memref<128x128xf32, #tpu.memory_space<vmem>>
      %dma_wait3A_93 = arith.constant 0 : i32
      %dma_wait3A_94 = tpu.memref_slice %arg7[%add3A_10, %dma_wait3A_93] : memref<10240x128xf32, #tpu.memory_space<vmem_shared>> -> memref<128x128xf32, #tpu.memory_space<vmem_shared>>
      %dma_wait3A_95 = arith.constant 0 : i32
      %dma_wait3A_96 = tpu.memref_slice %arg7[%add3A_10, %dma_wait3A_95] : memref<10240x128xf32, #tpu.memory_space<vmem_shared>> -> memref<128x128xf32, #tpu.memory_space<vmem_shared>>
      %dma_wait3A_97 = arith.constant 0 : i32
      %dma_wait3A_98 = arith.constant 0 : i32
      %dma_wait3A_99 = tpu.memref_slice %arg11[%dma_wait3A_97, %dma_wait3A_98] : memref<128x128xf32, #tpu.memory_space<vmem>> -> memref<128x128xf32, #tpu.memory_space<vmem>>
      tpu.wait_dma2 semaphore(%run_scoped3A : memref<!tpu.dma_semaphore, #tpu.memory_space<semaphore_mem>>) src(%dma_wait3A_99 : memref<128x128xf32, #tpu.memory_space<vmem>>) dst(%dma_wait3A_96 : memref<128x128xf32, #tpu.memory_space<vmem_shared>>)
      tpu.yield
    }) : () -> ()
    %mul3A_11 = arith.constant 640 : i32
    %mul3A_12 = arith.muli %arg1, %mul3A_11 : i32
    %add3A_13 = arith.constant 256 : i32
    %add3A_14 = arith.addi %mul3A_12, %add3A_13 : i32
    "tpu.region"() ({
      %run_scoped3A = tpu.sem_alloc : memref<!tpu.dma_semaphore, #tpu.memory_space<semaphore_mem>>
      %dma_start3A_80 = arith.constant 0 : i32
      %dma_start3A_81 = arith.constant 0 : i32
      %dma_start3A_82 = tpu.memref_slice %arg11[%dma_start3A_80, %dma_start3A_81] : memref<128x128xf32, #tpu.memory_space<vmem>> -> memref<128x128xf32, #tpu.memory_space<vmem>>
      %dma_start3A_83 = arith.constant 0 : i32
      %dma_start3A_84 = tpu.memref_slice %arg7[%add3A_14, %dma_start3A_83] : memref<10240x128xf32, #tpu.memory_space<vmem_shared>> -> memref<128x128xf32, #tpu.memory_space<vmem_shared>>
      %dma_start3A_85 = arith.constant 0 : i32
      %dma_start3A_86 = tpu.memref_slice %arg7[%add3A_14, %dma_start3A_85] : memref<10240x128xf32, #tpu.memory_space<vmem_shared>> -> memref<128x128xf32, #tpu.memory_space<vmem_shared>>
      %dma_start3A_87 = arith.constant 0 : i32
      %dma_start3A_88 = arith.constant 0 : i32
      %dma_start3A_89 = tpu.memref_slice %arg11[%dma_start3A_87, %dma_start3A_88] : memref<128x128xf32, #tpu.memory_space<vmem>> -> memref<128x128xf32, #tpu.memory_space<vmem>>
      tpu.enqueue_dma source(%dma_start3A_89 : memref<128x128xf32, #tpu.memory_space<vmem>>) target(%dma_start3A_86 : memref<128x128xf32, #tpu.memory_space<vmem_shared>>) target_semaphore(%run_scoped3A : memref<!tpu.dma_semaphore, #tpu.memory_space<semaphore_mem>>)
      %dma_wait3A_90 = arith.constant 0 : i32
      %dma_wait3A_91 = arith.constant 0 : i32
      %dma_wait3A_92 = tpu.memref_slice %arg11[%dma_wait3A_90, %dma_wait3A_91] : memref<128x128xf32, #tpu.memory_space<vmem>> -> memref<128x128xf32, #tpu.memory_space<vmem>>
      %dma_wait3A_93 = arith.constant 0 : i32
      %dma_wait3A_94 = tpu.memref_slice %arg7[%add3A_14, %dma_wait3A_93] : memref<10240x128xf32, #tpu.memory_space<vmem_shared>> -> memref<128x128xf32, #tpu.memory_space<vmem_shared>>
      %dma_wait3A_95 = arith.constant 0 : i32
      %dma_wait3A_96 = tpu.memref_slice %arg7[%add3A_14, %dma_wait3A_95] : memref<10240x128xf32, #tpu.memory_space<vmem_shared>> -> memref<128x128xf32, #tpu.memory_space<vmem_shared>>
      %dma_wait3A_97 = arith.constant 0 : i32
      %dma_wait3A_98 = arith.constant 0 : i32
      %dma_wait3A_99 = tpu.memref_slice %arg11[%dma_wait3A_97, %dma_wait3A_98] : memref<128x128xf32, #tpu.memory_space<vmem>> -> memref<128x128xf32, #tpu.memory_space<vmem>>
      tpu.wait_dma2 semaphore(%run_scoped3A : memref<!tpu.dma_semaphore, #tpu.memory_space<semaphore_mem>>) src(%dma_wait3A_99 : memref<128x128xf32, #tpu.memory_space<vmem>>) dst(%dma_wait3A_96 : memref<128x128xf32, #tpu.memory_space<vmem_shared>>)
      tpu.yield
    }) : () -> ()
    %mul3A_15 = arith.constant 640 : i32
    %mul3A_16 = arith.muli %arg1, %mul3A_15 : i32
    %add3A_17 = arith.constant 384 : i32
    %add3A_18 = arith.addi %mul3A_16, %add3A_17 : i32
    "tpu.region"() ({
      %run_scoped3A = tpu.sem_alloc : memref<!tpu.dma_semaphore, #tpu.memory_space<semaphore_mem>>
      %dma_start3A_80 = arith.constant 0 : i32
      %dma_start3A_81 = arith.constant 0 : i32
      %dma_start3A_82 = tpu.memref_slice %arg11[%dma_start3A_80, %dma_start3A_81] : memref<128x128xf32, #tpu.memory_space<vmem>> -> memref<128x128xf32, #tpu.memory_space<vmem>>
      %dma_start3A_83 = arith.constant 0 : i32
      %dma_start3A_84 = tpu.memref_slice %arg7[%add3A_18, %dma_start3A_83] : memref<10240x128xf32, #tpu.memory_space<vmem_shared>> -> memref<128x128xf32, #tpu.memory_space<vmem_shared>>
      %dma_start3A_85 = arith.constant 0 : i32
      %dma_start3A_86 = tpu.memref_slice %arg7[%add3A_18, %dma_start3A_85] : memref<10240x128xf32, #tpu.memory_space<vmem_shared>> -> memref<128x128xf32, #tpu.memory_space<vmem_shared>>
      %dma_start3A_87 = arith.constant 0 : i32
      %dma_start3A_88 = arith.constant 0 : i32
      %dma_start3A_89 = tpu.memref_slice %arg11[%dma_start3A_87, %dma_start3A_88] : memref<128x128xf32, #tpu.memory_space<vmem>> -> memref<128x128xf32, #tpu.memory_space<vmem>>
      tpu.enqueue_dma source(%dma_start3A_89 : memref<128x128xf32, #tpu.memory_space<vmem>>) target(%dma_start3A_86 : memref<128x128xf32, #tpu.memory_space<vmem_shared>>) target_semaphore(%run_scoped3A : memref<!tpu.dma_semaphore, #tpu.memory_space<semaphore_mem>>)
      %dma_wait3A_90 = arith.constant 0 : i32
      %dma_wait3A_91 = arith.constant 0 : i32
      %dma_wait3A_92 = tpu.memref_slice %arg11[%dma_wait3A_90, %dma_wait3A_91] : memref<128x128xf32, #tpu.memory_space<vmem>> -> memref<128x128xf32, #tpu.memory_space<vmem>>
      %dma_wait3A_93 = arith.constant 0 : i32
      %dma_wait3A_94 = tpu.memref_slice %arg7[%add3A_18, %dma_wait3A_93] : memref<10240x128xf32, #tpu.memory_space<vmem_shared>> -> memref<128x128xf32, #tpu.memory_space<vmem_shared>>
      %dma_wait3A_95 = arith.constant 0 : i32
      %dma_wait3A_96 = tpu.memref_slice %arg7[%add3A_18, %dma_wait3A_95] : memref<10240x128xf32, #tpu.memory_space<vmem_shared>> -> memref<128x128xf32, #tpu.memory_space<vmem_shared>>
      %dma_wait3A_97 = arith.constant 0 : i32
      %dma_wait3A_98 = arith.constant 0 : i32
      %dma_wait3A_99 = tpu.memref_slice %arg11[%dma_wait3A_97, %dma_wait3A_98] : memref<128x128xf32, #tpu.memory_space<vmem>> -> memref<128x128xf32, #tpu.memory_space<vmem>>
      tpu.wait_dma2 semaphore(%run_scoped3A : memref<!tpu.dma_semaphore, #tpu.memory_space<semaphore_mem>>) src(%dma_wait3A_99 : memref<128x128xf32, #tpu.memory_space<vmem>>) dst(%dma_wait3A_96 : memref<128x128xf32, #tpu.memory_space<vmem_shared>>)
      tpu.yield
    }) : () -> ()
    %mul3A_19 = arith.constant 640 : i32
    %mul3A_20 = arith.muli %arg1, %mul3A_19 : i32
    %add3A_21 = arith.constant 512 : i32
    %add3A_22 = arith.addi %mul3A_20, %add3A_21 : i32
    "tpu.region"() ({
      %run_scoped3A = tpu.sem_alloc : memref<!tpu.dma_semaphore, #tpu.memory_space<semaphore_mem>>
      %dma_start3A_80 = arith.constant 0 : i32
      %dma_start3A_81 = arith.constant 0 : i32
      %dma_start3A_82 = tpu.memref_slice %arg11[%dma_start3A_80, %dma_start3A_81] : memref<128x128xf32, #tpu.memory_space<vmem>> -> memref<128x128xf32, #tpu.memory_space<vmem>>
      %dma_start3A_83 = arith.constant 0 : i32
      %dma_start3A_84 = tpu.memref_slice %arg7[%add3A_22, %dma_start3A_83] : memref<10240x128xf32, #tpu.memory_space<vmem_shared>> -> memref<128x128xf32, #tpu.memory_space<vmem_shared>>
      %dma_start3A_85 = arith.constant 0 : i32
      %dma_start3A_86 = tpu.memref_slice %arg7[%add3A_22, %dma_start3A_85] : memref<10240x128xf32, #tpu.memory_space<vmem_shared>> -> memref<128x128xf32, #tpu.memory_space<vmem_shared>>
      %dma_start3A_87 = arith.constant 0 : i32
      %dma_start3A_88 = arith.constant 0 : i32
      %dma_start3A_89 = tpu.memref_slice %arg11[%dma_start3A_87, %dma_start3A_88] : memref<128x128xf32, #tpu.memory_space<vmem>> -> memref<128x128xf32, #tpu.memory_space<vmem>>
      tpu.enqueue_dma source(%dma_start3A_89 : memref<128x128xf32, #tpu.memory_space<vmem>>) target(%dma_start3A_86 : memref<128x128xf32, #tpu.memory_space<vmem_shared>>) target_semaphore(%run_scoped3A : memref<!tpu.dma_semaphore, #tpu.memory_space<semaphore_mem>>)
      %dma_wait3A_90 = arith.constant 0 : i32
      %dma_wait3A_91 = arith.constant 0 : i32
      %dma_wait3A_92 = tpu.memref_slice %arg11[%dma_wait3A_90, %dma_wait3A_91] : memref<128x128xf32, #tpu.memory_space<vmem>> -> memref<128x128xf32, #tpu.memory_space<vmem>>
      %dma_wait3A_93 = arith.constant 0 : i32
      %dma_wait3A_94 = tpu.memref_slice %arg7[%add3A_22, %dma_wait3A_93] : memref<10240x128xf32, #tpu.memory_space<vmem_shared>> -> memref<128x128xf32, #tpu.memory_space<vmem_shared>>
      %dma_wait3A_95 = arith.constant 0 : i32
      %dma_wait3A_96 = tpu.memref_slice %arg7[%add3A_22, %dma_wait3A_95] : memref<10240x128xf32, #tpu.memory_space<vmem_shared>> -> memref<128x128xf32, #tpu.memory_space<vmem_shared>>
      %dma_wait3A_97 = arith.constant 0 : i32
      %dma_wait3A_98 = arith.constant 0 : i32
      %dma_wait3A_99 = tpu.memref_slice %arg11[%dma_wait3A_97, %dma_wait3A_98] : memref<128x128xf32, #tpu.memory_space<vmem>> -> memref<128x128xf32, #tpu.memory_space<vmem>>
      tpu.wait_dma2 semaphore(%run_scoped3A : memref<!tpu.dma_semaphore, #tpu.memory_space<semaphore_mem>>) src(%dma_wait3A_99 : memref<128x128xf32, #tpu.memory_space<vmem>>) dst(%dma_wait3A_96 : memref<128x128xf32, #tpu.memory_space<vmem_shared>>)
      tpu.yield
    }) : () -> ()
    %barrier3A = arith.constant 0 : index
    tpu.barrier barrier_id(%barrier3A)
    %dma_start3A = arith.constant 0 : i32
    %dma_start3A_23 = tpu.memref_slice %arg8[%dma_start3A] : memref<10368xi32, #tpu.memory_space<vmem>> -> memref<128xi32, #tpu.memory_space<vmem>>
    %dma_start3A_24 = arith.constant 0 : i32
    %dma_start3A_25 = arith.constant 0 : i32
    %dma_start3A_26 = tpu.memref_slice %arg2[%dma_start3A_24, %dma_start3A_25] : memref<10000x128xf32, #tpu.memory_space<hbm>> -> memref<10000x128xf32, #tpu.memory_space<hbm>>
    tpu.enqueue_indirect_dma source(%dma_start3A_26 : memref<10000x128xf32, #tpu.memory_space<hbm>>) target(%arg11 : memref<128x128xf32, #tpu.memory_space<vmem>>) offsets(%dma_start3A_23 : memref<128xi32, #tpu.memory_space<vmem>>) semaphore(%arg13 : memref<!tpu.dma_semaphore, #tpu.memory_space<semaphore_mem>>)
    %add3A_27 = arith.constant 0 : i32
    %add3A_28 = arith.addi %mul3A_2, %add3A_27 : i32
    %dma_start3A_29 = tpu.memref_slice %arg4[%add3A_28] : memref<331776xi32, #tpu.memory_space<hbm>> -> memref<128xi32, #tpu.memory_space<hbm>>
    %dma_start3A_30 = tpu.memref_slice %arg4[%add3A_28] : memref<331776xi32, #tpu.memory_space<hbm>> -> memref<128xi32, #tpu.memory_space<hbm>>
    tpu.enqueue_dma source(%dma_start3A_30 : memref<128xi32, #tpu.memory_space<hbm>>) target(%arg9 : memref<128xi32, #tpu.memory_space<vmem>>) target_semaphore(%arg15 : memref<!tpu.dma_semaphore, #tpu.memory_space<semaphore_mem>>)
    %scan3A = arith.constant 0 : i32
    %scan3A_31 = arith.constant 0 : i32
    %scan3A_32 = arith.constant 40 : i32
    %scan3A_33 = arith.addi %scan3A_31, %scan3A_32 : i32
    %scan3A_34 = arith.constant 1 : i32
    scf.for %scan3A_80 = %scan3A_31 to %scan3A_33 step %scan3A_34  : i32 {
      %mul3A_81 = arith.constant 2 : i32
      %mul3A_82 = arith.muli %mul3A_81, %scan3A_80 : i32
      %add3A_83 = arith.constant 1 : i32
      %add3A_84 = arith.addi %mul3A_82, %add3A_83 : i32
      %mul3A_85 = arith.constant 128 : i32
      %mul3A_86 = arith.muli %add3A_84, %mul3A_85 : i32
      %dma_start3A_87 = tpu.memref_slice %arg8[%mul3A_86] : memref<10368xi32, #tpu.memory_space<vmem>> -> memref<128xi32, #tpu.memory_space<vmem>>
      %dma_start3A_88 = arith.constant 0 : i32
      %dma_start3A_89 = arith.constant 0 : i32
      %dma_start3A_90 = tpu.memref_slice %arg2[%dma_start3A_88, %dma_start3A_89] : memref<10000x128xf32, #tpu.memory_space<hbm>> -> memref<10000x128xf32, #tpu.memory_space<hbm>>
      tpu.enqueue_indirect_dma source(%dma_start3A_90 : memref<10000x128xf32, #tpu.memory_space<hbm>>) target(%arg12 : memref<128x128xf32, #tpu.memory_space<vmem>>) offsets(%dma_start3A_87 : memref<128xi32, #tpu.memory_space<vmem>>) semaphore(%arg14 : memref<!tpu.dma_semaphore, #tpu.memory_space<semaphore_mem>>)
      %mul3A_91 = arith.constant 128 : i32
      %mul3A_92 = arith.muli %add3A_84, %mul3A_91 : i32
      %add3A_93 = arith.addi %mul3A_2, %mul3A_92 : i32
      %dma_start3A_94 = tpu.memref_slice %arg4[%add3A_93] : memref<331776xi32, #tpu.memory_space<hbm>> -> memref<128xi32, #tpu.memory_space<hbm>>
      %dma_start3A_95 = tpu.memref_slice %arg4[%add3A_93] : memref<331776xi32, #tpu.memory_space<hbm>> -> memref<128xi32, #tpu.memory_space<hbm>>
      tpu.enqueue_dma source(%dma_start3A_95 : memref<128xi32, #tpu.memory_space<hbm>>) target(%arg10 : memref<128xi32, #tpu.memory_space<vmem>>) target_semaphore(%arg16 : memref<!tpu.dma_semaphore, #tpu.memory_space<semaphore_mem>>)
      %mul3A_96 = arith.constant 128 : i32
      %mul3A_97 = arith.muli %mul3A_82, %mul3A_96 : i32
      %add3A_98 = arith.addi %mul3A_2, %mul3A_97 : i32
      %dma_wait3A_99 = tpu.memref_slice %arg4[%add3A_98] : memref<331776xi32, #tpu.memory_space<hbm>> -> memref<128xi32, #tpu.memory_space<hbm>>
      %dma_wait3A_100 = tpu.memref_slice %arg4[%add3A_98] : memref<331776xi32, #tpu.memory_space<hbm>> -> memref<128xi32, #tpu.memory_space<hbm>>
      tpu.wait_dma2 semaphore(%arg15 : memref<!tpu.dma_semaphore, #tpu.memory_space<semaphore_mem>>) src(%dma_wait3A_100 : memref<128xi32, #tpu.memory_space<hbm>>) dst(%arg9 : memref<128xi32, #tpu.memory_space<vmem>>)
      %mul3A_101 = arith.constant 128 : i32
      %mul3A_102 = arith.muli %mul3A_82, %mul3A_101 : i32
      %dma_wait3A_103 = tpu.memref_slice %arg8[%mul3A_102] : memref<10368xi32, #tpu.memory_space<vmem>> -> memref<128xi32, #tpu.memory_space<vmem>>
      %dma_wait3A_104 = arith.constant 0 : i32
      %dma_wait3A_105 = arith.constant 0 : i32
      %dma_wait3A_106 = tpu.memref_slice %arg2[%dma_wait3A_104, %dma_wait3A_105] : memref<10000x128xf32, #tpu.memory_space<hbm>> -> memref<10000x128xf32, #tpu.memory_space<hbm>>
      tpu.wait_indirect_dma semaphore(%arg13 : memref<!tpu.dma_semaphore, #tpu.memory_space<semaphore_mem>>) src(%dma_wait3A_106 : memref<10000x128xf32, #tpu.memory_space<hbm>>) dst(%arg11 : memref<128x128xf32, #tpu.memory_space<vmem>>)
      "tpu.region"() ({
        %run_scoped3A = tpu.sem_alloc : memref<!tpu.dma_semaphore, #tpu.memory_space<semaphore_mem>>
        %dma_start3A_133 = arith.constant 0 : i32
        %dma_start3A_134 = arith.constant 0 : i32
        %dma_start3A_135 = tpu.memref_slice %arg7[%dma_start3A_133, %dma_start3A_134] : memref<10240x128xf32, #tpu.memory_space<vmem_shared>> -> memref<10240x128xf32, #tpu.memory_space<vmem_shared>>
        tpu.enqueue_indirect_dma source(%arg11 : memref<128x128xf32, #tpu.memory_space<vmem>>) target(%dma_start3A_135 : memref<10240x128xf32, #tpu.memory_space<vmem_shared>>) offsets(%arg9 : memref<128xi32, #tpu.memory_space<vmem>>) semaphore(%run_scoped3A : memref<!tpu.dma_semaphore, #tpu.memory_space<semaphore_mem>>) {add = true}
        %dma_wait3A_136 = arith.constant 0 : i32
        %dma_wait3A_137 = arith.constant 0 : i32
        %dma_wait3A_138 = tpu.memref_slice %arg7[%dma_wait3A_136, %dma_wait3A_137] : memref<10240x128xf32, #tpu.memory_space<vmem_shared>> -> memref<10240x128xf32, #tpu.memory_space<vmem_shared>>
        tpu.wait_indirect_dma semaphore(%run_scoped3A : memref<!tpu.dma_semaphore, #tpu.memory_space<semaphore_mem>>) src(%arg11 : memref<128x128xf32, #tpu.memory_space<vmem>>) dst(%dma_wait3A_138 : memref<10240x128xf32, #tpu.memory_space<vmem_shared>>)
        tpu.yield
      }) : () -> ()
      %add3A_107 = arith.constant 2 : i32
      %add3A_108 = arith.addi %mul3A_82, %add3A_107 : i32
      %mul3A_109 = arith.constant 128 : i32
      %mul3A_110 = arith.muli %add3A_108, %mul3A_109 : i32
      %dma_start3A_111 = tpu.memref_slice %arg8[%mul3A_110] : memref<10368xi32, #tpu.memory_space<vmem>> -> memref<128xi32, #tpu.memory_space<vmem>>
      %dma_start3A_112 = arith.constant 0 : i32
      %dma_start3A_113 = arith.constant 0 : i32
      %dma_start3A_114 = tpu.memref_slice %arg2[%dma_start3A_112, %dma_start3A_113] : memref<10000x128xf32, #tpu.memory_space<hbm>> -> memref<10000x128xf32, #tpu.memory_space<hbm>>
      tpu.enqueue_indirect_dma source(%dma_start3A_114 : memref<10000x128xf32, #tpu.memory_space<hbm>>) target(%arg11 : memref<128x128xf32, #tpu.memory_space<vmem>>) offsets(%dma_start3A_111 : memref<128xi32, #tpu.memory_space<vmem>>) semaphore(%arg13 : memref<!tpu.dma_semaphore, #tpu.memory_space<semaphore_mem>>)
      %mul3A_115 = arith.constant 128 : i32
      %mul3A_116 = arith.muli %add3A_108, %mul3A_115 : i32
      %add3A_117 = arith.addi %mul3A_2, %mul3A_116 : i32
      %dma_start3A_118 = tpu.memref_slice %arg4[%add3A_117] : memref<331776xi32, #tpu.memory_space<hbm>> -> memref<128xi32, #tpu.memory_space<hbm>>
      %dma_start3A_119 = tpu.memref_slice %arg4[%add3A_117] : memref<331776xi32, #tpu.memory_space<hbm>> -> memref<128xi32, #tpu.memory_space<hbm>>
      tpu.enqueue_dma source(%dma_start3A_119 : memref<128xi32, #tpu.memory_space<hbm>>) target(%arg9 : memref<128xi32, #tpu.memory_space<vmem>>) target_semaphore(%arg15 : memref<!tpu.dma_semaphore, #tpu.memory_space<semaphore_mem>>)
      %add3A_120 = arith.constant 1 : i32
      %add3A_121 = arith.addi %mul3A_82, %add3A_120 : i32
      %mul3A_122 = arith.constant 128 : i32
      %mul3A_123 = arith.muli %add3A_121, %mul3A_122 : i32
      %add3A_124 = arith.addi %mul3A_2, %mul3A_123 : i32
      %dma_wait3A_125 = tpu.memref_slice %arg4[%add3A_124] : memref<331776xi32, #tpu.memory_space<hbm>> -> memref<128xi32, #tpu.memory_space<hbm>>
      %dma_wait3A_126 = tpu.memref_slice %arg4[%add3A_124] : memref<331776xi32, #tpu.memory_space<hbm>> -> memref<128xi32, #tpu.memory_space<hbm>>
      tpu.wait_dma2 semaphore(%arg16 : memref<!tpu.dma_semaphore, #tpu.memory_space<semaphore_mem>>) src(%dma_wait3A_126 : memref<128xi32, #tpu.memory_space<hbm>>) dst(%arg10 : memref<128xi32, #tpu.memory_space<vmem>>)
      %mul3A_127 = arith.constant 128 : i32
      %mul3A_128 = arith.muli %add3A_121, %mul3A_127 : i32
      %dma_wait3A_129 = tpu.memref_slice %arg8[%mul3A_128] : memref<10368xi32, #tpu.memory_space<vmem>> -> memref<128xi32, #tpu.memory_space<vmem>>
      %dma_wait3A_130 = arith.constant 0 : i32
      %dma_wait3A_131 = arith.constant 0 : i32
      %dma_wait3A_132 = tpu.memref_slice %arg2[%dma_wait3A_130, %dma_wait3A_131] : memref<10000x128xf32, #tpu.memory_space<hbm>> -> memref<10000x128xf32, #tpu.memory_space<hbm>>
      tpu.wait_indirect_dma semaphore(%arg14 : memref<!tpu.dma_semaphore, #tpu.memory_space<semaphore_mem>>) src(%dma_wait3A_132 : memref<10000x128xf32, #tpu.memory_space<hbm>>) dst(%arg12 : memref<128x128xf32, #tpu.memory_space<vmem>>)
      "tpu.region"() ({
        %run_scoped3A = tpu.sem_alloc : memref<!tpu.dma_semaphore, #tpu.memory_space<semaphore_mem>>
        %dma_start3A_133 = arith.constant 0 : i32
        %dma_start3A_134 = arith.constant 0 : i32
        %dma_start3A_135 = tpu.memref_slice %arg7[%dma_start3A_133, %dma_start3A_134] : memref<10240x128xf32, #tpu.memory_space<vmem_shared>> -> memref<10240x128xf32, #tpu.memory_space<vmem_shared>>
        tpu.enqueue_indirect_dma source(%arg12 : memref<128x128xf32, #tpu.memory_space<vmem>>) target(%dma_start3A_135 : memref<10240x128xf32, #tpu.memory_space<vmem_shared>>) offsets(%arg10 : memref<128xi32, #tpu.memory_space<vmem>>) semaphore(%run_scoped3A : memref<!tpu.dma_semaphore, #tpu.memory_space<semaphore_mem>>) {add = true}
        %dma_wait3A_136 = arith.constant 0 : i32
        %dma_wait3A_137 = arith.constant 0 : i32
        %dma_wait3A_138 = tpu.memref_slice %arg7[%dma_wait3A_136, %dma_wait3A_137] : memref<10240x128xf32, #tpu.memory_space<vmem_shared>> -> memref<10240x128xf32, #tpu.memory_space<vmem_shared>>
        tpu.wait_indirect_dma semaphore(%run_scoped3A : memref<!tpu.dma_semaphore, #tpu.memory_space<semaphore_mem>>) src(%arg12 : memref<128x128xf32, #tpu.memory_space<vmem>>) dst(%dma_wait3A_138 : memref<10240x128xf32, #tpu.memory_space<vmem_shared>>)
        tpu.yield
      }) : () -> ()
    }
    %scan3A_35 = arith.constant 40 : i32
    %add3A_36 = arith.constant 10240 : i32
    %add3A_37 = arith.addi %mul3A_2, %add3A_36 : i32
    %dma_wait3A = tpu.memref_slice %arg4[%add3A_37] : memref<331776xi32, #tpu.memory_space<hbm>> -> memref<128xi32, #tpu.memory_space<hbm>>
    %dma_wait3A_38 = tpu.memref_slice %arg4[%add3A_37] : memref<331776xi32, #tpu.memory_space<hbm>> -> memref<128xi32, #tpu.memory_space<hbm>>
    tpu.wait_dma2 semaphore(%arg15 : memref<!tpu.dma_semaphore, #tpu.memory_space<semaphore_mem>>) src(%dma_wait3A_38 : memref<128xi32, #tpu.memory_space<hbm>>) dst(%arg9 : memref<128xi32, #tpu.memory_space<vmem>>)
    %dma_wait3A_39 = arith.constant 10240 : i32
    %dma_wait3A_40 = tpu.memref_slice %arg8[%dma_wait3A_39] : memref<10368xi32, #tpu.memory_space<vmem>> -> memref<128xi32, #tpu.memory_space<vmem>>
    %dma_wait3A_41 = arith.constant 0 : i32
    %dma_wait3A_42 = arith.constant 0 : i32
    %dma_wait3A_43 = tpu.memref_slice %arg2[%dma_wait3A_41, %dma_wait3A_42] : memref<10000x128xf32, #tpu.memory_space<hbm>> -> memref<10000x128xf32, #tpu.memory_space<hbm>>
    tpu.wait_indirect_dma semaphore(%arg13 : memref<!tpu.dma_semaphore, #tpu.memory_space<semaphore_mem>>) src(%dma_wait3A_43 : memref<10000x128xf32, #tpu.memory_space<hbm>>) dst(%arg11 : memref<128x128xf32, #tpu.memory_space<vmem>>)
    "tpu.region"() ({
      %run_scoped3A = tpu.sem_alloc : memref<!tpu.dma_semaphore, #tpu.memory_space<semaphore_mem>>
      %dma_start3A_80 = arith.constant 0 : i32
      %dma_start3A_81 = arith.constant 0 : i32
      %dma_start3A_82 = tpu.memref_slice %arg7[%dma_start3A_80, %dma_start3A_81] : memref<10240x128xf32, #tpu.memory_space<vmem_shared>> -> memref<10240x128xf32, #tpu.memory_space<vmem_shared>>
      tpu.enqueue_indirect_dma source(%arg11 : memref<128x128xf32, #tpu.memory_space<vmem>>) target(%dma_start3A_82 : memref<10240x128xf32, #tpu.memory_space<vmem_shared>>) offsets(%arg9 : memref<128xi32, #tpu.memory_space<vmem>>) semaphore(%run_scoped3A : memref<!tpu.dma_semaphore, #tpu.memory_space<semaphore_mem>>) {add = true}
      %dma_wait3A_83 = arith.constant 0 : i32
      %dma_wait3A_84 = arith.constant 0 : i32
      %dma_wait3A_85 = tpu.memref_slice %arg7[%dma_wait3A_83, %dma_wait3A_84] : memref<10240x128xf32, #tpu.memory_space<vmem_shared>> -> memref<10240x128xf32, #tpu.memory_space<vmem_shared>>
      tpu.wait_indirect_dma semaphore(%run_scoped3A : memref<!tpu.dma_semaphore, #tpu.memory_space<semaphore_mem>>) src(%arg11 : memref<128x128xf32, #tpu.memory_space<vmem>>) dst(%dma_wait3A_85 : memref<10240x128xf32, #tpu.memory_space<vmem_shared>>)
      tpu.yield
    }) : () -> ()
    %barrier3A_44 = arith.constant 0 : index
    tpu.barrier barrier_id(%barrier3A_44)
    %mul3A_45 = arith.constant 640 : i32
    %mul3A_46 = arith.muli %arg1, %mul3A_45 : i32
    %add3A_47 = arith.constant 0 : i32
    %add3A_48 = arith.addi %mul3A_46, %add3A_47 : i32
    %mul3A_49 = arith.constant 10240 : i32
    %mul3A_50 = arith.muli %arg0, %mul3A_49 : i32
    %add3A_51 = arith.addi %mul3A_50, %add3A_48 : i32
    "tpu.region"() ({
      %run_scoped3A = tpu.sem_alloc : memref<!tpu.dma_semaphore, #tpu.memory_space<semaphore_mem>>
      %dma_start3A_80 = arith.constant 0 : i32
      %dma_start3A_81 = tpu.memref_slice %arg6[%add3A_51, %dma_start3A_80] : memref<20480x128xf32, #tpu.memory_space<hbm>> -> memref<128x128xf32, #tpu.memory_space<hbm>>
      %dma_start3A_82 = arith.constant 0 : i32
      %dma_start3A_83 = tpu.memref_slice %arg7[%add3A_48, %dma_start3A_82] : memref<10240x128xf32, #tpu.memory_space<vmem_shared>> -> memref<128x128xf32, #tpu.memory_space<vmem_shared>>
      tpu.enqueue_dma source(%dma_start3A_83 : memref<128x128xf32, #tpu.memory_space<vmem_shared>>) target(%dma_start3A_81 : memref<128x128xf32, #tpu.memory_space<hbm>>) target_semaphore(%run_scoped3A : memref<!tpu.dma_semaphore, #tpu.memory_space<semaphore_mem>>)
      %dma_wait3A_84 = arith.constant 0 : i32
      %dma_wait3A_85 = tpu.memref_slice %arg6[%add3A_51, %dma_wait3A_84] : memref<20480x128xf32, #tpu.memory_space<hbm>> -> memref<128x128xf32, #tpu.memory_space<hbm>>
      %dma_wait3A_86 = arith.constant 0 : i32
      %dma_wait3A_87 = tpu.memref_slice %arg7[%add3A_48, %dma_wait3A_86] : memref<10240x128xf32, #tpu.memory_space<vmem_shared>> -> memref<128x128xf32, #tpu.memory_space<vmem_shared>>
      tpu.wait_dma2 semaphore(%run_scoped3A : memref<!tpu.dma_semaphore, #tpu.memory_space<semaphore_mem>>) src(%dma_wait3A_87 : memref<128x128xf32, #tpu.memory_space<vmem_shared>>) dst(%dma_wait3A_85 : memref<128x128xf32, #tpu.memory_space<hbm>>)
      tpu.yield
    }) : () -> ()
    %mul3A_52 = arith.constant 640 : i32
    %mul3A_53 = arith.muli %arg1, %mul3A_52 : i32
    %add3A_54 = arith.constant 128 : i32
    %add3A_55 = arith.addi %mul3A_53, %add3A_54 : i32
    %mul3A_56 = arith.constant 10240 : i32
    %mul3A_57 = arith.muli %arg0, %mul3A_56 : i32
    %add3A_58 = arith.addi %mul3A_57, %add3A_55 : i32
    "tpu.region"() ({
      %run_scoped3A = tpu.sem_alloc : memref<!tpu.dma_semaphore, #tpu.memory_space<semaphore_mem>>
      %dma_start3A_80 = arith.constant 0 : i32
      %dma_start3A_81 = tpu.memref_slice %arg6[%add3A_58, %dma_start3A_80] : memref<20480x128xf32, #tpu.memory_space<hbm>> -> memref<128x128xf32, #tpu.memory_space<hbm>>
      %dma_start3A_82 = arith.constant 0 : i32
      %dma_start3A_83 = tpu.memref_slice %arg7[%add3A_55, %dma_start3A_82] : memref<10240x128xf32, #tpu.memory_space<vmem_shared>> -> memref<128x128xf32, #tpu.memory_space<vmem_shared>>
      tpu.enqueue_dma source(%dma_start3A_83 : memref<128x128xf32, #tpu.memory_space<vmem_shared>>) target(%dma_start3A_81 : memref<128x128xf32, #tpu.memory_space<hbm>>) target_semaphore(%run_scoped3A : memref<!tpu.dma_semaphore, #tpu.memory_space<semaphore_mem>>)
      %dma_wait3A_84 = arith.constant 0 : i32
      %dma_wait3A_85 = tpu.memref_slice %arg6[%add3A_58, %dma_wait3A_84] : memref<20480x128xf32, #tpu.memory_space<hbm>> -> memref<128x128xf32, #tpu.memory_space<hbm>>
      %dma_wait3A_86 = arith.constant 0 : i32
      %dma_wait3A_87 = tpu.memref_slice %arg7[%add3A_55, %dma_wait3A_86] : memref<10240x128xf32, #tpu.memory_space<vmem_shared>> -> memref<128x128xf32, #tpu.memory_space<vmem_shared>>
      tpu.wait_dma2 semaphore(%run_scoped3A : memref<!tpu.dma_semaphore, #tpu.memory_space<semaphore_mem>>) src(%dma_wait3A_87 : memref<128x128xf32, #tpu.memory_space<vmem_shared>>) dst(%dma_wait3A_85 : memref<128x128xf32, #tpu.memory_space<hbm>>)
      tpu.yield
    }) : () -> ()
    %mul3A_59 = arith.constant 640 : i32
    %mul3A_60 = arith.muli %arg1, %mul3A_59 : i32
    %add3A_61 = arith.constant 256 : i32
    %add3A_62 = arith.addi %mul3A_60, %add3A_61 : i32
    %mul3A_63 = arith.constant 10240 : i32
    %mul3A_64 = arith.muli %arg0, %mul3A_63 : i32
    %add3A_65 = arith.addi %mul3A_64, %add3A_62 : i32
    "tpu.region"() ({
      %run_scoped3A = tpu.sem_alloc : memref<!tpu.dma_semaphore, #tpu.memory_space<semaphore_mem>>
      %dma_start3A_80 = arith.constant 0 : i32
      %dma_start3A_81 = tpu.memref_slice %arg6[%add3A_65, %dma_start3A_80] : memref<20480x128xf32, #tpu.memory_space<hbm>> -> memref<128x128xf32, #tpu.memory_space<hbm>>
      %dma_start3A_82 = arith.constant 0 : i32
      %dma_start3A_83 = tpu.memref_slice %arg7[%add3A_62, %dma_start3A_82] : memref<10240x128xf32, #tpu.memory_space<vmem_shared>> -> memref<128x128xf32, #tpu.memory_space<vmem_shared>>
      tpu.enqueue_dma source(%dma_start3A_83 : memref<128x128xf32, #tpu.memory_space<vmem_shared>>) target(%dma_start3A_81 : memref<128x128xf32, #tpu.memory_space<hbm>>) target_semaphore(%run_scoped3A : memref<!tpu.dma_semaphore, #tpu.memory_space<semaphore_mem>>)
      %dma_wait3A_84 = arith.constant 0 : i32
      %dma_wait3A_85 = tpu.memref_slice %arg6[%add3A_65, %dma_wait3A_84] : memref<20480x128xf32, #tpu.memory_space<hbm>> -> memref<128x128xf32, #tpu.memory_space<hbm>>
      %dma_wait3A_86 = arith.constant 0 : i32
      %dma_wait3A_87 = tpu.memref_slice %arg7[%add3A_62, %dma_wait3A_86] : memref<10240x128xf32, #tpu.memory_space<vmem_shared>> -> memref<128x128xf32, #tpu.memory_space<vmem_shared>>
      tpu.wait_dma2 semaphore(%run_scoped3A : memref<!tpu.dma_semaphore, #tpu.memory_space<semaphore_mem>>) src(%dma_wait3A_87 : memref<128x128xf32, #tpu.memory_space<vmem_shared>>) dst(%dma_wait3A_85 : memref<128x128xf32, #tpu.memory_space<hbm>>)
      tpu.yield
    }) : () -> ()
    %mul3A_66 = arith.constant 640 : i32
    %mul3A_67 = arith.muli %arg1, %mul3A_66 : i32
    %add3A_68 = arith.constant 384 : i32
    %add3A_69 = arith.addi %mul3A_67, %add3A_68 : i32
    %mul3A_70 = arith.constant 10240 : i32
    %mul3A_71 = arith.muli %arg0, %mul3A_70 : i32
    %add3A_72 = arith.addi %mul3A_71, %add3A_69 : i32
    "tpu.region"() ({
      %run_scoped3A = tpu.sem_alloc : memref<!tpu.dma_semaphore, #tpu.memory_space<semaphore_mem>>
      %dma_start3A_80 = arith.constant 0 : i32
      %dma_start3A_81 = tpu.memref_slice %arg6[%add3A_72, %dma_start3A_80] : memref<20480x128xf32, #tpu.memory_space<hbm>> -> memref<128x128xf32, #tpu.memory_space<hbm>>
      %dma_start3A_82 = arith.constant 0 : i32
      %dma_start3A_83 = tpu.memref_slice %arg7[%add3A_69, %dma_start3A_82] : memref<10240x128xf32, #tpu.memory_space<vmem_shared>> -> memref<128x128xf32, #tpu.memory_space<vmem_shared>>
      tpu.enqueue_dma source(%dma_start3A_83 : memref<128x128xf32, #tpu.memory_space<vmem_shared>>) target(%dma_start3A_81 : memref<128x128xf32, #tpu.memory_space<hbm>>) target_semaphore(%run_scoped3A : memref<!tpu.dma_semaphore, #tpu.memory_space<semaphore_mem>>)
      %dma_wait3A_84 = arith.constant 0 : i32
      %dma_wait3A_85 = tpu.memref_slice %arg6[%add3A_72, %dma_wait3A_84] : memref<20480x128xf32, #tpu.memory_space<hbm>> -> memref<128x128xf32, #tpu.memory_space<hbm>>
      %dma_wait3A_86 = arith.constant 0 : i32
      %dma_wait3A_87 = tpu.memref_slice %arg7[%add3A_69, %dma_wait3A_86] : memref<10240x128xf32, #tpu.memory_space<vmem_shared>> -> memref<128x128xf32, #tpu.memory_space<vmem_shared>>
      tpu.wait_dma2 semaphore(%run_scoped3A : memref<!tpu.dma_semaphore, #tpu.memory_space<semaphore_mem>>) src(%dma_wait3A_87 : memref<128x128xf32, #tpu.memory_space<vmem_shared>>) dst(%dma_wait3A_85 : memref<128x128xf32, #tpu.memory_space<hbm>>)
      tpu.yield
    }) : () -> ()
    %mul3A_73 = arith.constant 640 : i32
    %mul3A_74 = arith.muli %arg1, %mul3A_73 : i32
    %add3A_75 = arith.constant 512 : i32
    %add3A_76 = arith.addi %mul3A_74, %add3A_75 : i32
    %mul3A_77 = arith.constant 10240 : i32
    %mul3A_78 = arith.muli %arg0, %mul3A_77 : i32
    %add3A_79 = arith.addi %mul3A_78, %add3A_76 : i32
    "tpu.region"() ({
      %run_scoped3A = tpu.sem_alloc : memref<!tpu.dma_semaphore, #tpu.memory_space<semaphore_mem>>
      %dma_start3A_80 = arith.constant 0 : i32
      %dma_start3A_81 = tpu.memref_slice %arg6[%add3A_79, %dma_start3A_80] : memref<20480x128xf32, #tpu.memory_space<hbm>> -> memref<128x128xf32, #tpu.memory_space<hbm>>
      %dma_start3A_82 = arith.constant 0 : i32
      %dma_start3A_83 = tpu.memref_slice %arg7[%add3A_76, %dma_start3A_82] : memref<10240x128xf32, #tpu.memory_space<vmem_shared>> -> memref<128x128xf32, #tpu.memory_space<vmem_shared>>
      tpu.enqueue_dma source(%dma_start3A_83 : memref<128x128xf32, #tpu.memory_space<vmem_shared>>) target(%dma_start3A_81 : memref<128x128xf32, #tpu.memory_space<hbm>>) target_semaphore(%run_scoped3A : memref<!tpu.dma_semaphore, #tpu.memory_space<semaphore_mem>>)
      %dma_wait3A_84 = arith.constant 0 : i32
      %dma_wait3A_85 = tpu.memref_slice %arg6[%add3A_79, %dma_wait3A_84] : memref<20480x128xf32, #tpu.memory_space<hbm>> -> memref<128x128xf32, #tpu.memory_space<hbm>>
      %dma_wait3A_86 = arith.constant 0 : i32
      %dma_wait3A_87 = tpu.memref_slice %arg7[%add3A_76, %dma_wait3A_86] : memref<10240x128xf32, #tpu.memory_space<vmem_shared>> -> memref<128x128xf32, #tpu.memory_space<vmem_shared>>
      tpu.wait_dma2 semaphore(%run_scoped3A : memref<!tpu.dma_semaphore, #tpu.memory_space<semaphore_mem>>) src(%dma_wait3A_87 : memref<128x128xf32, #tpu.memory_space<vmem_shared>>) dst(%dma_wait3A_85 : memref<128x128xf32, #tpu.memory_space<hbm>>)
      tpu.yield
    }) : () -> ()
    return
  }
}

module attributes {stable_mosaic.version = 14 : i64} {
  func.func @body(%arg0: i32, %arg1: memref<400x128xf32, #tpu.memory_space<vmem>>, %arg2: memref<2x400x16xf32, #tpu.memory_space<vmem>>, %arg3: memref<400x128xf32, #tpu.memory_space<vmem>>) attributes {dimension_semantics = [#tpu.dimension_semantics<arbitrary>], iteration_bounds = array<i64: 25>, scalar_prefetch = 0 : i64, scratch_operands = 0 : i64, tpu.core_type = #tpu.core_type<tc>, window_params = [{transform_indices = @transform_0, window_bounds = array<i64: 400, 128>}, {transform_indices = @transform_1, window_bounds = array<i64: 2, 400, 16>}, {transform_indices = @transform_2, window_bounds = array<i64: 400, 128>}]} {
    %get3A = arith.constant 0 : index
    %get3A_0 = arith.constant 0 : index
    %get3A_1 = vector.load %arg1[%get3A, %get3A_0] : memref<400x128xf32, #tpu.memory_space<vmem>>, vector<400x128xf32>
    %get3A_2 = arith.constant 0 : index
    %get3A_3 = arith.constant 0 : index
    %get3A_4 = arith.constant 0 : index
    %get3A_5 = vector.load %arg2[%get3A_2, %get3A_3, %get3A_4] : memref<2x400x16xf32, #tpu.memory_space<vmem>>, vector<1x400x16xf32>
    %get3A_6 = vector.shape_cast %get3A_5 : vector<1x400x16xf32> to vector<400x16xf32>
    %get3A_7 = arith.constant 1 : index
    %get3A_8 = arith.constant 0 : index
    %get3A_9 = arith.constant 0 : index
    %get3A_10 = vector.load %arg2[%get3A_7, %get3A_8, %get3A_9] : memref<2x400x16xf32, #tpu.memory_space<vmem>>, vector<1x400x16xf32>
    %get3A_11 = vector.shape_cast %get3A_10 : vector<1x400x16xf32> to vector<400x16xf32>
    %add3A = arith.addf %get3A_6, %get3A_11 : vector<400x16xf32>
    %slice3A = vector.extract_strided_slice %add3A {offsets = [0, 0], sizes = [400, 1], strides = [1, 1]} : vector<400x16xf32> to vector<400x1xf32>
    %rsqrt3A = math.rsqrt %slice3A : vector<400x1xf32>
    %mul3A = vector.broadcast %rsqrt3A : vector<400x1xf32> to vector<400x128xf32>
    %mul3A_12 = arith.mulf %get3A_1, %mul3A : vector<400x128xf32>
    %swap3A = arith.constant 0 : index
    %swap3A_13 = arith.constant 0 : index
    %swap3A_14 = vector.load %arg3[%swap3A, %swap3A_13] : memref<400x128xf32, #tpu.memory_space<vmem>>, vector<400x128xf32>
    tpu.vector_store %arg3[%swap3A, %swap3A_13], %mul3A_12 {strides = array<i32>} : memref<400x128xf32, #tpu.memory_space<vmem>>, vector<400x128xf32>,
    return
  }
  func.func @transform_0(%arg0: i32) -> (i32, i32) {
    %c0_i32 = arith.constant 0 : i32
    %c0_i32_0 = arith.constant 0 : i32
    return %arg0, %c0_i32 : i32, i32
  }
  func.func @transform_1(%arg0: i32) -> (i32, i32, i32) {
    %c0_i32 = arith.constant 0 : i32
    %c0_i32_0 = arith.constant 0 : i32
    %c0_i32_1 = arith.constant 0 : i32
    return %c0_i32, %arg0, %c0_i32_0 : i32, i32, i32
  }
  func.func @transform_2(%arg0: i32) -> (i32, i32) {
    %c0_i32 = arith.constant 0 : i32
    %c0_i32_0 = arith.constant 0 : i32
    return %arg0, %c0_i32 : i32, i32
  }
}

module attributes {stable_mosaic.version = 14 : i64} {
  func.func @body(%arg0: i32, %arg1: memref<2x400x128xf32, #tpu.memory_space<vmem>>, %arg2: memref<2x400x16xf32, #tpu.memory_space<vmem>>, %arg3: memref<400x128xf32, #tpu.memory_space<vmem>>) attributes {dimension_semantics = [#tpu.dimension_semantics<arbitrary>], iteration_bounds = array<i64: 25>, scalar_prefetch = 0 : i64, scratch_operands = 0 : i64, tpu.core_type = #tpu.core_type<tc>, window_params = [{transform_indices = @transform_0, window_bounds = array<i64: 2, 400, 128>}, {transform_indices = @transform_1, window_bounds = array<i64: 2, 400, 16>}, {transform_indices = @transform_2, window_bounds = array<i64: 400, 128>}]} {
    %get3A = arith.constant 0 : index
    %get3A_0 = arith.constant 0 : index
    %get3A_1 = arith.constant 0 : index
    %get3A_2 = vector.load %arg1[%get3A, %get3A_0, %get3A_1] : memref<2x400x128xf32, #tpu.memory_space<vmem>>, vector<1x400x128xf32>
    %get3A_3 = vector.shape_cast %get3A_2 : vector<1x400x128xf32> to vector<400x128xf32>
    %get3A_4 = arith.constant 1 : index
    %get3A_5 = arith.constant 0 : index
    %get3A_6 = arith.constant 0 : index
    %get3A_7 = vector.load %arg1[%get3A_4, %get3A_5, %get3A_6] : memref<2x400x128xf32, #tpu.memory_space<vmem>>, vector<1x400x128xf32>
    %get3A_8 = vector.shape_cast %get3A_7 : vector<1x400x128xf32> to vector<400x128xf32>
    %add3A = arith.addf %get3A_3, %get3A_8 : vector<400x128xf32>
    %get3A_9 = arith.constant 0 : index
    %get3A_10 = arith.constant 0 : index
    %get3A_11 = arith.constant 0 : index
    %get3A_12 = vector.load %arg2[%get3A_9, %get3A_10, %get3A_11] : memref<2x400x16xf32, #tpu.memory_space<vmem>>, vector<1x400x16xf32>
    %get3A_13 = vector.shape_cast %get3A_12 : vector<1x400x16xf32> to vector<400x16xf32>
    %get3A_14 = arith.constant 1 : index
    %get3A_15 = arith.constant 0 : index
    %get3A_16 = arith.constant 0 : index
    %get3A_17 = vector.load %arg2[%get3A_14, %get3A_15, %get3A_16] : memref<2x400x16xf32, #tpu.memory_space<vmem>>, vector<1x400x16xf32>
    %get3A_18 = vector.shape_cast %get3A_17 : vector<1x400x16xf32> to vector<400x16xf32>
    %add3A_19 = arith.addf %get3A_13, %get3A_18 : vector<400x16xf32>
    %slice3A = vector.extract_strided_slice %add3A_19 {offsets = [0, 0], sizes = [400, 1], strides = [1, 1]} : vector<400x16xf32> to vector<400x1xf32>
    %div3A = vector.broadcast %slice3A : vector<400x1xf32> to vector<400x128xf32>
    %div3A_20 = arith.divf %add3A, %div3A : vector<400x128xf32>
    %swap3A = arith.constant 0 : index
    %swap3A_21 = arith.constant 0 : index
    %swap3A_22 = vector.load %arg3[%swap3A, %swap3A_21] : memref<400x128xf32, #tpu.memory_space<vmem>>, vector<400x128xf32>
    tpu.vector_store %arg3[%swap3A, %swap3A_21], %div3A_20 {strides = array<i32>} : memref<400x128xf32, #tpu.memory_space<vmem>>, vector<400x128xf32>,
    return
  }
  func.func @transform_0(%arg0: i32) -> (i32, i32, i32) {
    %c0_i32 = arith.constant 0 : i32
    %c0_i32_0 = arith.constant 0 : i32
    %c0_i32_1 = arith.constant 0 : i32
    return %c0_i32, %arg0, %c0_i32_0 : i32, i32, i32
  }
  func.func @transform_1(%arg0: i32) -> (i32, i32, i32) {
    %c0_i32 = arith.constant 0 : i32
    %c0_i32_0 = arith.constant 0 : i32
    %c0_i32_1 = arith.constant 0 : i32
    return %c0_i32, %arg0, %c0_i32_0 : i32, i32, i32
  }
  func.func @transform_2(%arg0: i32) -> (i32, i32) {
    %c0_i32 = arith.constant 0 : i32
    %c0_i32_0 = arith.constant 0 : i32
    return %arg0, %c0_i32 : i32, i32
  }
}

module attributes {stable_mosaic.version = 14 : i64} {
  func.func @body(%arg0: i32, %arg1: memref<2x400x128xf32, #tpu.memory_space<vmem>>, %arg2: memref<2x400x16xf32, #tpu.memory_space<vmem>>, %arg3: memref<128x128xf32, #tpu.memory_space<vmem>>, %arg4: memref<1x128xf32, #tpu.memory_space<vmem>>, %arg5: memref<400x128xf32, #tpu.memory_space<vmem>>) attributes {dimension_semantics = [#tpu.dimension_semantics<arbitrary>], iteration_bounds = array<i64: 25>, scalar_prefetch = 0 : i64, scratch_operands = 0 : i64, tpu.core_type = #tpu.core_type<tc>, window_params = [{transform_indices = @transform_0, window_bounds = array<i64: 2, 400, 128>}, {transform_indices = @transform_1, window_bounds = array<i64: 2, 400, 16>}, {pipeline_mode = #tpu.pipeline_mode<synchronous>, transform_indices = @transform_2, window_bounds = array<i64: 128, 128>}, {pipeline_mode = #tpu.pipeline_mode<synchronous>, transform_indices = @transform_3, window_bounds = array<i64: 1, 128>}, {transform_indices = @transform_4, window_bounds = array<i64: 400, 128>}]} {
    %get3A = arith.constant 0 : index
    %get3A_0 = arith.constant 0 : index
    %get3A_1 = arith.constant 0 : index
    %get3A_2 = vector.load %arg1[%get3A, %get3A_0, %get3A_1] : memref<2x400x128xf32, #tpu.memory_space<vmem>>, vector<1x400x128xf32>
    %get3A_3 = vector.shape_cast %get3A_2 : vector<1x400x128xf32> to vector<400x128xf32>
    %get3A_4 = arith.constant 1 : index
    %get3A_5 = arith.constant 0 : index
    %get3A_6 = arith.constant 0 : index
    %get3A_7 = vector.load %arg1[%get3A_4, %get3A_5, %get3A_6] : memref<2x400x128xf32, #tpu.memory_space<vmem>>, vector<1x400x128xf32>
    %get3A_8 = vector.shape_cast %get3A_7 : vector<1x400x128xf32> to vector<400x128xf32>
    %add3A = arith.addf %get3A_3, %get3A_8 : vector<400x128xf32>
    %get3A_9 = arith.constant 0 : index
    %get3A_10 = arith.constant 0 : index
    %get3A_11 = arith.constant 0 : index
    %get3A_12 = vector.load %arg2[%get3A_9, %get3A_10, %get3A_11] : memref<2x400x16xf32, #tpu.memory_space<vmem>>, vector<1x400x16xf32>
    %get3A_13 = vector.shape_cast %get3A_12 : vector<1x400x16xf32> to vector<400x16xf32>
    %get3A_14 = arith.constant 1 : index
    %get3A_15 = arith.constant 0 : index
    %get3A_16 = arith.constant 0 : index
    %get3A_17 = vector.load %arg2[%get3A_14, %get3A_15, %get3A_16] : memref<2x400x16xf32, #tpu.memory_space<vmem>>, vector<1x400x16xf32>
    %get3A_18 = vector.shape_cast %get3A_17 : vector<1x400x16xf32> to vector<400x16xf32>
    %add3A_19 = arith.addf %get3A_13, %get3A_18 : vector<400x16xf32>
    %slice3A = vector.extract_strided_slice %add3A_19 {offsets = [0, 0], sizes = [400, 1], strides = [1, 1]} : vector<400x16xf32> to vector<400x1xf32>
    %rsqrt3A = math.rsqrt %slice3A : vector<400x1xf32>
    %mul3A = vector.broadcast %rsqrt3A : vector<400x1xf32> to vector<400x128xf32>
    %mul3A_20 = arith.mulf %add3A, %mul3A : vector<400x128xf32>
    %get3A_21 = arith.constant 0 : index
    %get3A_22 = arith.constant 0 : index
    %get3A_23 = vector.load %arg3[%get3A_21, %get3A_22] : memref<128x128xf32, #tpu.memory_space<vmem>>, vector<128x128xf32>
    %dot_general3A = arith.constant dense<0.000000e+00> : vector<400x128xf32>
    %dot_general3A_24 = tpu.matmul %mul3A_20, %get3A_23, %dot_general3A {dimension_numbers = #tpu.dot_dimension_numbers<[1], [1], [0], [0], [0, 0, 1, 0], [], []>, transpose_lhs_hint = false} : vector<400x128xf32>, vector<128x128xf32>, vector<400x128xf32> -> vector<400x128xf32>
    %get3A_25 = arith.constant 0 : index
    %get3A_26 = arith.constant 0 : index
    %get3A_27 = vector.load %arg4[%get3A_25, %get3A_26] : memref<1x128xf32, #tpu.memory_space<vmem>>, vector<1x128xf32>
    %add3A_28 = vector.broadcast %get3A_27 : vector<1x128xf32> to vector<400x128xf32>
    %add3A_29 = arith.addf %dot_general3A_24, %add3A_28 : vector<400x128xf32>
    %swap3A = arith.constant 0 : index
    %swap3A_30 = arith.constant 0 : index
    %swap3A_31 = vector.load %arg5[%swap3A, %swap3A_30] : memref<400x128xf32, #tpu.memory_space<vmem>>, vector<400x128xf32>
    tpu.vector_store %arg5[%swap3A, %swap3A_30], %add3A_29 {strides = array<i32>} : memref<400x128xf32, #tpu.memory_space<vmem>>, vector<400x128xf32>,
    return
  }
  func.func @transform_0(%arg0: i32) -> (i32, i32, i32) {
    %c0_i32 = arith.constant 0 : i32
    %c0_i32_0 = arith.constant 0 : i32
    %c0_i32_1 = arith.constant 0 : i32
    return %c0_i32, %arg0, %c0_i32_0 : i32, i32, i32
  }
  func.func @transform_1(%arg0: i32) -> (i32, i32, i32) {
    %c0_i32 = arith.constant 0 : i32
    %c0_i32_0 = arith.constant 0 : i32
    %c0_i32_1 = arith.constant 0 : i32
    return %c0_i32, %arg0, %c0_i32_0 : i32, i32, i32
  }
  func.func @transform_2(%arg0: i32) -> (i32, i32) {
    %c0_i32 = arith.constant 0 : i32
    %c0_i32_0 = arith.constant 0 : i32
    %c0_i32_1 = arith.constant 0 : i32
    return %c0_i32, %c0_i32_0 : i32, i32
  }
  func.func @transform_3(%arg0: i32) -> (i32, i32) {
    %c0_i32 = arith.constant 0 : i32
    %c0_i32_0 = arith.constant 0 : i32
    %c0_i32_1 = arith.constant 0 : i32
    return %c0_i32, %c0_i32_0 : i32, i32
  }
  func.func @transform_4(%arg0: i32) -> (i32, i32) {
    %c0_i32 = arith.constant 0 : i32
    %c0_i32_0 = arith.constant 0 : i32
    return %arg0, %c0_i32 : i32, i32
  }
}

</mosaic_0001>

<sc_bundles>
// kernel: kernel.11.cloned.1.call-start
scs
__scs_entry_jumppad:
0x0: {  	(pc) =	sbr.rel $0x88, $3  }
0x1: {  	(tag) =	ssettag $0x0;
	lr =	simm.s32 $0x1  }
0x2: {  	[smem:$0x3F9D] =	sst lr;
	_ =	strace $0xD0000000  }
0x3: {  	_ = 	snop  }
0x4: {  	_ = 	snop  }
0x5: {  	_ = 	snop  }
0x6: {  	_ = 	snop  }
0x7: {  	_ = 	snop  }
__scs_overlays_trampoline_lowered:
0x8: {  	[smem:$0x3FAC] =	sst s0  }
0x9: {  	[smem:$0x3FAD] =	sst s1  }
0xa: {  	[smem:$0x3FAE] =	sst s2  }
0xb: {  	[smem:$0x3FAF] =	sst s3  }
0xc: {  	[smem:$0x3FB0] =	sst s4  }
0xd: {  	[smem:$0x3FB1] =	sst s5  }
0xe: {  	[smem:$0x3FB2] =	sst s6  }
0xf: {  	[smem:$0x3FB3] =	sst s7  }
0x10: {  	[smem:$0x3FB4] =	sst s8  }
0x11: {  	[smem:$0x3FB5] =	sst s9;
	s0 =	simm.s32 @!p0 $0x0  }
0x12: {  	s1 =	sld [smem:$0x3F9B];
	s0 =	simm.s32 @p0 $0x1  }
0x13: {  	[smem:$0x3FB6] =	sst s0;
	s0 =	simm.s32 @!p1 $0x0  }
0x14: {  	s2 =	sld [smem:$0x3F9A];
	s0 =	simm.s32 @p1 $0x1  }
0x15: {  	[smem:$0x3FB7] =	sst s0;
	s0 =	simm.s32 @!p2 $0x0  }
0x16: {  	s3 =	sld [smem:$0x3FDB];
	s0 =	simm.s32 @p2 $0x1  }
0x17: {  	s4 =	simm.s32 $0x1BF5;
	[smem:$0x3FB9] =	sst s0  }
0x18: {  	s0 =	sld [smem:$0x3F9C];
	_ =	swait.ge [sflag:s4], $0x0  }
0x19: {  	s7 =	sld [smem:$0x3F9D]  }
0x1a: {  	s8 =	sadd.s32 $0xFFFFE003, lr  }
0x1b: {  	s9 =	sadd.s32 $0xFFFFFEF7, lr;
	s5 =	simm.s32 $0xFFFFFFFF;
	p2 =	slt.u32 s8, $0xFFFFF086  }
0x1c: {  	p1 =	slt.u32 s9, $0xF7A;
	s5 =	simm.s32 @!p2 $0x0  }
0x1d: {  	s5 =	simm.s32 @p1 $0x1;
	p0 =	seq.s32 s7, s2  }
0x1e: {  	s7 =	smul.u32 @!p0 $0xF7A, s2;
	p2 =	seq.s32 @!p0 s5, $0x0  }
0x1f: {  	s9 =	smul.u32 $0xF7A, s1;
	s8 =	simm.s32 @!p0 $0x1BF5;
	p2 =	por !p2, p0  }
0x20: {  	[sflag:s8] =	ssyncset.s32 @!p0 $0xFFFFF086;
	s6 =	sadd.s32 @!p0 s3, s7;
	s7 =	simm.s32 @!p0 $0x108  }
0x21: {  	s3 =	sadd.s32 s3, s9;
	s6 =	sadd.s32 @!p0 $0x88, s6;
	s7 =	simm.s32 @p2 $0x1082  }
0x22: {  	[simem:s7], [sflag:s8] =	dma.local @!p0 [hbm:s6], $0xF7A  }
0x23: {  	s9 =	sor.u32 $0xD0000000, s2;
	s6 =	simm.s32 $0x108;
	_ =	swait.ge @!p0 [sflag:s8], $0x0  }
0x24: {  	s3 =	sadd.s32 $0x88, s3;
	s6 =	simm.s32 @!p1 $0x1082;
	[sflag:s4] =	ssyncset.s32 $0xFFFFF086  }
0x25: {  	[simem:s6], [sflag:s4] =	dma.local [hbm:s3], $0xF7A  }
0x26: {  	[smem:$0x3F9D] =	sst s1;
	(tag) =	ssettag s2;
	_ =	strace s9  }
0x27: {  	s1 =	sld [smem:$0x3FAD]  }
0x28: {  	s2 =	sld [smem:$0x3FAE]  }
0x29: {  	s4 =	sld [smem:$0x3FB0]  }
0x2a: {  	p0 =	seq.s32 s5, $0x0;
	s5 =	sld [smem:$0x3FB1]  }
0x2b: {  	s6 =	sld [smem:$0x3FB2]  }
0x2c: {  	s7 =	sld [smem:$0x3FB3]  }
0x2d: {  	s3 =	simm.s32 $0x108;
	s8 =	sld [smem:$0x3FB4]  }
0x2e: {  	s3 =	simm.s32 @!p0 $0x1082;
	s9 =	sld [smem:$0x3FB5]  }
0x2f: {  	lr =	sadd.s32 s0, s3;
	s0 =	sld [smem:$0x3FAC]  }
0x30: {  	s3 =	sld [smem:$0x3FAF]  }
0x31: {  	[smem:$0x3FB8] =	sst s10  }
0x32: {  	s10 =	sld [smem:$0x3FB6];
	_ =	sdelay $0x3  }
0x33: {  	p0 =	seq.s32 s10, $0x1;
	s10 =	sld [smem:$0x3FB8];
	_ =	sdelay $0x3  }
0x34: {  	[smem:$0x3FB8] =	sst s10  }
0x35: {  	s10 =	sld [smem:$0x3FB7];
	_ =	sdelay $0x3  }
0x36: {  	p1 =	seq.s32 s10, $0x1;
	s10 =	sld [smem:$0x3FB8];
	_ =	sdelay $0x3  }
0x37: {  	[smem:$0x3FB8] =	sst s10  }
0x38: {  	s10 =	sld [smem:$0x3FB9]  }
0x39: {  	_ = 	snop;
	(pc) =	sbr.ind lr, $3  }
0x3a: {  	_ = 	snop  }
0x3b: {  	_ = 	snop  }
0x3c: {  	p2 =	seq.s32 s10, $0x1;
	s10 =	sld [smem:$0x3FB8]  }
0x3d: {  	_ =	shalt  }
0x3e: {  	_ =	shalt  }
0x3f: {  	_ =	shalt  }
0x40: {  	_ =	shalt  }
0x41: {  	_ =	shalt  }
0x42: {  	_ =	shalt  }
0x43: {  	_ =	shalt  }
0x44: {  	_ =	shalt  }
0x45: {  	_ =	shalt  }
0x46: {  	_ =	shalt  }
0x47: {  	_ =	shalt  }
0x48: {  	_ =	shalt  }
0x49: {  	_ =	shalt  }
0x4a: {  	_ =	shalt  }
0x4b: {  	_ =	shalt  }
0x4c: {  	_ =	shalt  }
0x4d: {  	_ =	shalt  }
0x4e: {  	_ =	shalt  }
0x4f: {  	_ =	shalt  }
0x50: {  	_ =	shalt  }
0x51: {  	_ =	shalt  }
0x52: {  	_ =	shalt  }
0x53: {  	_ =	shalt  }
0x54: {  	_ =	shalt  }
0x55: {  	_ =	shalt  }
0x56: {  	_ =	shalt  }
0x57: {  	_ =	shalt  }
0x58: {  	_ =	shalt  }
0x59: {  	_ =	shalt  }
0x5a: {  	_ =	shalt  }
0x5b: {  	_ =	shalt  }
0x5c: {  	_ =	shalt  }
0x5d: {  	_ =	shalt  }
0x5e: {  	_ =	shalt  }
0x5f: {  	_ =	shalt  }
0x60: {  	_ =	shalt  }
0x61: {  	_ =	shalt  }
0x62: {  	_ =	shalt  }
0x63: {  	_ =	shalt  }
0x64: {  	_ =	shalt  }
0x65: {  	_ =	shalt  }
0x66: {  	_ =	shalt  }
0x67: {  	_ =	shalt  }
0x68: {  	_ =	shalt  }
0x69: {  	_ =	shalt  }
0x6a: {  	_ =	shalt  }
0x6b: {  	_ =	shalt  }
0x6c: {  	_ =	shalt  }
0x6d: {  	_ =	shalt  }
0x6e: {  	_ =	shalt  }
0x6f: {  	_ =	shalt  }
0x70: {  	_ =	shalt  }
0x71: {  	_ =	shalt  }
0x72: {  	_ =	shalt  }
0x73: {  	_ =	shalt  }
0x74: {  	_ =	shalt  }
0x75: {  	_ =	shalt  }
0x76: {  	_ =	shalt  }
0x77: {  	_ =	shalt  }
0x78: {  	_ =	shalt  }
0x79: {  	_ =	shalt  }
0x7a: {  	_ =	shalt  }
0x7b: {  	_ =	shalt  }
0x7c: {  	_ =	shalt  }
0x7d: {  	_ =	shalt  }
0x7e: {  	_ =	shalt  }
0x7f: {  	_ =	shalt  }
0x80: {  	_ =	shalt  }
0x81: {  	_ =	shalt  }
0x82: {  	_ =	shalt  }
0x83: {  	_ =	shalt  }
0x84: {  	_ =	shalt  }
0x85: {  	_ =	shalt  }
0x86: {  	_ =	shalt  }
0x87: {  	_ =	shalt  }
.Lfunc_end0:
.L_simem_size_0:
called_computation.1_lowered:
.L_overlay_start_0:
0x88: {  	s2 =	sld [smem:$0x3FD9]  }
0x89: {  	s3 =	sld [smem:$0x3FFE];
	_ =	sdelay $0x1  }
0x8a: {  	s1 =	srdreg.scid  }
0x8b: {  	s0 =	sand.u32 $0x1, s1  }
0x8c: {  	s17 =	sshll.u32 s0, $0xA;
	s2 =	sadd.s32 s3, s2  }
0x8d: {  	s2 =	sadd.s32 s2, s17  }
0x8e: {  	[smem:$0x3FC4] =	sst s2  }
0x8f: {  	_ = 	snop  }
0x90: {  	s2 =	sld [smem:$0x3FD0];
	(tm) =	ssettm $0x1  }
0x91: {  	s18 =	sld [smem:$0x3FFB];
	_ =	sdelay $0x3  }
0x92: {  	_ =	strace s18  }
0x93: {  	s3 =	sld [smem:$0x3FFC];
	_ =	sdelay $0x3  }
0x94: {  	_ =	strace s3  }
0x95: {  	s3 =	sld [smem:$0x3FFD];
	_ =	sdelay $0x3  }
0x96: {  	_ =	strace s3  }
0x97: {  	_ =	strace $0x8FFFFFFF  }
0x98: {  	s19 =	sld [smem:$0x3FDB];
	_ =	sdelay $0x1  }
0x99: {  	s4 =	simm.s32 $_scs_section_size  }
0x9a: {  	s5 =	simm.s32 $_size__tile_overlayer_lowered;
	s6 =	simm.s32 $_tile_overlayer_lowered  }
0x9b: {  	s22 =	simm.s32 $0x1BFF;
	s21 =	sshll.u32 s6, $0x1;
	s3 =	sadd.s32 s4, s19  }
0x9c: {  	s7 =	simm.s32 $0x0;
	s20 =	sshll.u32 s5, $0x1;
	s5 =	sadd.s32 s21, s3  }
0x9d: {  	[timem:s7], [sflag:s22] =	dma.local [hbm:s5], s20  }
0x9e: {  	_ =	swait.ge [sflag:s22], s20  }
0x9f: {  	s4 =	ssub.s32 $0x0, s20;
	[sflag:s22] =	ssyncset.done $0x0  }
0xa0: {  	[sflag:s22] =	ssyncadd.s32 s4;
	_ =	sdelay $0x1  }
0xa1: {  	s23 =	simm.s32 $0x1B8B  }
0xa2: {  	_ =	swait.ge [sflag:s23], $0x1  }
0xa3: {  	[sflag:s23] =	ssyncset.done $0x0  }
0xa4: {  	s25 =	simm.s32 $0x1B8E;
	s24 =	sld [smem:$0x3FFE];
	[sflag:s23] =	ssyncadd.s32 $0xFFFFFFFF  }
0xa5: {  	s26 =	simm.s32 $execute0_lowered;
	[smem:$0x3FD2] =	sst s25  }
0xa6: {  	s5 =	sshll.u32 s26, $0x1;
	_ =	strace $0x80000049;
	[dreg:$0x1] =	wrdreg $0xFFFFFFFF  }
0xa7: {  	s28 =	simm.s32 $_size_execute0_lowered;
	s3 =	sadd.s32 s3, s5;
	[dreg:$0x0] =	wrdreg $0x0  }
0xa8: {  	s5 =	sshll.u32 s28, $0x1;
	[dreg:$0x2] =	wrdreg s3  }
0xa9: {  	[dreg:$0x3] =	wrdreg s5  }
0xaa: {  	[dreg:$0x4] =	wrdreg $0xC0  }
0xab: {  	_ =	task [dreg:s7], $0x5FFFF  }
0xac: {  	[dreg:$0x1] =	wrdreg $0xFFFFFFFF  }
0xad: {  	[dreg:$0x0] =	wrdreg $0x60  }
0xae: {  	[dreg:$0x2] =	wrdreg s2  }
0xaf: {  	[dreg:$0x3] =	wrdreg s24  }
0xb0: {  	[dreg:$0x4] =	wrdreg $0x0  }
0xb1: {  	[dreg:$0x5] =	wrdreg $0x9  }
0xb2: {  	_ =	task.clear_ibuf [dreg:s7], $0x6FFFF;
	_ =	strace $0x90000049  }
0xb3: {  	s29 =	simm.s32 $0x9;
	_ =	strace $0x8000004B  }
0xb4: {  	_ =	swait.ge [sflag:s29], $0x1  }
0xb5: {  	[sflag:s29] =	ssyncadd.s32 $0xFFFFFFFF  }
0xb6: {  	_ =	strace $0x9000004B  }
0xb7: {  	_ =	sfence  }
0xb8: {  	s30 =	sld [smem:$0x0];
	_ =	sdelay $0x2  }
0xb9: {  	s31 =	sshll.u32 s1, $0xD;
	s1 =	sshrl.u32 s1, $0x2  }
0xba: {  	s3 =	sand.u32 $0x4000, s31;
	s1 =	sadd.s32 s1, s30  }
0xbb: {  	s0 =	sor.u32 s3, s0;
	s1 =	sshll.u32 s1, $0x11  }
0xbc: {  	s0 =	sor.u32 s1, s0  }
0xbd: {  	s0 =	sadd.s32 $0x8F2B, s0  }
0xbe: {  	[sflag:s0] =	ssyncadd.remote.s32 $0x1  }
0xbf: {  	_ =	sfence.sel $0xFFFF  }
0xc0: {  	[dreg:$0x0] =	wrdreg $0xFFFFFFFF;
	(pc) =	sbr.abs _section_cstart, $3  }
0xc1: {  	[dreg:$0x1] =	wrdreg $0xFFFFFFFF  }
0xc2: {  	_ =	task.clear_ibuf [dreg:s7], $0x2FFFF;
	_ =	strace $0x9FFFFFFF  }
0xc3: {  	(tm) =	ssettm $0x7FFFFFFF  }
tec
execute0_lowered:
.L_overlay_start_1:
0x0: {  	(tag) =	ssettag $0x1  }
0x1: {  	s1 =	rddreg [dreg:$0x0]  }
0x2: {  	s0 =	srdreg.scid;
	s6 =	rddreg [dreg:$0x1]  }
0x3: {  	s20 =	stileid.u32;
	s3 =	rddreg [dreg:$0x2];
	s4 =	simm.s32 $0x0  }
0x4: {  	s28 =	simm.s32 $0x1A980;
	s29 =	simm.s32 $0x16900;
	s30 =	simm.s32 $0x3  }
0x5: {  	s31 =	simm.s32 $0x1;
	s0 =	sand.u32 $0x1, s0;
	[smem:$0x7FF] =	sst s4  }
0x6: {  	s5 =	sadd.s32 $0x2600, s6;
	s12 =	smul.u32 $0x280, s20;
	s9 =	sadd.s32 $0xC800, s6  }
0x7: {  	s10 =	smul.u32 $0x50000, s20;
	s2 =	sshll.u32 s0, $0x4;
	_ =	strace $0x8000004A  }
0x8: {  	s8 =	ssub.s32 $0x2, s0;
	[dreg:$0x4] =	wrdreg s9;
	s17 =	smul.u32 $0x2800, s0  }
0x9: {  	s0 =	smul.u32 $0x28800, s0;
	s2 =	sor.u32 s20, s2;
	s23 =	sshrl.u32 s8, $0x1  }
0xa: {  	s14 =	sadd.s32 $0x80, s12;
	s24 =	sshrl.u32 s10, $0x2;
	s20 =	smul.u32 $0x2880, s20  }
0xb: {  	s26 =	sadd.s32 $0x100, s12;
	s15 =	sadd.s32 $0x180, s12;
	s2 =	smul.u32 $0x2880, s2  }
0xc: {  	s13 =	ssub.s32 s8, s23;
	s25 =	sshll.u32 s14, $0x7;
	s8 =	sadd.s32 s24, s3  }
0xd: {  	s18 =	sshll.u32 s26, $0x7;
	s11 =	sshll.u32 s15, $0x7;
	s19 =	sadd.s32 s12, s17  }
0xe: {  	s14 =	sadd.s32 s17, s14;
	s23 =	sadd.s32 s17, s15;
	s9 =	sadd.s32 s25, s3  }
0xf: {  	s10 =	sadd.s32 s18, s3;
	s18 =	sadd.s32 $0x200, s12;
	s11 =	sadd.s32 s11, s3  }
0x10: {  	s19 =	sshll.u32 s19, $0x4;
	s14 =	sshll.u32 s14, $0x4;
	s0 =	sadd.s32 s20, s0  }
0x11: {  	s2 =	sshrl.u32 s2, $0x3;
	s16 =	sshll.u32 s18, $0x7;
	s24 =	sadd.s32 s17, s18  }
0x12: {  	s25 =	sadd.s32 $0x80, s0;
	s7 =	sadd.s32 s2, s6;
	s6 =	sadd.s32 $0x67200, s6  }
0x13: {  	s12 =	sadd.s32 s16, s3;
	s2 =	sadd.s32 s5, s2;
	s7 =	sadd.s32 $0x5D000, s7  }
0x14: {  	[dreg:$0x6] =	wrdreg s2;
	s2 =	sadd.s32 s6, s19;
	s21 =	sadd.s32 s6, s14  }
0x15: {  	s19 =	smax.u32 s13, $0x1;
	s13 =	sadd.s32 $0x100, s0;
	[dreg:$0x5] =	wrdreg s7  }
0x16: {  	s0 =	simm.s32 $0x2;
	s7 =	sadd.s32 s17, s26;
	[dreg:$0x7] =	wrdreg s2  }
0x17: {  	[dreg:$0x8] =	wrdreg s21;
	s2 =	sshll.u32 s23, $0x4;
	s26 =	sshrl.u32 s25, $0x3  }
0x18: {  	s23 =	simm.s32 $0x5;
	s25 =	simm.s32 $0x80;
	s7 =	sshll.u32 s7, $0x4  }
0x19: {  	s2 =	sadd.s32 s6, s2;
	s21 =	sadd.s32 s26, s5;
	s26 =	simm.s32 $0x16880  }
0x1a: {  	s22 =	sadd.s32 s6, s7;
	s7 =	sshll.u32 s24, $0x4;
	[dreg:$0xa] =	wrdreg s2  }
0x1b: {  	s24 =	simm.s32 $0x16980;
	s2 =	simm.s32 $0x4;
	[dreg:$0x9] =	wrdreg s22  }
0x1c: {  	s18 =	sadd.s32 s6, s7;
	s22 =	simm.s32 $0x14000;
	s6 =	simm.s32 $0x0  }
.LBB2_1:
0x1d: {  	s7 =	rddreg [dreg:$0x5]  }
0x1e: {  	[tilespmem:s22], [sflag:$0x5] =	stream.linear.gather [hbm4b:s7+s4], $0x2880, $0x38;
	[tilespmem:$0x1E980] =	vst v63  }
0x1f: {  	_ =	swait.ge [sflag:s23], $0x2880  }
0x20: {  	[sflag:s23] =	ssyncset.done $0x0  }
0x21: {  	s20 =	rddreg [dreg:$0x4];
	[sflag:s23] =	ssyncadd.s32 $0xFFFFD780  }
0x22: {  	[tilespmem:s24], [sflag:$0x5] =	stream.linear.gather [hbm4b:s20+s4], $0x4000, $0x38;
	[tilespmem:$0x1E980] =	vst v63  }
0x23: {  	_ =	swait.ge [sflag:s23], $0x4000  }
0x24: {  	[sflag:s23] =	ssyncset.done $0x0  }
0x25: {  	[sflag:s23] =	ssyncadd.s32 $0xFFFFC000  }
0x26: {  	[spmem:s8] =	stream.linear.scatter [tilespmem:s24], [sflag:$0x5], $0x4000, $0x38;
	[tilespmem:$0x1E980] =	vst v63  }
0x27: {  	_ =	swait.ge [sflag:s23], $0x4000  }
0x28: {  	[sflag:s23] =	ssyncset.done $0x0  }
0x29: {  	[sflag:s23] =	ssyncadd.s32 $0xFFFFC000  }
0x2a: {  	[spmem:s9] =	stream.linear.scatter [tilespmem:s24], [sflag:$0x5], $0x4000, $0x38;
	[tilespmem:$0x1E980] =	vst v63  }
0x2b: {  	_ =	swait.ge [sflag:s23], $0x4000  }
0x2c: {  	[sflag:s23] =	ssyncset.done $0x0  }
0x2d: {  	[sflag:s23] =	ssyncadd.s32 $0xFFFFC000  }
0x2e: {  	[spmem:s10] =	stream.linear.scatter [tilespmem:s24], [sflag:$0x5], $0x4000, $0x38;
	[tilespmem:$0x1E980] =	vst v63  }
0x2f: {  	_ =	swait.ge [sflag:s23], $0x4000  }
0x30: {  	[sflag:s23] =	ssyncset.done $0x0  }
0x31: {  	[sflag:s23] =	ssyncadd.s32 $0xFFFFC000  }
0x32: {  	[spmem:s11] =	stream.linear.scatter [tilespmem:s24], [sflag:$0x5], $0x4000, $0x38;
	[tilespmem:$0x1E980] =	vst v63  }
0x33: {  	_ =	swait.ge [sflag:s23], $0x4000  }
0x34: {  	[sflag:s23] =	ssyncset.done $0x0  }
0x35: {  	[sflag:s23] =	ssyncadd.s32 $0xFFFFC000  }
0x36: {  	[spmem:s12] =	stream.linear.scatter [tilespmem:s24], [sflag:$0x5], $0x4000, $0x38;
	[tilespmem:$0x1E980] =	vst v63  }
0x37: {  	_ =	swait.ge [sflag:s23], $0x4000  }
0x38: {  	[sflag:s23] =	ssyncset.done $0x0  }
0x39: {  	[sflag:s23] =	ssyncadd.s32 $0xFFFFC000  }
0x3a: {  	[bflag:$0x0] =	sbarrier.arrive $0xFFFF  }
0x3b: {  	[tilespmem:s24], [sflag:$0x1] =	stream.indirect.gather [hbm4b:s1+s25], $0x80, s22, s25, $0xb8;
	[tilespmem:$0x1E980] =	vst v63  }
0x3c: {  	s14 =	rddreg [dreg:$0x6]  }
0x3d: {  	[tilespmem:s26], [sflag:$0x3] =	stream.linear.gather [hbm4b:s14+s4], $0x80, $0x38;
	[tilespmem:$0x1E980] =	vst v63  }
0x3e: {  	s15 =	simm.s32 $0x14080  }
0x3f: {  	[tilespmem:s28], [sflag:$0x2] =	stream.indirect.gather [hbm4b:s1+s25], $0x80, s15, s25, $0xb8;
	[tilespmem:$0x1E980] =	vst v63  }
0x40: {  	s16 =	sadd.s32 $0x0, s21  }
0x41: {  	[tilespmem:s29], [sflag:$0x4] =	stream.linear.gather [hbm4b:s16+s4], $0x80, $0x38;
	[tilespmem:$0x1E980] =	vst v63  }
0x42: {  	_ =	swait.ge [sflag:s30], $0x80  }
0x43: {  	[sflag:s30] =	ssyncset.done $0x0  }
0x44: {  	[sflag:s30] =	ssyncadd.s32 $0xFFFFFF80  }
0x45: {  	_ =	swait.ge [sflag:s31], $0x4000  }
0x46: {  	[sflag:s31] =	ssyncset.done $0x0  }
0x47: {  	[sflag:s31] =	ssyncadd.s32 $0xFFFFC000  }
0x48: {  	[spmem:s3] =	stream.indirect.scatter.add.f32 [tilespmem:s24], [sflag:$0x5], $0x80, s26, s25, $0xb8;
	[tilespmem:$0x1E980] =	vst v63  }
0x49: {  	_ =	swait.ge [sflag:s23], $0x4000  }
0x4a: {  	[sflag:s23] =	ssyncset.done $0x0  }
0x4b: {  	s17 =	simm.s32 $0x14100;
	s14 =	sshrl.u32 s13, $0x3;
	[sflag:s23] =	ssyncadd.s32 $0xFFFFC000  }
0x4c: {  	[tilespmem:s24], [sflag:$0x1] =	stream.indirect.gather [hbm4b:s1+s25], $0x80, s17, s25, $0xb8;
	[tilespmem:$0x1E980] =	vst v63  }
0x4d: {  	s20 =	sadd.s32 s5, s14  }
0x4e: {  	[tilespmem:s26], [sflag:$0x3] =	stream.linear.gather [hbm4b:s20+s4], $0x80, $0x38;
	[tilespmem:$0x1E980] =	vst v63  }
0x4f: {  	_ =	swait.ge [sflag:s2], $0x80  }
0x50: {  	[sflag:s2] =	ssyncset.done $0x0  }
0x51: {  	[sflag:s2] =	ssyncadd.s32 $0xFFFFFF80  }
0x52: {  	_ =	swait.ge [sflag:s0], $0x4000  }
0x53: {  	[sflag:s0] =	ssyncset.done $0x0  }
0x54: {  	[sflag:s0] =	ssyncadd.s32 $0xFFFFC000  }
0x55: {  	[spmem:s3] =	stream.indirect.scatter.add.f32 [tilespmem:s28], [sflag:$0x5], $0x80, s29, s25, $0xb8;
	[tilespmem:$0x1E980] =	vst v63  }
0x56: {  	s7 =	simm.s32 $0x14200;
	s14 =	simm.s32 $0x20;
	_ =	swait.ge [sflag:s23], $0x4000  }
0x57: {  	s15 =	simm.s32 $0x40;
	s20 =	smov.u32 s13;
	[sflag:s23] =	ssyncset.done $0x0  }
.LBB2_2:
0x58: {  	s16 =	sadd.s32 $0xFFFFFF80, s7  }
0x59: {  	[sflag:s23] =	ssyncadd.s32 $0xFFFFC000;
	s20 =	sadd.s32 $0x100, s20;
	s17 =	smov.u32 s15  }
0x5a: {  	[tilespmem:s28], [sflag:$0x2] =	stream.indirect.gather [hbm4b:s1+s25], $0x80, s16, s25, $0xb8;
	[tilespmem:$0x1E980] =	vst v63  }
0x5b: {  	p0 =	sne.s32 s15, $0x4E0;
	s15 =	sadd.s32 $0x20, s15;
	s14 =	sadd.s32 s14, s21  }
0x5c: {  	[tilespmem:s29], [sflag:$0x4] =	stream.linear.gather [hbm4b:s14+s4], $0x80, $0x38;
	[tilespmem:$0x1E980] =	vst v63  }
0x5d: {  	s14 =	smov.u32 s17;
	_ =	swait.ge [sflag:s30], $0x80  }
0x5e: {  	[sflag:s30] =	ssyncset.done $0x0  }
0x5f: {  	[sflag:s30] =	ssyncadd.s32 $0xFFFFFF80  }
0x60: {  	_ =	swait.ge [sflag:s31], $0x4000  }
0x61: {  	[sflag:s31] =	ssyncset.done $0x0  }
0x62: {  	[sflag:s31] =	ssyncadd.s32 $0xFFFFC000  }
0x63: {  	[spmem:s3] =	stream.indirect.scatter.add.f32 [tilespmem:s24], [sflag:$0x5], $0x80, s26, s25, $0xb8;
	[tilespmem:$0x1E980] =	vst v63  }
0x64: {  	_ =	swait.ge [sflag:s23], $0x4000  }
0x65: {  	[sflag:s23] =	ssyncset.done $0x0  }
0x66: {  	s16 =	sshrl.u32 s20, $0x3;
	[sflag:s23] =	ssyncadd.s32 $0xFFFFC000  }
0x67: {  	[tilespmem:s24], [sflag:$0x1] =	stream.indirect.gather [hbm4b:s1+s25], $0x80, s7, s25, $0xb8;
	[tilespmem:$0x1E980] =	vst v63  }
0x68: {  	s16 =	sadd.s32 s5, s16  }
0x69: {  	[tilespmem:s26], [sflag:$0x3] =	stream.linear.gather [hbm4b:s16+s4], $0x80, $0x38;
	[tilespmem:$0x1E980] =	vst v63  }
0x6a: {  	_ =	swait.ge [sflag:s2], $0x80  }
0x6b: {  	[sflag:s2] =	ssyncset.done $0x0  }
0x6c: {  	[sflag:s2] =	ssyncadd.s32 $0xFFFFFF80  }
0x6d: {  	_ =	swait.ge [sflag:s0], $0x4000  }
.Ltmp0:
0x6e: {  	[sflag:s0] =	ssyncset.done $0x0;
	(pc) =	sbr.rel @p0 .LBB2_2-.Ltmp0, $4  }
0x6f: {  	[sflag:s0] =	ssyncadd.s32 $0xFFFFC000  }
0x70: {  	[spmem:s3] =	stream.indirect.scatter.add.f32 [tilespmem:s28], [sflag:$0x5], $0x80, s29, s25, $0xb8;
	[tilespmem:$0x1E980] =	vst v63  }
0x71: {  	_ =	swait.ge [sflag:s23], $0x4000  }
0x72: {  	s7 =	sadd.s32 $0x100, s7;
	[sflag:s23] =	ssyncset.done $0x0  }
0x73: {  	s15 =	sadd.s32 $0xFFFFFF80, s7;
	[sflag:s23] =	ssyncadd.s32 $0xFFFFC000  }
0x74: {  	[tilespmem:s28], [sflag:$0x2] =	stream.indirect.gather [hbm4b:s1+s25], $0x80, s15, s25, $0xb8;
	[tilespmem:$0x1E980] =	vst v63  }
0x75: {  	s14 =	sadd.s32 s14, s21  }
0x76: {  	[tilespmem:s29], [sflag:$0x4] =	stream.linear.gather [hbm4b:s14+s4], $0x80, $0x38;
	[tilespmem:$0x1E980] =	vst v63  }
0x77: {  	_ =	swait.ge [sflag:s30], $0x80  }
0x78: {  	[sflag:s30] =	ssyncset.done $0x0  }
0x79: {  	[sflag:s30] =	ssyncadd.s32 $0xFFFFFF80  }
0x7a: {  	_ =	swait.ge [sflag:s31], $0x4000  }
0x7b: {  	[sflag:s31] =	ssyncset.done $0x0  }
0x7c: {  	[sflag:s31] =	ssyncadd.s32 $0xFFFFC000  }
0x7d: {  	[spmem:s3] =	stream.indirect.scatter.add.f32 [tilespmem:s24], [sflag:$0x5], $0x80, s26, s25, $0xb8;
	[tilespmem:$0x1E980] =	vst v63  }
0x7e: {  	_ =	swait.ge [sflag:s23], $0x4000  }
0x7f: {  	s20 =	sadd.s32 $0x100, s20;
	[sflag:s23] =	ssyncset.done $0x0  }
0x80: {  	s14 =	sshrl.u32 s20, $0x3;
	[sflag:s23] =	ssyncadd.s32 $0xFFFFC000  }
0x81: {  	[tilespmem:s24], [sflag:$0x1] =	stream.indirect.gather [hbm4b:s1+s25], $0x80, s7, s25, $0xb8;
	[tilespmem:$0x1E980] =	vst v63  }
0x82: {  	s15 =	sadd.s32 s5, s14  }
0x83: {  	[tilespmem:s26], [sflag:$0x3] =	stream.linear.gather [hbm4b:s15+s4], $0x80, $0x38;
	[tilespmem:$0x1E980] =	vst v63  }
0x84: {  	_ =	swait.ge [sflag:s2], $0x80  }
0x85: {  	[sflag:s2] =	ssyncset.done $0x0  }
0x86: {  	[sflag:s2] =	ssyncadd.s32 $0xFFFFFF80  }
0x87: {  	_ =	swait.ge [sflag:s0], $0x4000  }
0x88: {  	[sflag:s0] =	ssyncset.done $0x0  }
0x89: {  	[sflag:s0] =	ssyncadd.s32 $0xFFFFC000  }
0x8a: {  	[spmem:s3] =	stream.indirect.scatter.add.f32 [tilespmem:s28], [sflag:$0x5], $0x80, s29, s25, $0xb8;
	[tilespmem:$0x1E980] =	vst v63  }
0x8b: {  	_ =	swait.ge [sflag:s23], $0x4000  }
0x8c: {  	[sflag:s23] =	ssyncset.done $0x0  }
0x8d: {  	[sflag:s23] =	ssyncadd.s32 $0xFFFFC000  }
0x8e: {  	_ =	swait.ge [sflag:s30], $0x80  }
0x8f: {  	[sflag:s30] =	ssyncset.done $0x0  }
0x90: {  	[sflag:s30] =	ssyncadd.s32 $0xFFFFFF80  }
0x91: {  	_ =	swait.ge [sflag:s31], $0x4000  }
0x92: {  	[sflag:s31] =	ssyncset.done $0x0  }
0x93: {  	[sflag:s31] =	ssyncadd.s32 $0xFFFFC000  }
0x94: {  	[spmem:s3] =	stream.indirect.scatter.add.f32 [tilespmem:s24], [sflag:$0x5], $0x80, s26, s25, $0xb8;
	[tilespmem:$0x1E980] =	vst v63  }
0x95: {  	_ =	swait.ge [sflag:s23], $0x4000  }
0x96: {  	[sflag:s23] =	ssyncset.done $0x0  }
0x97: {  	s16 =	stileid.u32;
	[sflag:s23] =	ssyncadd.s32 $0xFFFFC000  }
0x98: {  	s7 =	sshll.u32 s16, $0x6;
	[bflag:$0x0] =	sbarrier.arrive $0xFFFF  }
0x99: {  	s17 =	sshrl.u32 s8, $0x3;
	s7 =	sor.u32 $0x1C05, s7;
	s20 =	rddreg [dreg:$0x7]  }
0x9a: {  	[hbm:s20], [sflag:s7] =	dma.local [spmem:s17], $0x800  }
0x9b: {  	_ =	swait.ge [sflag:s23], $0x800  }
0x9c: {  	[sflag:s23] =	ssyncset.done $0x0  }
0x9d: {  	s15 =	sshrl.u32 s9, $0x3;
	s16 =	rddreg [dreg:$0x8];
	[sflag:s23] =	ssyncadd.s32 $0xFFFFF800  }
0x9e: {  	[hbm:s16], [sflag:s7] =	dma.local [spmem:s15], $0x800  }
0x9f: {  	_ =	swait.ge [sflag:s23], $0x800  }
0xa0: {  	[sflag:s23] =	ssyncset.done $0x0  }
0xa1: {  	s17 =	sshrl.u32 s10, $0x3;
	s20 =	rddreg [dreg:$0x9];
	[sflag:s23] =	ssyncadd.s32 $0xFFFFF800  }
0xa2: {  	[hbm:s20], [sflag:s7] =	dma.local [spmem:s17], $0x800  }
0xa3: {  	_ =	swait.ge [sflag:s23], $0x800  }
0xa4: {  	[sflag:s23] =	ssyncset.done $0x0  }
0xa5: {  	s16 =	sshrl.u32 s11, $0x3;
	s17 =	rddreg [dreg:$0xa];
	[sflag:s23] =	ssyncadd.s32 $0xFFFFF800  }
0xa6: {  	[hbm:s17], [sflag:s7] =	dma.local [spmem:s16], $0x800  }
0xa7: {  	s6 =	sadd.s32 $0x1, s6;
	_ =	swait.ge [sflag:s23], $0x800  }
0xa8: {  	p0 =	sne.s32 s6, s19;
	[sflag:s23] =	ssyncset.done $0x0  }
.Ltmp1:
0xa9: {  	s20 =	sshrl.u32 s12, $0x3;
	[sflag:s23] =	ssyncadd.s32 $0xFFFFF800;
	(pc) =	sbr.rel @p0 .LBB2_1-.Ltmp1, $4  }
0xaa: {  	[hbm:s18], [sflag:s7] =	dma.local [spmem:s20], $0x800  }
0xab: {  	_ =	swait.ge [sflag:s23], $0x800  }
0xac: {  	[sflag:s23] =	ssyncset.done $0x0  }
0xad: {  	[sflag:s23] =	ssyncadd.s32 $0xFFFFF800  }
0xae: {  	_ =	sfence.sel $0x180000  }
0xaf: {  	[bflag:$0x0] =	sbarrier.arrive $0xFFFF  }
0xb0: {  	_ =	strace $0x9000004A  }
0xb1: {  	s0 =	stileid.u32;
	[bflag:$0x2] =	sbarrier.arrive $0xFFFF  }
0xb2: {  	p0 =	sne.s32 s0, $0x0;
	s0 =	rddreg [dreg:$0x3]  }
0xb3: {  	s0 =	sadd.s32 @!p0 $0x100000, s0  }
0xb4: {  	[sflag:s0] =	ssyncadd.tile.s32 @!p0 $0x1;
	_ =	shalt  }
.Lfunc_end2:
_tile_overlayer_lowered:
.L_overlay_start_2:
0xb5: {  	(tag) =	ssettag $0x2  }
0xb6: {  	s0 =	rddreg [dreg:$0x0];
	s2 =	stileid.u32  }
0xb7: {  	s1 =	rddreg [dreg:$0x1];
	p0 =	sne.s32 s2, $0x0  }
0xb8: {  	s3 =	rddreg [dreg:$0x2];
	[bflag:$0x3] =	sbarrier.arrive $0xFFFF;
	s2 =	simm.s32 @!p0 $0x1C05  }
0xb9: {  	[timem:s3], [sflag:s2] =	dma.local @!p0 [hbm:s0], s1  }
0xba: {  	s0 =	simm.s32 @!p0 $0x5  }
0xbb: {  	_ =	swait.ge @!p0 [sflag:s0], s1  }
0xbc: {  	s1 =	ssub.s32 @!p0 $0x0, s1;
	[sflag:s0] =	ssyncset.done @!p0 $0x0  }
0xbd: {  	[sflag:s0] =	ssyncadd.s32 @!p0 s1  }
0xbe: {  	[bflag:$0x3] =	sbarrier.arrive $0xFFFF  }
0xbf: {  	_ =	shalt  }

// kernel: kernel.14.cloned.1.call-start
scs
__scs_entry_jumppad:
0x0: {  	(pc) =	sbr.rel $0x88, $3  }
0x1: {  	(tag) =	ssettag $0x0;
	lr =	simm.s32 $0x1  }
0x2: {  	[smem:$0x3F9D] =	sst lr;
	_ =	strace $0xD0000000  }
0x3: {  	_ = 	snop  }
0x4: {  	_ = 	snop  }
0x5: {  	_ = 	snop  }
0x6: {  	_ = 	snop  }
0x7: {  	_ = 	snop  }
__scs_overlays_trampoline_lowered:
0x8: {  	[smem:$0x3FAC] =	sst s0  }
0x9: {  	[smem:$0x3FAD] =	sst s1  }
0xa: {  	[smem:$0x3FAE] =	sst s2  }
0xb: {  	[smem:$0x3FAF] =	sst s3  }
0xc: {  	[smem:$0x3FB0] =	sst s4  }
0xd: {  	[smem:$0x3FB1] =	sst s5  }
0xe: {  	[smem:$0x3FB2] =	sst s6  }
0xf: {  	[smem:$0x3FB3] =	sst s7  }
0x10: {  	[smem:$0x3FB4] =	sst s8  }
0x11: {  	[smem:$0x3FB5] =	sst s9;
	s0 =	simm.s32 @!p0 $0x0  }
0x12: {  	s1 =	sld [smem:$0x3F9B];
	s0 =	simm.s32 @p0 $0x1  }
0x13: {  	[smem:$0x3FB6] =	sst s0;
	s0 =	simm.s32 @!p1 $0x0  }
0x14: {  	s2 =	sld [smem:$0x3F9A];
	s0 =	simm.s32 @p1 $0x1  }
0x15: {  	[smem:$0x3FB7] =	sst s0;
	s0 =	simm.s32 @!p2 $0x0  }
0x16: {  	s3 =	sld [smem:$0x3FDB];
	s0 =	simm.s32 @p2 $0x1  }
0x17: {  	s4 =	simm.s32 $0x1BF5;
	[smem:$0x3FB9] =	sst s0  }
0x18: {  	s0 =	sld [smem:$0x3F9C];
	_ =	swait.ge [sflag:s4], $0x0  }
0x19: {  	s7 =	sld [smem:$0x3F9D]  }
0x1a: {  	s8 =	sadd.s32 $0xFFFFE003, lr  }
0x1b: {  	s9 =	sadd.s32 $0xFFFFFEF7, lr;
	s5 =	simm.s32 $0xFFFFFFFF;
	p2 =	slt.u32 s8, $0xFFFFF086  }
0x1c: {  	p1 =	slt.u32 s9, $0xF7A;
	s5 =	simm.s32 @!p2 $0x0  }
0x1d: {  	s5 =	simm.s32 @p1 $0x1;
	p0 =	seq.s32 s7, s2  }
0x1e: {  	s7 =	smul.u32 @!p0 $0xF7A, s2;
	p2 =	seq.s32 @!p0 s5, $0x0  }
0x1f: {  	s9 =	smul.u32 $0xF7A, s1;
	s8 =	simm.s32 @!p0 $0x1BF5;
	p2 =	por !p2, p0  }
0x20: {  	[sflag:s8] =	ssyncset.s32 @!p0 $0xFFFFF086;
	s6 =	sadd.s32 @!p0 s3, s7;
	s7 =	simm.s32 @!p0 $0x108  }
0x21: {  	s3 =	sadd.s32 s3, s9;
	s6 =	sadd.s32 @!p0 $0x88, s6;
	s7 =	simm.s32 @p2 $0x1082  }
0x22: {  	[simem:s7], [sflag:s8] =	dma.local @!p0 [hbm:s6], $0xF7A  }
0x23: {  	s9 =	sor.u32 $0xD0000000, s2;
	s6 =	simm.s32 $0x108;
	_ =	swait.ge @!p0 [sflag:s8], $0x0  }
0x24: {  	s3 =	sadd.s32 $0x88, s3;
	s6 =	simm.s32 @!p1 $0x1082;
	[sflag:s4] =	ssyncset.s32 $0xFFFFF086  }
0x25: {  	[simem:s6], [sflag:s4] =	dma.local [hbm:s3], $0xF7A  }
0x26: {  	[smem:$0x3F9D] =	sst s1;
	(tag) =	ssettag s2;
	_ =	strace s9  }
0x27: {  	s1 =	sld [smem:$0x3FAD]  }
0x28: {  	s2 =	sld [smem:$0x3FAE]  }
0x29: {  	s4 =	sld [smem:$0x3FB0]  }
0x2a: {  	p0 =	seq.s32 s5, $0x0;
	s5 =	sld [smem:$0x3FB1]  }
0x2b: {  	s6 =	sld [smem:$0x3FB2]  }
0x2c: {  	s7 =	sld [smem:$0x3FB3]  }
0x2d: {  	s3 =	simm.s32 $0x108;
	s8 =	sld [smem:$0x3FB4]  }
0x2e: {  	s3 =	simm.s32 @!p0 $0x1082;
	s9 =	sld [smem:$0x3FB5]  }
0x2f: {  	lr =	sadd.s32 s0, s3;
	s0 =	sld [smem:$0x3FAC]  }
0x30: {  	s3 =	sld [smem:$0x3FAF]  }
0x31: {  	[smem:$0x3FB8] =	sst s10  }
0x32: {  	s10 =	sld [smem:$0x3FB6];
	_ =	sdelay $0x3  }
0x33: {  	p0 =	seq.s32 s10, $0x1;
	s10 =	sld [smem:$0x3FB8];
	_ =	sdelay $0x3  }
0x34: {  	[smem:$0x3FB8] =	sst s10  }
0x35: {  	s10 =	sld [smem:$0x3FB7];
	_ =	sdelay $0x3  }
0x36: {  	p1 =	seq.s32 s10, $0x1;
	s10 =	sld [smem:$0x3FB8];
	_ =	sdelay $0x3  }
0x37: {  	[smem:$0x3FB8] =	sst s10  }
0x38: {  	s10 =	sld [smem:$0x3FB9]  }
0x39: {  	_ = 	snop;
	(pc) =	sbr.ind lr, $3  }
0x3a: {  	_ = 	snop  }
0x3b: {  	_ = 	snop  }
0x3c: {  	p2 =	seq.s32 s10, $0x1;
	s10 =	sld [smem:$0x3FB8]  }
0x3d: {  	_ =	shalt  }
0x3e: {  	_ =	shalt  }
0x3f: {  	_ =	shalt  }
0x40: {  	_ =	shalt  }
0x41: {  	_ =	shalt  }
0x42: {  	_ =	shalt  }
0x43: {  	_ =	shalt  }
0x44: {  	_ =	shalt  }
0x45: {  	_ =	shalt  }
0x46: {  	_ =	shalt  }
0x47: {  	_ =	shalt  }
0x48: {  	_ =	shalt  }
0x49: {  	_ =	shalt  }
0x4a: {  	_ =	shalt  }
0x4b: {  	_ =	shalt  }
0x4c: {  	_ =	shalt  }
0x4d: {  	_ =	shalt  }
0x4e: {  	_ =	shalt  }
0x4f: {  	_ =	shalt  }
0x50: {  	_ =	shalt  }
0x51: {  	_ =	shalt  }
0x52: {  	_ =	shalt  }
0x53: {  	_ =	shalt  }
0x54: {  	_ =	shalt  }
0x55: {  	_ =	shalt  }
0x56: {  	_ =	shalt  }
0x57: {  	_ =	shalt  }
0x58: {  	_ =	shalt  }
0x59: {  	_ =	shalt  }
0x5a: {  	_ =	shalt  }
0x5b: {  	_ =	shalt  }
0x5c: {  	_ =	shalt  }
0x5d: {  	_ =	shalt  }
0x5e: {  	_ =	shalt  }
0x5f: {  	_ =	shalt  }
0x60: {  	_ =	shalt  }
0x61: {  	_ =	shalt  }
0x62: {  	_ =	shalt  }
0x63: {  	_ =	shalt  }
0x64: {  	_ =	shalt  }
0x65: {  	_ =	shalt  }
0x66: {  	_ =	shalt  }
0x67: {  	_ =	shalt  }
0x68: {  	_ =	shalt  }
0x69: {  	_ =	shalt  }
0x6a: {  	_ =	shalt  }
0x6b: {  	_ =	shalt  }
0x6c: {  	_ =	shalt  }
0x6d: {  	_ =	shalt  }
0x6e: {  	_ =	shalt  }
0x6f: {  	_ =	shalt  }
0x70: {  	_ =	shalt  }
0x71: {  	_ =	shalt  }
0x72: {  	_ =	shalt  }
0x73: {  	_ =	shalt  }
0x74: {  	_ =	shalt  }
0x75: {  	_ =	shalt  }
0x76: {  	_ =	shalt  }
0x77: {  	_ =	shalt  }
0x78: {  	_ =	shalt  }
0x79: {  	_ =	shalt  }
0x7a: {  	_ =	shalt  }
0x7b: {  	_ =	shalt  }
0x7c: {  	_ =	shalt  }
0x7d: {  	_ =	shalt  }
0x7e: {  	_ =	shalt  }
0x7f: {  	_ =	shalt  }
0x80: {  	_ =	shalt  }
0x81: {  	_ =	shalt  }
0x82: {  	_ =	shalt  }
0x83: {  	_ =	shalt  }
0x84: {  	_ =	shalt  }
0x85: {  	_ =	shalt  }
0x86: {  	_ =	shalt  }
0x87: {  	_ =	shalt  }
.Lfunc_end0:
.L_simem_size_0:
called_computation.2_lowered:
.L_overlay_start_0:
0x88: {  	s2 =	sld [smem:$0x3FD9]  }
0x89: {  	s3 =	sld [smem:$0x3FFE];
	_ =	sdelay $0x1  }
0x8a: {  	s1 =	srdreg.scid  }
0x8b: {  	s0 =	sand.u32 $0x1, s1  }
0x8c: {  	s17 =	sshll.u32 s0, $0xA;
	s2 =	sadd.s32 s3, s2  }
0x8d: {  	s2 =	sadd.s32 s2, s17  }
0x8e: {  	[smem:$0x3FC4] =	sst s2  }
0x8f: {  	_ = 	snop  }
0x90: {  	s2 =	sld [smem:$0x3FD0];
	(tm) =	ssettm $0x1  }
0x91: {  	s18 =	sld [smem:$0x3FFB];
	_ =	sdelay $0x3  }
0x92: {  	_ =	strace s18  }
0x93: {  	s3 =	sld [smem:$0x3FFC];
	_ =	sdelay $0x3  }
0x94: {  	_ =	strace s3  }
0x95: {  	s3 =	sld [smem:$0x3FFD];
	_ =	sdelay $0x3  }
0x96: {  	_ =	strace s3  }
0x97: {  	_ =	strace $0x8FFFFFFF  }
0x98: {  	s19 =	sld [smem:$0x3FDB];
	_ =	sdelay $0x1  }
0x99: {  	s4 =	simm.s32 $_scs_section_size  }
0x9a: {  	s5 =	simm.s32 $_size__tile_overlayer_lowered;
	s6 =	simm.s32 $_tile_overlayer_lowered  }
0x9b: {  	s22 =	simm.s32 $0x1BFF;
	s21 =	sshll.u32 s6, $0x1;
	s3 =	sadd.s32 s4, s19  }
0x9c: {  	s7 =	simm.s32 $0x0;
	s20 =	sshll.u32 s5, $0x1;
	s5 =	sadd.s32 s21, s3  }
0x9d: {  	[timem:s7], [sflag:s22] =	dma.local [hbm:s5], s20  }
0x9e: {  	_ =	swait.ge [sflag:s22], s20  }
0x9f: {  	s4 =	ssub.s32 $0x0, s20;
	[sflag:s22] =	ssyncset.done $0x0  }
0xa0: {  	[sflag:s22] =	ssyncadd.s32 s4;
	_ =	sdelay $0x1  }
0xa1: {  	s23 =	simm.s32 $0x1B8B  }
0xa2: {  	_ =	swait.ge [sflag:s23], $0x1  }
0xa3: {  	[sflag:s23] =	ssyncset.done $0x0  }
0xa4: {  	s25 =	simm.s32 $0x1B8E;
	s24 =	sld [smem:$0x3FFE];
	[sflag:s23] =	ssyncadd.s32 $0xFFFFFFFF  }
0xa5: {  	s26 =	simm.s32 $execute0_lowered;
	[smem:$0x3FD2] =	sst s25  }
0xa6: {  	s5 =	sshll.u32 s26, $0x1;
	_ =	strace $0x8000004C;
	[dreg:$0x1] =	wrdreg $0xFFFFFFFF  }
0xa7: {  	s28 =	simm.s32 $_size_execute0_lowered;
	s3 =	sadd.s32 s3, s5;
	[dreg:$0x0] =	wrdreg $0x0  }
0xa8: {  	s5 =	sshll.u32 s28, $0x1;
	[dreg:$0x2] =	wrdreg s3  }
0xa9: {  	[dreg:$0x3] =	wrdreg s5  }
0xaa: {  	[dreg:$0x4] =	wrdreg $0xC0  }
0xab: {  	_ =	task [dreg:s7], $0x5FFFF  }
0xac: {  	[dreg:$0x1] =	wrdreg $0xFFFFFFFF  }
0xad: {  	[dreg:$0x0] =	wrdreg $0x60  }
0xae: {  	[dreg:$0x2] =	wrdreg s2  }
0xaf: {  	[dreg:$0x3] =	wrdreg s24  }
0xb0: {  	[dreg:$0x4] =	wrdreg $0x0  }
0xb1: {  	[dreg:$0x5] =	wrdreg $0x9  }
0xb2: {  	_ =	task.clear_ibuf [dreg:s7], $0x6FFFF;
	_ =	strace $0x9000004C  }
0xb3: {  	s29 =	simm.s32 $0x9;
	_ =	strace $0x8000004E  }
0xb4: {  	_ =	swait.ge [sflag:s29], $0x1  }
0xb5: {  	[sflag:s29] =	ssyncadd.s32 $0xFFFFFFFF  }
0xb6: {  	_ =	strace $0x9000004E  }
0xb7: {  	_ =	sfence  }
0xb8: {  	s30 =	sld [smem:$0x0];
	_ =	sdelay $0x2  }
0xb9: {  	s31 =	sshll.u32 s1, $0xD;
	s1 =	sshrl.u32 s1, $0x2  }
0xba: {  	s3 =	sand.u32 $0x4000, s31;
	s1 =	sadd.s32 s1, s30  }
0xbb: {  	s0 =	sor.u32 s3, s0;
	s1 =	sshll.u32 s1, $0x11  }
0xbc: {  	s0 =	sor.u32 s1, s0  }
0xbd: {  	s0 =	sadd.s32 $0x8F2B, s0  }
0xbe: {  	[sflag:s0] =	ssyncadd.remote.s32 $0x1  }
0xbf: {  	_ =	sfence.sel $0xFFFF  }
0xc0: {  	[dreg:$0x0] =	wrdreg $0xFFFFFFFF;
	(pc) =	sbr.abs _section_cstart, $3  }
0xc1: {  	[dreg:$0x1] =	wrdreg $0xFFFFFFFF  }
0xc2: {  	_ =	task.clear_ibuf [dreg:s7], $0x2FFFF;
	_ =	strace $0x9FFFFFFF  }
0xc3: {  	(tm) =	ssettm $0x7FFFFFFF  }
tec
execute0_lowered:
.L_overlay_start_1:
0x0: {  	(tag) =	ssettag $0x1  }
0x1: {  	s1 =	rddreg [dreg:$0x0]  }
0x2: {  	s0 =	srdreg.scid;
	s6 =	rddreg [dreg:$0x1]  }
0x3: {  	s20 =	stileid.u32;
	s3 =	rddreg [dreg:$0x2];
	s4 =	simm.s32 $0x0  }
0x4: {  	s28 =	simm.s32 $0x1A980;
	s29 =	simm.s32 $0x16900;
	s30 =	simm.s32 $0x3  }
0x5: {  	s31 =	simm.s32 $0x1;
	s0 =	sand.u32 $0x1, s0;
	[smem:$0x7FF] =	sst s4  }
0x6: {  	s5 =	sadd.s32 $0x2600, s6;
	s12 =	smul.u32 $0x280, s20;
	s9 =	sadd.s32 $0xC800, s6  }
0x7: {  	s10 =	smul.u32 $0x50000, s20;
	s2 =	sshll.u32 s0, $0x4;
	_ =	strace $0x8000004D  }
0x8: {  	s8 =	ssub.s32 $0x2, s0;
	[dreg:$0x4] =	wrdreg s9;
	s17 =	smul.u32 $0x2800, s0  }
0x9: {  	s0 =	smul.u32 $0x28800, s0;
	s2 =	sor.u32 s20, s2;
	s23 =	sshrl.u32 s8, $0x1  }
0xa: {  	s14 =	sadd.s32 $0x80, s12;
	s24 =	sshrl.u32 s10, $0x2;
	s20 =	smul.u32 $0x2880, s20  }
0xb: {  	s26 =	sadd.s32 $0x100, s12;
	s15 =	sadd.s32 $0x180, s12;
	s2 =	smul.u32 $0x2880, s2  }
0xc: {  	s13 =	ssub.s32 s8, s23;
	s25 =	sshll.u32 s14, $0x7;
	s8 =	sadd.s32 s24, s3  }
0xd: {  	s18 =	sshll.u32 s26, $0x7;
	s11 =	sshll.u32 s15, $0x7;
	s19 =	sadd.s32 s12, s17  }
0xe: {  	s14 =	sadd.s32 s17, s14;
	s23 =	sadd.s32 s17, s15;
	s9 =	sadd.s32 s25, s3  }
0xf: {  	s10 =	sadd.s32 s18, s3;
	s18 =	sadd.s32 $0x200, s12;
	s11 =	sadd.s32 s11, s3  }
0x10: {  	s19 =	sshll.u32 s19, $0x4;
	s14 =	sshll.u32 s14, $0x4;
	s0 =	sadd.s32 s20, s0  }
0x11: {  	s2 =	sshrl.u32 s2, $0x3;
	s16 =	sshll.u32 s18, $0x7;
	s24 =	sadd.s32 s17, s18  }
0x12: {  	s25 =	sadd.s32 $0x80, s0;
	s7 =	sadd.s32 s2, s6;
	s6 =	sadd.s32 $0x67200, s6  }
0x13: {  	s12 =	sadd.s32 s16, s3;
	s2 =	sadd.s32 s5, s2;
	s7 =	sadd.s32 $0x5D000, s7  }
0x14: {  	[dreg:$0x6] =	wrdreg s2;
	s2 =	sadd.s32 s6, s19;
	s21 =	sadd.s32 s6, s14  }
0x15: {  	s19 =	smax.u32 s13, $0x1;
	s13 =	sadd.s32 $0x100, s0;
	[dreg:$0x5] =	wrdreg s7  }
0x16: {  	s0 =	simm.s32 $0x2;
	s7 =	sadd.s32 s17, s26;
	[dreg:$0x7] =	wrdreg s2  }
0x17: {  	[dreg:$0x8] =	wrdreg s21;
	s2 =	sshll.u32 s23, $0x4;
	s26 =	sshrl.u32 s25, $0x3  }
0x18: {  	s23 =	simm.s32 $0x5;
	s25 =	simm.s32 $0x80;
	s7 =	sshll.u32 s7, $0x4  }
0x19: {  	s2 =	sadd.s32 s6, s2;
	s21 =	sadd.s32 s26, s5;
	s26 =	simm.s32 $0x16880  }
0x1a: {  	s22 =	sadd.s32 s6, s7;
	s7 =	sshll.u32 s24, $0x4;
	[dreg:$0xa] =	wrdreg s2  }
0x1b: {  	s24 =	simm.s32 $0x16980;
	s2 =	simm.s32 $0x4;
	[dreg:$0x9] =	wrdreg s22  }
0x1c: {  	s18 =	sadd.s32 s6, s7;
	s22 =	simm.s32 $0x14000;
	s6 =	simm.s32 $0x0  }
.LBB2_1:
0x1d: {  	s7 =	rddreg [dreg:$0x5]  }
0x1e: {  	[tilespmem:s22], [sflag:$0x5] =	stream.linear.gather [hbm4b:s7+s4], $0x2880, $0x38;
	[tilespmem:$0x1E980] =	vst v63  }
0x1f: {  	_ =	swait.ge [sflag:s23], $0x2880  }
0x20: {  	[sflag:s23] =	ssyncset.done $0x0  }
0x21: {  	s20 =	rddreg [dreg:$0x4];
	[sflag:s23] =	ssyncadd.s32 $0xFFFFD780  }
0x22: {  	[tilespmem:s24], [sflag:$0x5] =	stream.linear.gather [hbm4b:s20+s4], $0x4000, $0x38;
	[tilespmem:$0x1E980] =	vst v63  }
0x23: {  	_ =	swait.ge [sflag:s23], $0x4000  }
0x24: {  	[sflag:s23] =	ssyncset.done $0x0  }
0x25: {  	[sflag:s23] =	ssyncadd.s32 $0xFFFFC000  }
0x26: {  	[spmem:s8] =	stream.linear.scatter [tilespmem:s24], [sflag:$0x5], $0x4000, $0x38;
	[tilespmem:$0x1E980] =	vst v63  }
0x27: {  	_ =	swait.ge [sflag:s23], $0x4000  }
0x28: {  	[sflag:s23] =	ssyncset.done $0x0  }
0x29: {  	[sflag:s23] =	ssyncadd.s32 $0xFFFFC000  }
0x2a: {  	[spmem:s9] =	stream.linear.scatter [tilespmem:s24], [sflag:$0x5], $0x4000, $0x38;
	[tilespmem:$0x1E980] =	vst v63  }
0x2b: {  	_ =	swait.ge [sflag:s23], $0x4000  }
0x2c: {  	[sflag:s23] =	ssyncset.done $0x0  }
0x2d: {  	[sflag:s23] =	ssyncadd.s32 $0xFFFFC000  }
0x2e: {  	[spmem:s10] =	stream.linear.scatter [tilespmem:s24], [sflag:$0x5], $0x4000, $0x38;
	[tilespmem:$0x1E980] =	vst v63  }
0x2f: {  	_ =	swait.ge [sflag:s23], $0x4000  }
0x30: {  	[sflag:s23] =	ssyncset.done $0x0  }
0x31: {  	[sflag:s23] =	ssyncadd.s32 $0xFFFFC000  }
0x32: {  	[spmem:s11] =	stream.linear.scatter [tilespmem:s24], [sflag:$0x5], $0x4000, $0x38;
	[tilespmem:$0x1E980] =	vst v63  }
0x33: {  	_ =	swait.ge [sflag:s23], $0x4000  }
0x34: {  	[sflag:s23] =	ssyncset.done $0x0  }
0x35: {  	[sflag:s23] =	ssyncadd.s32 $0xFFFFC000  }
0x36: {  	[spmem:s12] =	stream.linear.scatter [tilespmem:s24], [sflag:$0x5], $0x4000, $0x38;
	[tilespmem:$0x1E980] =	vst v63  }
0x37: {  	_ =	swait.ge [sflag:s23], $0x4000  }
0x38: {  	[sflag:s23] =	ssyncset.done $0x0  }
0x39: {  	[sflag:s23] =	ssyncadd.s32 $0xFFFFC000  }
0x3a: {  	[bflag:$0x0] =	sbarrier.arrive $0xFFFF  }
0x3b: {  	[tilespmem:s24], [sflag:$0x1] =	stream.indirect.gather [hbm4b:s1+s25], $0x80, s22, s25, $0xb8;
	[tilespmem:$0x1E980] =	vst v63  }
0x3c: {  	s14 =	rddreg [dreg:$0x6]  }
0x3d: {  	[tilespmem:s26], [sflag:$0x3] =	stream.linear.gather [hbm4b:s14+s4], $0x80, $0x38;
	[tilespmem:$0x1E980] =	vst v63  }
0x3e: {  	s15 =	simm.s32 $0x14080  }
0x3f: {  	[tilespmem:s28], [sflag:$0x2] =	stream.indirect.gather [hbm4b:s1+s25], $0x80, s15, s25, $0xb8;
	[tilespmem:$0x1E980] =	vst v63  }
0x40: {  	s16 =	sadd.s32 $0x0, s21  }
0x41: {  	[tilespmem:s29], [sflag:$0x4] =	stream.linear.gather [hbm4b:s16+s4], $0x80, $0x38;
	[tilespmem:$0x1E980] =	vst v63  }
0x42: {  	_ =	swait.ge [sflag:s30], $0x80  }
0x43: {  	[sflag:s30] =	ssyncset.done $0x0  }
0x44: {  	[sflag:s30] =	ssyncadd.s32 $0xFFFFFF80  }
0x45: {  	_ =	swait.ge [sflag:s31], $0x4000  }
0x46: {  	[sflag:s31] =	ssyncset.done $0x0  }
0x47: {  	[sflag:s31] =	ssyncadd.s32 $0xFFFFC000  }
0x48: {  	[spmem:s3] =	stream.indirect.scatter.add.f32 [tilespmem:s24], [sflag:$0x5], $0x80, s26, s25, $0xb8;
	[tilespmem:$0x1E980] =	vst v63  }
0x49: {  	_ =	swait.ge [sflag:s23], $0x4000  }
0x4a: {  	[sflag:s23] =	ssyncset.done $0x0  }
0x4b: {  	s17 =	simm.s32 $0x14100;
	s14 =	sshrl.u32 s13, $0x3;
	[sflag:s23] =	ssyncadd.s32 $0xFFFFC000  }
0x4c: {  	[tilespmem:s24], [sflag:$0x1] =	stream.indirect.gather [hbm4b:s1+s25], $0x80, s17, s25, $0xb8;
	[tilespmem:$0x1E980] =	vst v63  }
0x4d: {  	s20 =	sadd.s32 s5, s14  }
0x4e: {  	[tilespmem:s26], [sflag:$0x3] =	stream.linear.gather [hbm4b:s20+s4], $0x80, $0x38;
	[tilespmem:$0x1E980] =	vst v63  }
0x4f: {  	_ =	swait.ge [sflag:s2], $0x80  }
0x50: {  	[sflag:s2] =	ssyncset.done $0x0  }
0x51: {  	[sflag:s2] =	ssyncadd.s32 $0xFFFFFF80  }
0x52: {  	_ =	swait.ge [sflag:s0], $0x4000  }
0x53: {  	[sflag:s0] =	ssyncset.done $0x0  }
0x54: {  	[sflag:s0] =	ssyncadd.s32 $0xFFFFC000  }
0x55: {  	[spmem:s3] =	stream.indirect.scatter.add.f32 [tilespmem:s28], [sflag:$0x5], $0x80, s29, s25, $0xb8;
	[tilespmem:$0x1E980] =	vst v63  }
0x56: {  	s7 =	simm.s32 $0x14200;
	s14 =	simm.s32 $0x20;
	_ =	swait.ge [sflag:s23], $0x4000  }
0x57: {  	s15 =	simm.s32 $0x40;
	s20 =	smov.u32 s13;
	[sflag:s23] =	ssyncset.done $0x0  }
.LBB2_2:
0x58: {  	s16 =	sadd.s32 $0xFFFFFF80, s7  }
0x59: {  	[sflag:s23] =	ssyncadd.s32 $0xFFFFC000;
	s20 =	sadd.s32 $0x100, s20;
	s17 =	smov.u32 s15  }
0x5a: {  	[tilespmem:s28], [sflag:$0x2] =	stream.indirect.gather [hbm4b:s1+s25], $0x80, s16, s25, $0xb8;
	[tilespmem:$0x1E980] =	vst v63  }
0x5b: {  	p0 =	sne.s32 s15, $0x4E0;
	s15 =	sadd.s32 $0x20, s15;
	s14 =	sadd.s32 s14, s21  }
0x5c: {  	[tilespmem:s29], [sflag:$0x4] =	stream.linear.gather [hbm4b:s14+s4], $0x80, $0x38;
	[tilespmem:$0x1E980] =	vst v63  }
0x5d: {  	s14 =	smov.u32 s17;
	_ =	swait.ge [sflag:s30], $0x80  }
0x5e: {  	[sflag:s30] =	ssyncset.done $0x0  }
0x5f: {  	[sflag:s30] =	ssyncadd.s32 $0xFFFFFF80  }
0x60: {  	_ =	swait.ge [sflag:s31], $0x4000  }
0x61: {  	[sflag:s31] =	ssyncset.done $0x0  }
0x62: {  	[sflag:s31] =	ssyncadd.s32 $0xFFFFC000  }
0x63: {  	[spmem:s3] =	stream.indirect.scatter.add.f32 [tilespmem:s24], [sflag:$0x5], $0x80, s26, s25, $0xb8;
	[tilespmem:$0x1E980] =	vst v63  }
0x64: {  	_ =	swait.ge [sflag:s23], $0x4000  }
0x65: {  	[sflag:s23] =	ssyncset.done $0x0  }
0x66: {  	s16 =	sshrl.u32 s20, $0x3;
	[sflag:s23] =	ssyncadd.s32 $0xFFFFC000  }
0x67: {  	[tilespmem:s24], [sflag:$0x1] =	stream.indirect.gather [hbm4b:s1+s25], $0x80, s7, s25, $0xb8;
	[tilespmem:$0x1E980] =	vst v63  }
0x68: {  	s16 =	sadd.s32 s5, s16  }
0x69: {  	[tilespmem:s26], [sflag:$0x3] =	stream.linear.gather [hbm4b:s16+s4], $0x80, $0x38;
	[tilespmem:$0x1E980] =	vst v63  }
0x6a: {  	_ =	swait.ge [sflag:s2], $0x80  }
0x6b: {  	[sflag:s2] =	ssyncset.done $0x0  }
0x6c: {  	[sflag:s2] =	ssyncadd.s32 $0xFFFFFF80  }
0x6d: {  	_ =	swait.ge [sflag:s0], $0x4000  }
.Ltmp0:
0x6e: {  	[sflag:s0] =	ssyncset.done $0x0;
	(pc) =	sbr.rel @p0 .LBB2_2-.Ltmp0, $4  }
0x6f: {  	[sflag:s0] =	ssyncadd.s32 $0xFFFFC000  }
0x70: {  	[spmem:s3] =	stream.indirect.scatter.add.f32 [tilespmem:s28], [sflag:$0x5], $0x80, s29, s25, $0xb8;
	[tilespmem:$0x1E980] =	vst v63  }
0x71: {  	_ =	swait.ge [sflag:s23], $0x4000  }
0x72: {  	s7 =	sadd.s32 $0x100, s7;
	[sflag:s23] =	ssyncset.done $0x0  }
0x73: {  	s15 =	sadd.s32 $0xFFFFFF80, s7;
	[sflag:s23] =	ssyncadd.s32 $0xFFFFC000  }
0x74: {  	[tilespmem:s28], [sflag:$0x2] =	stream.indirect.gather [hbm4b:s1+s25], $0x80, s15, s25, $0xb8;
	[tilespmem:$0x1E980] =	vst v63  }
0x75: {  	s14 =	sadd.s32 s14, s21  }
0x76: {  	[tilespmem:s29], [sflag:$0x4] =	stream.linear.gather [hbm4b:s14+s4], $0x80, $0x38;
	[tilespmem:$0x1E980] =	vst v63  }
0x77: {  	_ =	swait.ge [sflag:s30], $0x80  }
0x78: {  	[sflag:s30] =	ssyncset.done $0x0  }
0x79: {  	[sflag:s30] =	ssyncadd.s32 $0xFFFFFF80  }
0x7a: {  	_ =	swait.ge [sflag:s31], $0x4000  }
0x7b: {  	[sflag:s31] =	ssyncset.done $0x0  }
0x7c: {  	[sflag:s31] =	ssyncadd.s32 $0xFFFFC000  }
0x7d: {  	[spmem:s3] =	stream.indirect.scatter.add.f32 [tilespmem:s24], [sflag:$0x5], $0x80, s26, s25, $0xb8;
	[tilespmem:$0x1E980] =	vst v63  }
0x7e: {  	_ =	swait.ge [sflag:s23], $0x4000  }
0x7f: {  	s20 =	sadd.s32 $0x100, s20;
	[sflag:s23] =	ssyncset.done $0x0  }
0x80: {  	s14 =	sshrl.u32 s20, $0x3;
	[sflag:s23] =	ssyncadd.s32 $0xFFFFC000  }
0x81: {  	[tilespmem:s24], [sflag:$0x1] =	stream.indirect.gather [hbm4b:s1+s25], $0x80, s7, s25, $0xb8;
	[tilespmem:$0x1E980] =	vst v63  }
0x82: {  	s15 =	sadd.s32 s5, s14  }
0x83: {  	[tilespmem:s26], [sflag:$0x3] =	stream.linear.gather [hbm4b:s15+s4], $0x80, $0x38;
	[tilespmem:$0x1E980] =	vst v63  }
0x84: {  	_ =	swait.ge [sflag:s2], $0x80  }
0x85: {  	[sflag:s2] =	ssyncset.done $0x0  }
0x86: {  	[sflag:s2] =	ssyncadd.s32 $0xFFFFFF80  }
0x87: {  	_ =	swait.ge [sflag:s0], $0x4000  }
0x88: {  	[sflag:s0] =	ssyncset.done $0x0  }
0x89: {  	[sflag:s0] =	ssyncadd.s32 $0xFFFFC000  }
0x8a: {  	[spmem:s3] =	stream.indirect.scatter.add.f32 [tilespmem:s28], [sflag:$0x5], $0x80, s29, s25, $0xb8;
	[tilespmem:$0x1E980] =	vst v63  }
0x8b: {  	_ =	swait.ge [sflag:s23], $0x4000  }
0x8c: {  	[sflag:s23] =	ssyncset.done $0x0  }
0x8d: {  	[sflag:s23] =	ssyncadd.s32 $0xFFFFC000  }
0x8e: {  	_ =	swait.ge [sflag:s30], $0x80  }
0x8f: {  	[sflag:s30] =	ssyncset.done $0x0  }
0x90: {  	[sflag:s30] =	ssyncadd.s32 $0xFFFFFF80  }
0x91: {  	_ =	swait.ge [sflag:s31], $0x4000  }
0x92: {  	[sflag:s31] =	ssyncset.done $0x0  }
0x93: {  	[sflag:s31] =	ssyncadd.s32 $0xFFFFC000  }
0x94: {  	[spmem:s3] =	stream.indirect.scatter.add.f32 [tilespmem:s24], [sflag:$0x5], $0x80, s26, s25, $0xb8;
	[tilespmem:$0x1E980] =	vst v63  }
0x95: {  	_ =	swait.ge [sflag:s23], $0x4000  }
0x96: {  	[sflag:s23] =	ssyncset.done $0x0  }
0x97: {  	s16 =	stileid.u32;
	[sflag:s23] =	ssyncadd.s32 $0xFFFFC000  }
0x98: {  	s7 =	sshll.u32 s16, $0x6;
	[bflag:$0x0] =	sbarrier.arrive $0xFFFF  }
0x99: {  	s17 =	sshrl.u32 s8, $0x3;
	s7 =	sor.u32 $0x1C05, s7;
	s20 =	rddreg [dreg:$0x7]  }
0x9a: {  	[hbm:s20], [sflag:s7] =	dma.local [spmem:s17], $0x800  }
0x9b: {  	_ =	swait.ge [sflag:s23], $0x800  }
0x9c: {  	[sflag:s23] =	ssyncset.done $0x0  }
0x9d: {  	s15 =	sshrl.u32 s9, $0x3;
	s16 =	rddreg [dreg:$0x8];
	[sflag:s23] =	ssyncadd.s32 $0xFFFFF800  }
0x9e: {  	[hbm:s16], [sflag:s7] =	dma.local [spmem:s15], $0x800  }
0x9f: {  	_ =	swait.ge [sflag:s23], $0x800  }
0xa0: {  	[sflag:s23] =	ssyncset.done $0x0  }
0xa1: {  	s17 =	sshrl.u32 s10, $0x3;
	s20 =	rddreg [dreg:$0x9];
	[sflag:s23] =	ssyncadd.s32 $0xFFFFF800  }
0xa2: {  	[hbm:s20], [sflag:s7] =	dma.local [spmem:s17], $0x800  }
0xa3: {  	_ =	swait.ge [sflag:s23], $0x800  }
0xa4: {  	[sflag:s23] =	ssyncset.done $0x0  }
0xa5: {  	s16 =	sshrl.u32 s11, $0x3;
	s17 =	rddreg [dreg:$0xa];
	[sflag:s23] =	ssyncadd.s32 $0xFFFFF800  }
0xa6: {  	[hbm:s17], [sflag:s7] =	dma.local [spmem:s16], $0x800  }
0xa7: {  	s6 =	sadd.s32 $0x1, s6;
	_ =	swait.ge [sflag:s23], $0x800  }
0xa8: {  	p0 =	sne.s32 s6, s19;
	[sflag:s23] =	ssyncset.done $0x0  }
.Ltmp1:
0xa9: {  	s20 =	sshrl.u32 s12, $0x3;
	[sflag:s23] =	ssyncadd.s32 $0xFFFFF800;
	(pc) =	sbr.rel @p0 .LBB2_1-.Ltmp1, $4  }
0xaa: {  	[hbm:s18], [sflag:s7] =	dma.local [spmem:s20], $0x800  }
0xab: {  	_ =	swait.ge [sflag:s23], $0x800  }
0xac: {  	[sflag:s23] =	ssyncset.done $0x0  }
0xad: {  	[sflag:s23] =	ssyncadd.s32 $0xFFFFF800  }
0xae: {  	_ =	sfence.sel $0x180000  }
0xaf: {  	[bflag:$0x0] =	sbarrier.arrive $0xFFFF  }
0xb0: {  	_ =	strace $0x9000004D  }
0xb1: {  	s0 =	stileid.u32;
	[bflag:$0x2] =	sbarrier.arrive $0xFFFF  }
0xb2: {  	p0 =	sne.s32 s0, $0x0;
	s0 =	rddreg [dreg:$0x3]  }
0xb3: {  	s0 =	sadd.s32 @!p0 $0x100000, s0  }
0xb4: {  	[sflag:s0] =	ssyncadd.tile.s32 @!p0 $0x1;
	_ =	shalt  }
.Lfunc_end2:
_tile_overlayer_lowered:
.L_overlay_start_2:
0xb5: {  	(tag) =	ssettag $0x2  }
0xb6: {  	s0 =	rddreg [dreg:$0x0];
	s2 =	stileid.u32  }
0xb7: {  	s1 =	rddreg [dreg:$0x1];
	p0 =	sne.s32 s2, $0x0  }
0xb8: {  	s3 =	rddreg [dreg:$0x2];
	[bflag:$0x3] =	sbarrier.arrive $0xFFFF;
	s2 =	simm.s32 @!p0 $0x1C05  }
0xb9: {  	[timem:s3], [sflag:s2] =	dma.local @!p0 [hbm:s0], s1  }
0xba: {  	s0 =	simm.s32 @!p0 $0x5  }
0xbb: {  	_ =	swait.ge @!p0 [sflag:s0], s1  }
0xbc: {  	s1 =	ssub.s32 @!p0 $0x0, s1;
	[sflag:s0] =	ssyncset.done @!p0 $0x0  }
0xbd: {  	[sflag:s0] =	ssyncadd.s32 @!p0 s1  }
0xbe: {  	[bflag:$0x3] =	sbarrier.arrive $0xFFFF  }
0xbf: {  	_ =	shalt  }

// kernel: kernel.8.cloned.1.call-start
scs
__scs_entry_jumppad:
0x0: {  	(pc) =	sbr.rel $0x88, $3  }
0x1: {  	(tag) =	ssettag $0x0;
	lr =	simm.s32 $0x1  }
0x2: {  	[smem:$0x3F9D] =	sst lr;
	_ =	strace $0xD0000000  }
0x3: {  	_ = 	snop  }
0x4: {  	_ = 	snop  }
0x5: {  	_ = 	snop  }
0x6: {  	_ = 	snop  }
0x7: {  	_ = 	snop  }
__scs_overlays_trampoline_lowered:
0x8: {  	[smem:$0x3FAC] =	sst s0  }
0x9: {  	[smem:$0x3FAD] =	sst s1  }
0xa: {  	[smem:$0x3FAE] =	sst s2  }
0xb: {  	[smem:$0x3FAF] =	sst s3  }
0xc: {  	[smem:$0x3FB0] =	sst s4  }
0xd: {  	[smem:$0x3FB1] =	sst s5  }
0xe: {  	[smem:$0x3FB2] =	sst s6  }
0xf: {  	[smem:$0x3FB3] =	sst s7  }
0x10: {  	[smem:$0x3FB4] =	sst s8  }
0x11: {  	[smem:$0x3FB5] =	sst s9;
	s0 =	simm.s32 @!p0 $0x0  }
0x12: {  	s1 =	sld [smem:$0x3F9B];
	s0 =	simm.s32 @p0 $0x1  }
0x13: {  	[smem:$0x3FB6] =	sst s0;
	s0 =	simm.s32 @!p1 $0x0  }
0x14: {  	s2 =	sld [smem:$0x3F9A];
	s0 =	simm.s32 @p1 $0x1  }
0x15: {  	[smem:$0x3FB7] =	sst s0;
	s0 =	simm.s32 @!p2 $0x0  }
0x16: {  	s3 =	sld [smem:$0x3FDB];
	s0 =	simm.s32 @p2 $0x1  }
0x17: {  	s4 =	simm.s32 $0x1BF5;
	[smem:$0x3FB9] =	sst s0  }
0x18: {  	s0 =	sld [smem:$0x3F9C];
	_ =	swait.ge [sflag:s4], $0x0  }
0x19: {  	s7 =	sld [smem:$0x3F9D]  }
0x1a: {  	s8 =	sadd.s32 $0xFFFFE003, lr  }
0x1b: {  	s9 =	sadd.s32 $0xFFFFFEF7, lr;
	s5 =	simm.s32 $0xFFFFFFFF;
	p2 =	slt.u32 s8, $0xFFFFF086  }
0x1c: {  	p1 =	slt.u32 s9, $0xF7A;
	s5 =	simm.s32 @!p2 $0x0  }
0x1d: {  	s5 =	simm.s32 @p1 $0x1;
	p0 =	seq.s32 s7, s2  }
0x1e: {  	s7 =	smul.u32 @!p0 $0xF7A, s2;
	p2 =	seq.s32 @!p0 s5, $0x0  }
0x1f: {  	s9 =	smul.u32 $0xF7A, s1;
	s8 =	simm.s32 @!p0 $0x1BF5;
	p2 =	por !p2, p0  }
0x20: {  	[sflag:s8] =	ssyncset.s32 @!p0 $0xFFFFF086;
	s6 =	sadd.s32 @!p0 s3, s7;
	s7 =	simm.s32 @!p0 $0x108  }
0x21: {  	s3 =	sadd.s32 s3, s9;
	s6 =	sadd.s32 @!p0 $0x88, s6;
	s7 =	simm.s32 @p2 $0x1082  }
0x22: {  	[simem:s7], [sflag:s8] =	dma.local @!p0 [hbm:s6], $0xF7A  }
0x23: {  	s9 =	sor.u32 $0xD0000000, s2;
	s6 =	simm.s32 $0x108;
	_ =	swait.ge @!p0 [sflag:s8], $0x0  }
0x24: {  	s3 =	sadd.s32 $0x88, s3;
	s6 =	simm.s32 @!p1 $0x1082;
	[sflag:s4] =	ssyncset.s32 $0xFFFFF086  }
0x25: {  	[simem:s6], [sflag:s4] =	dma.local [hbm:s3], $0xF7A  }
0x26: {  	[smem:$0x3F9D] =	sst s1;
	(tag) =	ssettag s2;
	_ =	strace s9  }
0x27: {  	s1 =	sld [smem:$0x3FAD]  }
0x28: {  	s2 =	sld [smem:$0x3FAE]  }
0x29: {  	s4 =	sld [smem:$0x3FB0]  }
0x2a: {  	p0 =	seq.s32 s5, $0x0;
	s5 =	sld [smem:$0x3FB1]  }
0x2b: {  	s6 =	sld [smem:$0x3FB2]  }
0x2c: {  	s7 =	sld [smem:$0x3FB3]  }
0x2d: {  	s3 =	simm.s32 $0x108;
	s8 =	sld [smem:$0x3FB4]  }
0x2e: {  	s3 =	simm.s32 @!p0 $0x1082;
	s9 =	sld [smem:$0x3FB5]  }
0x2f: {  	lr =	sadd.s32 s0, s3;
	s0 =	sld [smem:$0x3FAC]  }
0x30: {  	s3 =	sld [smem:$0x3FAF]  }
0x31: {  	[smem:$0x3FB8] =	sst s10  }
0x32: {  	s10 =	sld [smem:$0x3FB6];
	_ =	sdelay $0x3  }
0x33: {  	p0 =	seq.s32 s10, $0x1;
	s10 =	sld [smem:$0x3FB8];
	_ =	sdelay $0x3  }
0x34: {  	[smem:$0x3FB8] =	sst s10  }
0x35: {  	s10 =	sld [smem:$0x3FB7];
	_ =	sdelay $0x3  }
0x36: {  	p1 =	seq.s32 s10, $0x1;
	s10 =	sld [smem:$0x3FB8];
	_ =	sdelay $0x3  }
0x37: {  	[smem:$0x3FB8] =	sst s10  }
0x38: {  	s10 =	sld [smem:$0x3FB9]  }
0x39: {  	_ = 	snop;
	(pc) =	sbr.ind lr, $3  }
0x3a: {  	_ = 	snop  }
0x3b: {  	_ = 	snop  }
0x3c: {  	p2 =	seq.s32 s10, $0x1;
	s10 =	sld [smem:$0x3FB8]  }
0x3d: {  	_ =	shalt  }
0x3e: {  	_ =	shalt  }
0x3f: {  	_ =	shalt  }
0x40: {  	_ =	shalt  }
0x41: {  	_ =	shalt  }
0x42: {  	_ =	shalt  }
0x43: {  	_ =	shalt  }
0x44: {  	_ =	shalt  }
0x45: {  	_ =	shalt  }
0x46: {  	_ =	shalt  }
0x47: {  	_ =	shalt  }
0x48: {  	_ =	shalt  }
0x49: {  	_ =	shalt  }
0x4a: {  	_ =	shalt  }
0x4b: {  	_ =	shalt  }
0x4c: {  	_ =	shalt  }
0x4d: {  	_ =	shalt  }
0x4e: {  	_ =	shalt  }
0x4f: {  	_ =	shalt  }
0x50: {  	_ =	shalt  }
0x51: {  	_ =	shalt  }
0x52: {  	_ =	shalt  }
0x53: {  	_ =	shalt  }
0x54: {  	_ =	shalt  }
0x55: {  	_ =	shalt  }
0x56: {  	_ =	shalt  }
0x57: {  	_ =	shalt  }
0x58: {  	_ =	shalt  }
0x59: {  	_ =	shalt  }
0x5a: {  	_ =	shalt  }
0x5b: {  	_ =	shalt  }
0x5c: {  	_ =	shalt  }
0x5d: {  	_ =	shalt  }
0x5e: {  	_ =	shalt  }
0x5f: {  	_ =	shalt  }
0x60: {  	_ =	shalt  }
0x61: {  	_ =	shalt  }
0x62: {  	_ =	shalt  }
0x63: {  	_ =	shalt  }
0x64: {  	_ =	shalt  }
0x65: {  	_ =	shalt  }
0x66: {  	_ =	shalt  }
0x67: {  	_ =	shalt  }
0x68: {  	_ =	shalt  }
0x69: {  	_ =	shalt  }
0x6a: {  	_ =	shalt  }
0x6b: {  	_ =	shalt  }
0x6c: {  	_ =	shalt  }
0x6d: {  	_ =	shalt  }
0x6e: {  	_ =	shalt  }
0x6f: {  	_ =	shalt  }
0x70: {  	_ =	shalt  }
0x71: {  	_ =	shalt  }
0x72: {  	_ =	shalt  }
0x73: {  	_ =	shalt  }
0x74: {  	_ =	shalt  }
0x75: {  	_ =	shalt  }
0x76: {  	_ =	shalt  }
0x77: {  	_ =	shalt  }
0x78: {  	_ =	shalt  }
0x79: {  	_ =	shalt  }
0x7a: {  	_ =	shalt  }
0x7b: {  	_ =	shalt  }
0x7c: {  	_ =	shalt  }
0x7d: {  	_ =	shalt  }
0x7e: {  	_ =	shalt  }
0x7f: {  	_ =	shalt  }
0x80: {  	_ =	shalt  }
0x81: {  	_ =	shalt  }
0x82: {  	_ =	shalt  }
0x83: {  	_ =	shalt  }
0x84: {  	_ =	shalt  }
0x85: {  	_ =	shalt  }
0x86: {  	_ =	shalt  }
0x87: {  	_ =	shalt  }
.Lfunc_end0:
.L_simem_size_0:
called_computation_lowered:
.L_overlay_start_0:
0x88: {  	s2 =	sld [smem:$0x3FD9]  }
0x89: {  	s3 =	sld [smem:$0x3FFE];
	_ =	sdelay $0x1  }
0x8a: {  	s1 =	srdreg.scid  }
0x8b: {  	s0 =	sand.u32 $0x1, s1  }
0x8c: {  	s17 =	sshll.u32 s0, $0xA;
	s2 =	sadd.s32 s3, s2  }
0x8d: {  	s2 =	sadd.s32 s2, s17  }
0x8e: {  	[smem:$0x3FC4] =	sst s2  }
0x8f: {  	_ = 	snop  }
0x90: {  	s2 =	sld [smem:$0x3FD0];
	(tm) =	ssettm $0x1  }
0x91: {  	s18 =	sld [smem:$0x3FFB];
	_ =	sdelay $0x3  }
0x92: {  	_ =	strace s18  }
0x93: {  	s3 =	sld [smem:$0x3FFC];
	_ =	sdelay $0x3  }
0x94: {  	_ =	strace s3  }
0x95: {  	s3 =	sld [smem:$0x3FFD];
	_ =	sdelay $0x3  }
0x96: {  	_ =	strace s3  }
0x97: {  	_ =	strace $0x8FFFFFFF  }
0x98: {  	s19 =	sld [smem:$0x3FDB];
	_ =	sdelay $0x1  }
0x99: {  	s4 =	simm.s32 $_scs_section_size  }
0x9a: {  	s5 =	simm.s32 $_size__tile_overlayer_lowered;
	s6 =	simm.s32 $_tile_overlayer_lowered  }
0x9b: {  	s22 =	simm.s32 $0x1BFF;
	s21 =	sshll.u32 s6, $0x1;
	s3 =	sadd.s32 s4, s19  }
0x9c: {  	s7 =	simm.s32 $0x0;
	s20 =	sshll.u32 s5, $0x1;
	s5 =	sadd.s32 s21, s3  }
0x9d: {  	[timem:s7], [sflag:s22] =	dma.local [hbm:s5], s20  }
0x9e: {  	_ =	swait.ge [sflag:s22], s20  }
0x9f: {  	s4 =	ssub.s32 $0x0, s20;
	[sflag:s22] =	ssyncset.done $0x0  }
0xa0: {  	[sflag:s22] =	ssyncadd.s32 s4;
	_ =	sdelay $0x1  }
0xa1: {  	s23 =	simm.s32 $0x1B8B  }
0xa2: {  	_ =	swait.ge [sflag:s23], $0x1  }
0xa3: {  	[sflag:s23] =	ssyncset.done $0x0  }
0xa4: {  	s25 =	simm.s32 $0x1B8E;
	s24 =	sld [smem:$0x3FFE];
	[sflag:s23] =	ssyncadd.s32 $0xFFFFFFFF  }
0xa5: {  	s26 =	simm.s32 $execute0_lowered;
	[smem:$0x3FD2] =	sst s25  }
0xa6: {  	s5 =	sshll.u32 s26, $0x1;
	_ =	strace $0x80000046;
	[dreg:$0x1] =	wrdreg $0xFFFFFFFF  }
0xa7: {  	s28 =	simm.s32 $_size_execute0_lowered;
	s3 =	sadd.s32 s3, s5;
	[dreg:$0x0] =	wrdreg $0x0  }
0xa8: {  	s5 =	sshll.u32 s28, $0x1;
	[dreg:$0x2] =	wrdreg s3  }
0xa9: {  	[dreg:$0x3] =	wrdreg s5  }
0xaa: {  	[dreg:$0x4] =	wrdreg $0xC0  }
0xab: {  	_ =	task [dreg:s7], $0x5FFFF  }
0xac: {  	[dreg:$0x1] =	wrdreg $0xFFFFFFFF  }
0xad: {  	[dreg:$0x0] =	wrdreg $0x60  }
0xae: {  	[dreg:$0x2] =	wrdreg s24  }
0xaf: {  	[dreg:$0x3] =	wrdreg s2  }
0xb0: {  	[dreg:$0x4] =	wrdreg $0x0  }
0xb1: {  	[dreg:$0x5] =	wrdreg $0x9  }
0xb2: {  	_ =	task.clear_ibuf [dreg:s7], $0x6FFFF;
	_ =	strace $0x90000046  }
0xb3: {  	s29 =	simm.s32 $0x9;
	_ =	strace $0x80000048  }
0xb4: {  	_ =	swait.ge [sflag:s29], $0x1  }
0xb5: {  	[sflag:s29] =	ssyncadd.s32 $0xFFFFFFFF  }
0xb6: {  	_ =	strace $0x90000048  }
0xb7: {  	_ =	sfence  }
0xb8: {  	s30 =	sld [smem:$0x0];
	_ =	sdelay $0x2  }
0xb9: {  	s31 =	sshll.u32 s1, $0xD;
	s1 =	sshrl.u32 s1, $0x2  }
0xba: {  	s3 =	sand.u32 $0x4000, s31;
	s1 =	sadd.s32 s1, s30  }
0xbb: {  	s0 =	sor.u32 s3, s0;
	s1 =	sshll.u32 s1, $0x11  }
0xbc: {  	s0 =	sor.u32 s1, s0  }
0xbd: {  	s0 =	sadd.s32 $0x8F2B, s0  }
0xbe: {  	[sflag:s0] =	ssyncadd.remote.s32 $0x1  }
0xbf: {  	_ =	sfence.sel $0xFFFF  }
0xc0: {  	[dreg:$0x0] =	wrdreg $0xFFFFFFFF;
	(pc) =	sbr.abs _section_cstart, $3  }
0xc1: {  	[dreg:$0x1] =	wrdreg $0xFFFFFFFF  }
0xc2: {  	_ =	task.clear_ibuf [dreg:s7], $0x2FFFF;
	_ =	strace $0x9FFFFFFF  }
0xc3: {  	(tm) =	ssettm $0x7FFFFFFF  }
tec
execute0_lowered:
.L_overlay_start_1:
0x0: {  	(tag) =	ssettag $0x1  }
0x1: {  	s0 =	rddreg [dreg:$0x0]  }
0x2: {  	s2 =	rddreg [dreg:$0x2];
	s4 =	simm.s32 $0x0  }
0x3: {  	s1 =	srdreg.scid;
	s3 =	stileid.u32;
	s28 =	simm.s32 $0x80  }
0x4: {  	s29 =	simm.s32 $0x2;
	s30 =	simm.s32 $0x0;
	[smem:$0x7FF] =	sst s4  }
0x5: {  	s1 =	sand.u32 $0x1, s1;
	s5 =	sadd.s32 $0x2600, s0;
	s11 =	smul.u32 $0x280, s3  }
0x6: {  	s6 =	sadd.s32 $0xC800, s0;
	s9 =	smul.u32 $0x50000, s3;
	s0 =	sadd.s32 $0xD000, s0  }
0x7: {  	_ =	strace $0x80000047;
	s7 =	ssub.s32 $0x2, s1;
	s17 =	smul.u32 $0x2800, s1  }
0x8: {  	[dreg:$0x4] =	wrdreg s6;
	s20 =	sshll.u32 s1, $0x4;
	s1 =	smul.u32 $0x28800, s1  }
0x9: {  	s8 =	sshrl.u32 s7, $0x1;
	s21 =	sshrl.u32 s9, $0x2;
	s13 =	sadd.s32 $0x80, s11  }
0xa: {  	s14 =	sadd.s32 $0x100, s11;
	s16 =	sadd.s32 $0x180, s11;
	s19 =	sadd.s32 $0x200, s11  }
0xb: {  	s18 =	ssub.s32 s7, s8;
	s7 =	sor.u32 s3, s20;
	s22 =	sshll.u32 s13, $0x7  }
0xc: {  	s23 =	sshll.u32 s14, $0x7;
	s10 =	sshll.u32 s16, $0x7;
	s15 =	sshll.u32 s19, $0x7  }
0xd: {  	s20 =	sadd.s32 s11, s17;
	s13 =	sadd.s32 s17, s13;
	s14 =	sadd.s32 s17, s14  }
0xe: {  	s16 =	sadd.s32 s17, s16;
	s17 =	sadd.s32 s17, s19;
	s12 =	smul.u32 $0x2880, s7  }
0xf: {  	s7 =	sadd.s32 s21, s2;
	s8 =	sadd.s32 s22, s2;
	s9 =	sadd.s32 s23, s2  }
0x10: {  	s10 =	sadd.s32 s10, s2;
	s11 =	sadd.s32 s15, s2;
	s24 =	sshll.u32 s20, $0x4  }
0x11: {  	s25 =	sshll.u32 s13, $0x4;
	s21 =	sshll.u32 s14, $0x4;
	s22 =	smul.u32 $0x2880, s3  }
0x12: {  	s16 =	sshll.u32 s16, $0x4;
	s17 =	sshll.u32 s17, $0x4;
	s18 =	smax.u32 s18, $0x1  }
0x13: {  	s23 =	simm.s32 $0x6900;
	s13 =	sadd.s32 s0, s24;
	s14 =	sadd.s32 s0, s25  }
0x14: {  	s15 =	sadd.s32 s0, s21;
	s16 =	sadd.s32 s0, s16;
	s17 =	sadd.s32 s0, s17  }
0x15: {  	s21 =	simm.s32 $0x2900;
	s24 =	simm.s32 $0x2800;
	s1 =	sadd.s32 s22, s1  }
0x16: {  	s25 =	simm.s32 $0x2880;
	s12 =	sshrl.u32 s12, $0x3;
	s26 =	sadd.s32 $0x80, s1  }
0x17: {  	s22 =	simm.s32 $0x3;
	s12 =	sadd.s32 s5, s12;
	s31 =	sshrl.u32 s26, $0x3  }
0x18: {  	s19 =	sadd.s32 $0x100, s1;
	s26 =	simm.s32 $0x1;
	s20 =	sadd.s32 s31, s5  }
.LBB2_1:
0x19: {  	s0 =	rddreg [dreg:$0x1]  }
0x1a: {  	[tilespmem:s21], [sflag:$0x3] =	stream.linear.gather [hbm4b:s0+s4], $0x4000, $0x38;
	[tilespmem:$0xA900] =	vst v63  }
0x1b: {  	_ =	swait.ge [sflag:s22], $0x4000  }
0x1c: {  	[sflag:s22] =	ssyncset.done $0x0  }
0x1d: {  	s1 =	rddreg [dreg:$0x4];
	[sflag:s22] =	ssyncadd.s32 $0xFFFFC000  }
0x1e: {  	[tilespmem:s23], [sflag:$0x3] =	stream.linear.gather [hbm4b:s1+s4], $0x4000, $0x38;
	[tilespmem:$0xA900] =	vst v63  }
0x1f: {  	_ =	swait.ge [sflag:s22], $0x4000  }
0x20: {  	[sflag:s22] =	ssyncset.done $0x0  }
0x21: {  	[sflag:s22] =	ssyncadd.s32 $0xFFFFC000  }
0x22: {  	[spmem:s7] =	stream.linear.scatter [tilespmem:s23], [sflag:$0x3], $0x4000, $0x38;
	[tilespmem:$0xA900] =	vst v63  }
0x23: {  	_ =	swait.ge [sflag:s22], $0x4000  }
0x24: {  	[sflag:s22] =	ssyncset.done $0x0  }
0x25: {  	[sflag:s22] =	ssyncadd.s32 $0xFFFFC000  }
0x26: {  	[spmem:s8] =	stream.linear.scatter [tilespmem:s23], [sflag:$0x3], $0x4000, $0x38;
	[tilespmem:$0xA900] =	vst v63  }
0x27: {  	_ =	swait.ge [sflag:s22], $0x4000  }
0x28: {  	[sflag:s22] =	ssyncset.done $0x0  }
0x29: {  	[sflag:s22] =	ssyncadd.s32 $0xFFFFC000  }
0x2a: {  	[spmem:s9] =	stream.linear.scatter [tilespmem:s23], [sflag:$0x3], $0x4000, $0x38;
	[tilespmem:$0xA900] =	vst v63  }
0x2b: {  	_ =	swait.ge [sflag:s22], $0x4000  }
0x2c: {  	[sflag:s22] =	ssyncset.done $0x0  }
0x2d: {  	[sflag:s22] =	ssyncadd.s32 $0xFFFFC000  }
0x2e: {  	[spmem:s10] =	stream.linear.scatter [tilespmem:s23], [sflag:$0x3], $0x4000, $0x38;
	[tilespmem:$0xA900] =	vst v63  }
0x2f: {  	_ =	swait.ge [sflag:s22], $0x4000  }
0x30: {  	[sflag:s22] =	ssyncset.done $0x0  }
0x31: {  	[sflag:s22] =	ssyncadd.s32 $0xFFFFC000  }
0x32: {  	[spmem:s11] =	stream.linear.scatter [tilespmem:s23], [sflag:$0x3], $0x4000, $0x38;
	[tilespmem:$0xA900] =	vst v63  }
0x33: {  	_ =	swait.ge [sflag:s22], $0x4000  }
0x34: {  	[sflag:s22] =	ssyncset.done $0x0  }
0x35: {  	[sflag:s22] =	ssyncadd.s32 $0xFFFFC000  }
0x36: {  	[bflag:$0x0] =	sbarrier.arrive $0xFFFF  }
0x37: {  	[tilespmem:s24], [sflag:$0x1] =	stream.linear.gather [hbm4b:s12+s4], $0x80, $0x38;
	[tilespmem:$0xA900] =	vst v63  }
0x38: {  	s3 =	sadd.s32 $0x0, s20  }
0x39: {  	[tilespmem:s25], [sflag:$0x2] =	stream.linear.gather [hbm4b:s3+s4], $0x80, $0x38;
	[tilespmem:$0xA900] =	vst v63  }
0x3a: {  	_ =	swait.ge [sflag:s26], $0x80  }
0x3b: {  	[sflag:s26] =	ssyncset.done $0x0  }
0x3c: {  	[sflag:s26] =	ssyncadd.s32 $0xFFFFFF80  }
0x3d: {  	[spmem:s2] =	stream.indirect.scatter.add.f32 [tilespmem:s21], [sflag:$0x3], $0x10, s24, s28, $0xb8;
	[tilespmem:$0xA900] =	vst v63  }
0x3e: {  	_ =	swait.ge [sflag:s22], $0x800  }
0x3f: {  	s6 =	sshrl.u32 s19, $0x3;
	[sflag:s22] =	ssyncset.done $0x0  }
0x40: {  	s0 =	sadd.s32 s5, s6;
	[sflag:s22] =	ssyncadd.s32 $0xFFFFF800  }
0x41: {  	[tilespmem:s24], [sflag:$0x1] =	stream.linear.gather [hbm4b:s0+s4], $0x80, $0x38;
	[tilespmem:$0xA900] =	vst v63  }
0x42: {  	_ =	swait.ge [sflag:s29], $0x80  }
0x43: {  	[sflag:s29] =	ssyncset.done $0x0  }
0x44: {  	[sflag:s29] =	ssyncadd.s32 $0xFFFFFF80  }
0x45: {  	[spmem:s2] =	stream.indirect.scatter.add.f32 [tilespmem:s21], [sflag:$0x3], $0x10, s25, s28, $0xb8;
	[tilespmem:$0xA900] =	vst v63  }
0x46: {  	s31 =	sadd.s32 $0x100, s19;
	_ =	swait.ge [sflag:s22], $0x800  }
0x47: {  	s1 =	simm.s32 $0x40;
	s0 =	simm.s32 $0x20;
	[sflag:s22] =	ssyncset.done $0x0  }
.LBB2_2:
0x48: {  	s3 =	sadd.s32 s0, s20  }
0x49: {  	[sflag:s22] =	ssyncadd.s32 $0xFFFFF800;
	s0 =	smov.u32 s1;
	s6 =	sadd.s32 $0x20, s1  }
0x4a: {  	[tilespmem:s25], [sflag:$0x2] =	stream.linear.gather [hbm4b:s3+s4], $0x80, $0x38;
	[tilespmem:$0xA900] =	vst v63  }
0x4b: {  	p0 =	sne.s32 s1, $0x4E0;
	_ =	swait.ge [sflag:s26], $0x80  }
0x4c: {  	[sflag:s26] =	ssyncset.done $0x0  }
0x4d: {  	[sflag:s26] =	ssyncadd.s32 $0xFFFFFF80  }
0x4e: {  	[spmem:s2] =	stream.indirect.scatter.add.f32 [tilespmem:s21], [sflag:$0x3], $0x10, s24, s28, $0xb8;
	[tilespmem:$0xA900] =	vst v63  }
0x4f: {  	_ =	swait.ge [sflag:s22], $0x800  }
0x50: {  	s1 =	sshrl.u32 s31, $0x3;
	[sflag:s22] =	ssyncset.done $0x0  }
0x51: {  	s1 =	sadd.s32 s5, s1;
	[sflag:s22] =	ssyncadd.s32 $0xFFFFF800  }
0x52: {  	[tilespmem:s24], [sflag:$0x1] =	stream.linear.gather [hbm4b:s1+s4], $0x80, $0x38;
	[tilespmem:$0xA900] =	vst v63  }
0x53: {  	_ =	swait.ge [sflag:s29], $0x80  }
.Ltmp0:
0x54: {  	[sflag:s29] =	ssyncset.done $0x0;
	(pc) =	sbr.rel @p0 .LBB2_2-.Ltmp0, $4  }
0x55: {  	[sflag:s29] =	ssyncadd.s32 $0xFFFFFF80  }
0x56: {  	[spmem:s2] =	stream.indirect.scatter.add.f32 [tilespmem:s21], [sflag:$0x3], $0x10, s25, s28, $0xb8;
	[tilespmem:$0xA900] =	vst v63  }
0x57: {  	_ =	swait.ge [sflag:s22], $0x800  }
0x58: {  	s31 =	sadd.s32 $0x100, s31;
	s1 =	smov.u32 s6;
	[sflag:s22] =	ssyncset.done $0x0  }
0x59: {  	s0 =	sadd.s32 s0, s20;
	[sflag:s22] =	ssyncadd.s32 $0xFFFFF800  }
0x5a: {  	[tilespmem:s25], [sflag:$0x2] =	stream.linear.gather [hbm4b:s0+s4], $0x80, $0x38;
	[tilespmem:$0xA900] =	vst v63  }
0x5b: {  	_ =	swait.ge [sflag:s26], $0x80  }
0x5c: {  	[sflag:s26] =	ssyncset.done $0x0  }
0x5d: {  	[sflag:s26] =	ssyncadd.s32 $0xFFFFFF80  }
0x5e: {  	[spmem:s2] =	stream.indirect.scatter.add.f32 [tilespmem:s21], [sflag:$0x3], $0x10, s24, s28, $0xb8;
	[tilespmem:$0xA900] =	vst v63  }
0x5f: {  	_ =	swait.ge [sflag:s22], $0x800  }
0x60: {  	s3 =	sshrl.u32 s31, $0x3;
	[sflag:s22] =	ssyncset.done $0x0  }
0x61: {  	s0 =	sadd.s32 s5, s3;
	[sflag:s22] =	ssyncadd.s32 $0xFFFFF800  }
0x62: {  	[tilespmem:s24], [sflag:$0x1] =	stream.linear.gather [hbm4b:s0+s4], $0x80, $0x38;
	[tilespmem:$0xA900] =	vst v63  }
0x63: {  	_ =	swait.ge [sflag:s29], $0x80  }
0x64: {  	[sflag:s29] =	ssyncset.done $0x0  }
0x65: {  	[sflag:s29] =	ssyncadd.s32 $0xFFFFFF80  }
0x66: {  	[spmem:s2] =	stream.indirect.scatter.add.f32 [tilespmem:s21], [sflag:$0x3], $0x10, s25, s28, $0xb8;
	[tilespmem:$0xA900] =	vst v63  }
0x67: {  	_ =	swait.ge [sflag:s22], $0x800  }
0x68: {  	[sflag:s22] =	ssyncset.done $0x0  }
0x69: {  	[sflag:s22] =	ssyncadd.s32 $0xFFFFF800  }
0x6a: {  	_ =	swait.ge [sflag:s26], $0x80  }
0x6b: {  	[sflag:s26] =	ssyncset.done $0x0  }
0x6c: {  	[sflag:s26] =	ssyncadd.s32 $0xFFFFFF80  }
0x6d: {  	[spmem:s2] =	stream.indirect.scatter.add.f32 [tilespmem:s21], [sflag:$0x3], $0x10, s24, s28, $0xb8;
	[tilespmem:$0xA900] =	vst v63  }
0x6e: {  	_ =	swait.ge [sflag:s22], $0x800  }
0x6f: {  	s6 =	stileid.u32;
	[sflag:s22] =	ssyncset.done $0x0  }
0x70: {  	s0 =	sshll.u32 s6, $0x6;
	[sflag:s22] =	ssyncadd.s32 $0xFFFFF800  }
0x71: {  	s1 =	sshrl.u32 s7, $0x3;
	s0 =	sor.u32 $0x1C03, s0;
	[bflag:$0x0] =	sbarrier.arrive $0xFFFF  }
0x72: {  	[hbm:s13], [sflag:s0] =	dma.local [spmem:s1], $0x800  }
0x73: {  	_ =	swait.ge [sflag:s22], $0x800  }
0x74: {  	[sflag:s22] =	ssyncset.done $0x0  }
0x75: {  	s31 =	sshrl.u32 s8, $0x3;
	[sflag:s22] =	ssyncadd.s32 $0xFFFFF800  }
0x76: {  	[hbm:s14], [sflag:s0] =	dma.local [spmem:s31], $0x800  }
0x77: {  	_ =	swait.ge [sflag:s22], $0x800  }
0x78: {  	[sflag:s22] =	ssyncset.done $0x0  }
0x79: {  	s3 =	sshrl.u32 s9, $0x3;
	[sflag:s22] =	ssyncadd.s32 $0xFFFFF800  }
0x7a: {  	[hbm:s15], [sflag:s0] =	dma.local [spmem:s3], $0x800  }
0x7b: {  	_ =	swait.ge [sflag:s22], $0x800  }
0x7c: {  	[sflag:s22] =	ssyncset.done $0x0  }
0x7d: {  	s6 =	sshrl.u32 s10, $0x3;
	[sflag:s22] =	ssyncadd.s32 $0xFFFFF800  }
0x7e: {  	[hbm:s16], [sflag:s0] =	dma.local [spmem:s6], $0x800  }
0x7f: {  	s30 =	sadd.s32 $0x1, s30;
	_ =	swait.ge [sflag:s22], $0x800  }
0x80: {  	p0 =	sne.s32 s30, s18;
	[sflag:s22] =	ssyncset.done $0x0  }
.Ltmp1:
0x81: {  	s31 =	sshrl.u32 s11, $0x3;
	[sflag:s22] =	ssyncadd.s32 $0xFFFFF800;
	(pc) =	sbr.rel @p0 .LBB2_1-.Ltmp1, $4  }
0x82: {  	[hbm:s17], [sflag:s0] =	dma.local [spmem:s31], $0x800  }
0x83: {  	_ =	swait.ge [sflag:s22], $0x800  }
0x84: {  	[sflag:s22] =	ssyncset.done $0x0  }
0x85: {  	[sflag:s22] =	ssyncadd.s32 $0xFFFFF800  }
0x86: {  	_ =	sfence.sel $0x180000  }
0x87: {  	[bflag:$0x0] =	sbarrier.arrive $0xFFFF  }
0x88: {  	_ =	strace $0x90000047  }
0x89: {  	s0 =	stileid.u32;
	[bflag:$0x2] =	sbarrier.arrive $0xFFFF  }
0x8a: {  	p0 =	sne.s32 s0, $0x0;
	s0 =	rddreg [dreg:$0x3]  }
0x8b: {  	s0 =	sadd.s32 @!p0 $0x100000, s0  }
0x8c: {  	[sflag:s0] =	ssyncadd.tile.s32 @!p0 $0x1;
	_ =	shalt  }
.Lfunc_end2:
_tile_overlayer_lowered:
.L_overlay_start_2:
0x8d: {  	(tag) =	ssettag $0x2  }
0x8e: {  	s0 =	rddreg [dreg:$0x0];
	s2 =	stileid.u32  }
0x8f: {  	s1 =	rddreg [dreg:$0x1];
	p0 =	sne.s32 s2, $0x0  }
0x90: {  	s3 =	rddreg [dreg:$0x2];
	[bflag:$0x3] =	sbarrier.arrive $0xFFFF;
	s2 =	simm.s32 @!p0 $0x1C03  }
0x91: {  	[timem:s3], [sflag:s2] =	dma.local @!p0 [hbm:s0], s1  }
0x92: {  	s0 =	simm.s32 @!p0 $0x3  }
0x93: {  	_ =	swait.ge @!p0 [sflag:s0], s1  }
0x94: {  	s1 =	ssub.s32 @!p0 $0x0, s1;
	[sflag:s0] =	ssyncset.done @!p0 $0x0  }
0x95: {  	[sflag:s0] =	ssyncadd.s32 @!p0 s1  }
0x96: {  	[bflag:$0x3] =	sbarrier.arrive $0xFFFF  }
0x97: {  	_ =	shalt  }

</sc_bundles>
